<compile_context>
chip_gen: v7x
topology: tpu7x:2x2x1
jax: 0.10.2.dev20260603
libtpu: 0.0.44.dev20260713+nightly
codegen_flags: <defaults>
</compile_context>

<pallas_src>
import functools

import jax
import jax.numpy as jnp
from jax import lax
from jax.experimental import pallas as pl
from jax.experimental.pallas import tpu as pltpu
from jax.experimental.pallas import tpu_sc as plsc

D = 1024
M = 4096
BATCH = 4
KSEL = 512
NQ = 16
NH = 16
DH = 64
MLPD = 4096
D4 = 256
AWR = 32
MB = 1024
IB = 512
JB = 1024
EPS = 1e-5

_SC_CORES = 2
_SC_SUBCORES = 16
_SC_WORKERS = _SC_CORES * _SC_SUBCORES
_ROWS_PER_W = (BATCH * KSEL) // _SC_WORKERS


def _gelu(x):
    return 0.5 * x * (1.0 + lax.erf(x * 0.7071067811865476))


def _ln(x, g, b):
    mu = jnp.mean(x, axis=-1, keepdims=True)
    xc = x - mu
    var = jnp.mean(xc * xc, axis=-1, keepdims=True)
    return xc / jnp.sqrt(var + EPS) * g + b


def _mlp1_body(tok_ref, w1t_ref, b1_ref, hid_ref):
    tok = tok_ref[0]
    hid_ref[0] = jnp.dot(tok.astype(jnp.bfloat16),
                         w1t_ref[...].astype(jnp.bfloat16),
                         preferred_element_type=jnp.float32) + b1_ref[...]


def _mlp1(tokens, w1t, b1):
    return pl.pallas_call(
        _mlp1_body,
        grid=(BATCH, M // MB),
        in_specs=[
            pl.BlockSpec((1, MB, D), lambda b, m: (b, m, 0)),
            pl.BlockSpec((D, D4), lambda b, m: (0, 0)),
            pl.BlockSpec((1, D4), lambda b, m: (0, 0)),
        ],
        out_specs=pl.BlockSpec((1, MB, D4), lambda b, m: (b, m, 0)),
        out_shape=jax.ShapeDtypeStruct((BATCH, M, D4), jnp.float32),
    )(tokens, w1t, b1)


def _imp_body(hid_ref, aw_ref, maskf_ref, w2t_ref, b2_ref, imp_ref, comp_ref):
    hid = hid_ref[0]
    logit = jnp.dot(hid.astype(jnp.bfloat16), w2t_ref[...].astype(jnp.bfloat16),
                    preferred_element_type=jnp.float32) + b2_ref[...]
    imp = jax.nn.sigmoid(logit)
    cov = jnp.max(aw_ref[0], axis=1, keepdims=True)
    comp = imp * (1.0 - cov)
    comp = jnp.where(maskf_ref[0] > 0.0, comp, -jnp.inf)
    imp_ref[0] = imp
    comp_ref[0] = comp


def _importance(hid, aw_c, maskf, w2t, b2):
    grid = (BATCH, M // MB)
    return pl.pallas_call(
        _imp_body,
        grid=grid,
        in_specs=[
            pl.BlockSpec((1, MB, D4), lambda b, m: (b, m, 0)),
            pl.BlockSpec((1, MB, AWR), lambda b, m: (b, m, 0)),
            pl.BlockSpec((1, MB, 1), lambda b, m: (b, m, 0)),
            pl.BlockSpec((D4, 1), lambda b, m: (0, 0)),
            pl.BlockSpec((1, 1), lambda b, m: (0, 0)),
        ],
        out_specs=[
            pl.BlockSpec((1, MB, 1), lambda b, m: (b, m, 0)),
            pl.BlockSpec((1, MB, 1), lambda b, m: (b, m, 0)),
        ],
        out_shape=[
            jax.ShapeDtypeStruct((BATCH, M, 1), jnp.float32),
            jax.ShapeDtypeStruct((BATCH, M, 1), jnp.float32),
        ],
    )(hid, aw_c, maskf, w2t, b2)


def _topk_body(compr_ref, compc_ref, sel_ref, gidx_ref):
    b = pl.program_id(0)
    vr = compr_ref[0]
    vc = compc_ref[0]
    jj = lax.broadcasted_iota(jnp.int32, (1, M), 1)
    pp = lax.broadcasted_iota(jnp.int32, (1, KSEL), 1)
    sel_acc = jnp.zeros((1, KSEL), jnp.int32)
    for ib in range(M // IB):
        vi = vc[ib * IB:(ib + 1) * IB, :]
        ii = lax.broadcasted_iota(jnp.int32, (IB, 1), 0) + ib * IB
        better = jnp.logical_or(
            vr > vi, jnp.logical_and(vr == vi, jj < ii))
        cnt = jnp.sum(better.astype(jnp.int32), axis=1, keepdims=True)
        match = cnt == pp
        sel_acc = sel_acc + jnp.sum(
            jnp.where(match, ii, 0), axis=0, keepdims=True)
    sel_ref[0] = sel_acc
    gidx_ref[0] = sel_acc + b * M


def _topk(compr, compc):
    return pl.pallas_call(
        _topk_body,
        grid=(BATCH,),
        in_specs=[
            pl.BlockSpec((1, 1, M), lambda b: (b, 0, 0)),
            pl.BlockSpec((1, M, 1), lambda b: (b, 0, 0)),
        ],
        out_specs=[
            pl.BlockSpec((1, 1, KSEL), lambda b: (b, 0, 0)),
            pl.BlockSpec((1, 1, KSEL), lambda b: (b, 0, 0)),
        ],
        out_shape=[
            jax.ShapeDtypeStruct((BATCH, 1, KSEL), jnp.int32),
            jax.ShapeDtypeStruct((BATCH, 1, KSEL), jnp.int32),
        ],
    )(compr, compc)


def _sc_gather(tokens_flat, gidx):
    mesh = plsc.VectorSubcoreMesh(core_axis_name="c", subcore_axis_name="s")

    @functools.partial(
        pl.kernel,
        mesh=mesh,
        out_type=jax.ShapeDtypeStruct((BATCH * KSEL, D), jnp.float32),
        scratch_types=[
            pltpu.VMEM((_ROWS_PER_W,), jnp.int32),
            pltpu.VMEM((_ROWS_PER_W, D), jnp.float32),
            pltpu.SemaphoreType.DMA,
        ],
    )
    def k(tok_hbm, gidx_hbm, out_hbm, idx_v, rows_v, sem):
        wid = lax.axis_index("s") * _SC_CORES + lax.axis_index("c")
        base = wid * _ROWS_PER_W
        pltpu.sync_copy(gidx_hbm.at[pl.ds(base, _ROWS_PER_W)], idx_v)
        pltpu.async_copy(tok_hbm.at[idx_v], rows_v, sem).wait()
        pltpu.sync_copy(rows_v, out_hbm.at[pl.ds(base, _ROWS_PER_W)])

    return k(tokens_flat, gidx)


_NT = (((1,), (1,)), ((), ()))


def _attn_body(q_ref, kv_ref, vecs_ref, inw_ref, wo_ref, q1_ref):
    x = q_ref[...]
    kv = kv_ref[...]
    vecs = vecs_ref[...]
    qn = _ln(x, vecs[0:1], vecs[1:2])
    kvn = _ln(kv, vecs[2:3], vecs[3:4])
    wq = inw_ref[0:D, :]
    wk = inw_ref[D:2 * D, :]
    wv = inw_ref[2 * D:3 * D, :]
    bf = jnp.bfloat16
    qp = lax.dot_general(qn.astype(bf), wq.astype(bf), _NT,
                         preferred_element_type=jnp.float32) + vecs[4:5]
    kp = lax.dot_general(kvn.astype(bf), wk.astype(bf), _NT,
                         preferred_element_type=jnp.float32) + vecs[5:6]
    vp = lax.dot_general(kv.astype(bf), wv.astype(bf), _NT,
                         preferred_element_type=jnp.float32) + vecs[6:7]
    rows = []
    for b in range(BATCH):
        qb = slice(b * NQ, (b + 1) * NQ)
        kb = slice(b * KSEL, (b + 1) * KSEL)
        outs = []
        for h in range(NH):
            sl = slice(h * DH, (h + 1) * DH)
            qh = qp[qb, sl]
            kh = kp[kb, sl]
            vh = vp[kb, sl]
            sc = lax.dot_general(qh.astype(bf), kh.astype(bf), _NT,
                                 preferred_element_type=jnp.float32) * 0.125
            m = jnp.max(sc, axis=1, keepdims=True)
            e = jnp.exp(sc - m)
            a = e / jnp.sum(e, axis=1, keepdims=True)
            outs.append(lax.dot_general(
                a.astype(bf), vh.astype(bf), (((1,), (0,)), ((), ())),
                preferred_element_type=jnp.float32))
        rows.append(jnp.concatenate(outs, axis=1))
    ao = jnp.concatenate(rows, axis=0)
    o = lax.dot_general(ao.astype(bf), wo_ref[...].astype(bf), _NT,
                        preferred_element_type=jnp.float32) + vecs[7:8]
    q1_ref[...] = x + o


def _attn(q, kv, vecs, inw, wo):
    return pl.pallas_call(
        _attn_body,
        in_specs=[
            pl.BlockSpec((BATCH * NQ, D), lambda: (0, 0)),
            pl.BlockSpec((BATCH * KSEL, D), lambda: (0, 0)),
            pl.BlockSpec((8, D), lambda: (0, 0)),
            pl.BlockSpec((3 * D, D), lambda: (0, 0)),
            pl.BlockSpec((D, D), lambda: (0, 0)),
        ],
        out_specs=pl.BlockSpec((BATCH * NQ, D), lambda: (0, 0)),
        out_shape=jax.ShapeDtypeStruct((BATCH * NQ, D), jnp.float32),
    )(q, kv, vecs, inw, wo)


def _ffn_body(x_ref, lnv_ref, f1_ref, f1b_ref, f2_ref, f2b_ref, out_ref,
              hm_s, acc_s, *, final_ln):
    j = pl.program_id(0)

    @pl.when(j == 0)
    def _():
        lnv = lnv_ref[...]
        hm_s[...] = _ln(x_ref[...], lnv[0:1], lnv[1:2])
        acc_s[...] = jnp.zeros_like(acc_s)

    h = lax.dot_general(hm_s[...].astype(jnp.bfloat16),
                        f1_ref[...].astype(jnp.bfloat16), _NT,
                        preferred_element_type=jnp.float32)
    h = _gelu(h + f1b_ref[...])
    acc_s[...] += lax.dot_general(h.astype(jnp.bfloat16),
                                  f2_ref[...].astype(jnp.bfloat16), _NT,
                                  preferred_element_type=jnp.float32)

    @pl.when(j == MLPD // JB - 1)
    def _():
        out = x_ref[...] + acc_s[...] + f2b_ref[...]
        if final_ln:
            lnv = lnv_ref[...]
            out = _ln(out, lnv[2:3], lnv[3:4])
        out_ref[...] = out


def _ffn(x, lnv, f1, f1b, f2, f2b, final_ln):
    bq = BATCH * NQ
    return pl.pallas_call(
        functools.partial(_ffn_body, final_ln=final_ln),
        grid=(MLPD // JB,),
        in_specs=[
            pl.BlockSpec((bq, D), lambda j: (0, 0)),
            pl.BlockSpec((4, D), lambda j: (0, 0)),
            pl.BlockSpec((JB, D), lambda j: (j, 0)),
            pl.BlockSpec((1, JB), lambda j: (0, j)),
            pl.BlockSpec((D, JB), lambda j: (0, j)),
            pl.BlockSpec((1, D), lambda j: (0, 0)),
        ],
        out_specs=pl.BlockSpec((bq, D), lambda j: (0, 0)),
        out_shape=jax.ShapeDtypeStruct((bq, D), jnp.float32),
        scratch_shapes=[
            pltpu.VMEM((bq, D), jnp.float32),
            pltpu.VMEM((bq, D), jnp.float32),
        ],
    )(x, lnv, f1, f1b, f2, f2b)


def kernel(tokens, attention_weights, mask, params):
    aw_c = attention_weights.transpose(1, 3, 0, 2).reshape(BATCH, M, AWR)
    maskf = mask.astype(jnp.float32)[..., None]
    w1t = params['imp_w1'].T
    b1 = params['imp_b1'][None]
    w2t = params['imp_w2'].T
    b2 = params['imp_b2'][None]

    hid_pre = _mlp1(tokens, w1t, b1)
    hid = jax.nn.gelu(hid_pre, approximate=False)
    imp3, comp3 = _importance(hid, aw_c, maskf, w2t, b2)
    importance = imp3[..., 0]

    compr = comp3.reshape(BATCH, 1, M)
    sel3, gidx3 = _topk(compr, comp3)
    selected_indices = sel3[:, 0, :]

    sel_tokens_flat = _sc_gather(tokens.reshape(BATCH * M, D),
                                 gidx3.reshape(BATCH * KSEL))

    x = jnp.broadcast_to(
        (params['detail_queries'] + params['detail_pos'])[None],
        (BATCH, NQ, D)).reshape(BATCH * NQ, D)

    n_layers = len(params['layers'])
    for li, p in enumerate(params['layers']):
        bq_, bk_, bv_ = jnp.split(p['in_b'], 3)
        vecs = jnp.stack([p['nq_g'], p['nq_b'], p['nkv_g'], p['nkv_b'],
                          bq_, bk_, bv_, p['out_b']])
        x = _attn(x, sel_tokens_flat, vecs, p['in_w'], p['out_w'])
        lnv = jnp.stack([p['nffn_g'], p['nffn_b'],
                         params['on_g'], params['on_b']])
        x = _ffn(x, lnv, p['f1_w'], p['f1_b'][None], p['f2_w'],
                 p['f2_b'][None], final_ln=(li == n_layers - 1))

    return x.reshape(BATCH, NQ, D), importance, selected_indices

# --- scband reference (transcript-rebuilt; emitter-appended) ---
"""Pipeline reference for scband-adaptive-detail-mining-69544110457433 (READ-ONLY COPY).

The authoritative reference and input builder live on the scoring server;
editing this copy changes nothing except your own understanding.
"""

import jax, jax.numpy as jnp
import numpy as np

D_MODEL = 1024
N_QUERIES = 16
K_SELECT = 512
N_HEADS = 16
N_LAYERS = 2
B = 4
M = 4096
N_GLOBAL = 16
L_ATTN = 2


def layer_norm(x, g, b, eps=1e-5):
    mu = x.mean(axis=-1, keepdims=True)
    var = ((x - mu) ** 2).mean(axis=-1, keepdims=True)
    return (x - mu) / jnp.sqrt(var + eps) * g + b


def make_layer_params(key, d):
    ks = jax.random.split(key, 4)
    mlp = 4 * d
    return {
        'nq_g': jnp.ones((d,), jnp.float32), 'nq_b': jnp.zeros((d,), jnp.float32),
        'nkv_g': jnp.ones((d,), jnp.float32), 'nkv_b': jnp.zeros((d,), jnp.float32),
        'in_w': (jax.random.normal(ks[0], (3 * d, d)) * 0.02).astype(jnp.float32),
        'in_b': jnp.zeros((3 * d,), jnp.float32),
        'out_w': (jax.random.normal(ks[1], (d, d)) * 0.02).astype(jnp.float32),
        'out_b': jnp.zeros((d,), jnp.float32),
        'nffn_g': jnp.ones((d,), jnp.float32), 'nffn_b': jnp.zeros((d,), jnp.float32),
        'f1_w': (jax.random.normal(ks[2], (mlp, d)) * 0.02).astype(jnp.float32),
        'f1_b': jnp.zeros((mlp,), jnp.float32),
        'f2_w': (jax.random.normal(ks[3], (d, mlp)) * 0.02).astype(jnp.float32),
        'f2_b': jnp.zeros((d,), jnp.float32),
    }


def setup_inputs(seed: int = 0) -> dict:
    key = jax.random.key(seed)
    ks = jax.random.split(key, 8)
    tokens = jax.random.normal(ks[0], (B, M, D_MODEL), dtype=jnp.float32)
    attention_weights = jax.random.uniform(ks[1], (L_ATTN, B, N_GLOBAL, M), dtype=jnp.float32)
    mask = jnp.ones((B, M), dtype=bool)
    d4 = D_MODEL // 4
    params = {
        'imp_w1': (jax.random.normal(ks[2], (d4, D_MODEL)) * 0.02).astype(jnp.float32),
        'imp_b1': jnp.zeros((d4,), jnp.float32),
        'imp_w2': (jax.random.normal(ks[3], (1, d4)) * 0.02).astype(jnp.float32),
        'imp_b2': jnp.zeros((1,), jnp.float32),
        'detail_queries': (jax.random.normal(ks[4], (N_QUERIES, D_MODEL)) * 0.02).astype(jnp.float32),
        'detail_pos': (jax.random.normal(ks[5], (N_QUERIES, D_MODEL)) * 0.02).astype(jnp.float32),
        'layers': [make_layer_params(jax.random.fold_in(ks[6], i), D_MODEL) for i in range(N_LAYERS)],
        'on_g': jnp.ones((D_MODEL,), jnp.float32),
        'on_b': jnp.zeros((D_MODEL,), jnp.float32),
    }
    return {'tokens': tokens, 'attention_weights': attention_weights, 'mask': mask, 'params': params}


def cross_attn_layer(query, key_value, p):
    d = query.shape[-1]
    h = N_HEADS
    dh = d // h
    q = layer_norm(query, p['nq_g'], p['nq_b'])
    kv = layer_norm(key_value, p['nkv_g'], p['nkv_b'])
    w_q, w_k, w_v = jnp.split(p['in_w'], 3, axis=0)
    b_q, b_k, b_v = jnp.split(p['in_b'], 3)
    qp = q @ w_q.T + b_q
    kp = kv @ w_k.T + b_k
    vp = key_value @ w_v.T + b_v  # value uses un-normed key_value, per torch module
    Bq, Q, _ = qp.shape
    K = kp.shape[1]
    qh = qp.reshape(Bq, Q, h, dh).transpose(0, 2, 1, 3)
    kh = kp.reshape(Bq, K, h, dh).transpose(0, 2, 1, 3)
    vh = vp.reshape(Bq, K, h, dh).transpose(0, 2, 1, 3)
    scores = jnp.einsum('bhqd,bhkd->bhqk', qh, kh) / jnp.sqrt(jnp.float32(dh))
    attn = jax.nn.softmax(scores, axis=-1)
    out = jnp.einsum('bhqk,bhkd->bhqd', attn, vh).transpose(0, 2, 1, 3).reshape(Bq, Q, d)
    out = out @ p['out_w'].T + p['out_b']
    query = query + out
    hm = layer_norm(query, p['nffn_g'], p['nffn_b'])
    ffn = jax.nn.gelu(hm @ p['f1_w'].T + p['f1_b'], approximate=False) @ p['f2_w'].T + p['f2_b']
    return query + ffn


def forward(tokens, attention_weights, mask, params):
    # coverage: max over global queries (dim=2), then max over layers (dim=0)
    coverage = attention_weights.max(axis=2).max(axis=0)  # [B, M]
    hid = jax.nn.gelu(tokens @ params['imp_w1'].T + params['imp_b1'], approximate=False)
    importance = jax.nn.sigmoid(hid @ params['imp_w2'].T + params['imp_b2'])[..., 0]  # [B, M]
    complementary = importance * (1.0 - coverage)
    complementary = jnp.where(mask, complementary, -jnp.inf)
    K = min(K_SELECT, tokens.shape[1])
    _, selected_indices = jax.lax.top_k(complementary, K)  # [B, K]
    selected_tokens = jnp.take_along_axis(tokens, selected_indices[:, :, None], axis=1)  # [B, K, D]
    queries = (params['detail_queries'] + params['detail_pos'])[None]
    queries = jnp.broadcast_to(queries, (tokens.shape[0], N_QUERIES, tokens.shape[2]))
    for p in params['layers']:
        queries = cross_attn_layer(queries, selected_tokens, p)
    detail_features = layer_norm(queries, params['on_g'], params['on_b'])
    return detail_features, importance, selected_indices


def reference(tokens, attention_weights, mask, params):
    return forward(tokens, attention_weights, mask, params)

if __name__ == "__main__":
    import jax
    _d = setup_inputs()
    print(jax.jit(kernel)(*tuple(_d.values())))

</pallas_src>

<mosaic_0001>
#map = affine_map<(d0, d1) -> (0, 0)>
#map1 = affine_map<(d0, d1) -> (0)>
module attributes {stable_mosaic.version = 14 : i64} {
  func.func @k(%arg0: i32, %arg1: i32, %arg2: memref<16384x1024xf32, #tpu.memory_space<hbm>>, %arg3: memref<2048xi32, #tpu.memory_space<hbm>>, %arg4: memref<2048x1024xf32, #tpu.memory_space<hbm>>, %arg5: memref<64xi32, #tpu.memory_space<vmem>>, %arg6: memref<64x1024xf32, #tpu.memory_space<vmem>>, %arg7: memref<!tpu.dma_semaphore, #tpu.memory_space<semaphore_mem>>) attributes {dimension_semantics = [#tpu.dimension_semantics<core_parallel>, #tpu.dimension_semantics<subcore_parallel>], iteration_bounds = array<i64: 2, 16>, scalar_prefetch = 0 : i64, scratch_operands = 3 : i64, tpu.core_type = #tpu.core_type<sc_vector_subcore>, window_params = [{transform_indices = #map}, {transform_indices = #map1}, {transform_indices = #map}]} {
    %mul3A = arith.constant 2 : i32
    %mul3A_0 = arith.muli %arg1, %mul3A : i32
    %add3A = arith.addi %mul3A_0, %arg0 : i32
    %mul3A_1 = arith.constant 64 : i32
    %mul3A_2 = arith.muli %add3A, %mul3A_1 : i32
    "tpu.region"() ({
      %run_scoped3A = tpu.sem_alloc : memref<!tpu.dma_semaphore, #tpu.memory_space<semaphore_mem>>
      %dma_start3A_7 = tpu.memref_slice %arg3[%mul3A_2] : memref<2048xi32, #tpu.memory_space<hbm>> -> memref<64xi32, #tpu.memory_space<hbm>>
      %dma_start3A_8 = tpu.memref_slice %arg3[%mul3A_2] : memref<2048xi32, #tpu.memory_space<hbm>> -> memref<64xi32, #tpu.memory_space<hbm>>
      tpu.enqueue_dma source(%dma_start3A_8 : memref<64xi32, #tpu.memory_space<hbm>>) target(%arg5 : memref<64xi32, #tpu.memory_space<vmem>>) target_semaphore(%run_scoped3A : memref<!tpu.dma_semaphore, #tpu.memory_space<semaphore_mem>>)
      %dma_wait3A_9 = tpu.memref_slice %arg3[%mul3A_2] : memref<2048xi32, #tpu.memory_space<hbm>> -> memref<64xi32, #tpu.memory_space<hbm>>
      %dma_wait3A_10 = tpu.memref_slice %arg3[%mul3A_2] : memref<2048xi32, #tpu.memory_space<hbm>> -> memref<64xi32, #tpu.memory_space<hbm>>
      tpu.wait_dma2 semaphore(%run_scoped3A : memref<!tpu.dma_semaphore, #tpu.memory_space<semaphore_mem>>) src(%dma_wait3A_10 : memref<64xi32, #tpu.memory_space<hbm>>) dst(%arg5 : memref<64xi32, #tpu.memory_space<vmem>>)
      tpu.yield
    }) : () -> ()
    %dma_start3A = arith.constant 0 : i32
    %dma_start3A_3 = arith.constant 0 : i32
    %dma_start3A_4 = tpu.memref_slice %arg2[%dma_start3A, %dma_start3A_3] : memref<16384x1024xf32, #tpu.memory_space<hbm>> -> memref<16384x1024xf32, #tpu.memory_space<hbm>>
    tpu.enqueue_indirect_dma source(%dma_start3A_4 : memref<16384x1024xf32, #tpu.memory_space<hbm>>) target(%arg6 : memref<64x1024xf32, #tpu.memory_space<vmem>>) offsets(%arg5 : memref<64xi32, #tpu.memory_space<vmem>>) semaphore(%arg7 : memref<!tpu.dma_semaphore, #tpu.memory_space<semaphore_mem>>)
    %dma_wait3A = arith.constant 0 : i32
    %dma_wait3A_5 = arith.constant 0 : i32
    %dma_wait3A_6 = tpu.memref_slice %arg2[%dma_wait3A, %dma_wait3A_5] : memref<16384x1024xf32, #tpu.memory_space<hbm>> -> memref<16384x1024xf32, #tpu.memory_space<hbm>>
    tpu.wait_indirect_dma semaphore(%arg7 : memref<!tpu.dma_semaphore, #tpu.memory_space<semaphore_mem>>) src(%dma_wait3A_6 : memref<16384x1024xf32, #tpu.memory_space<hbm>>) dst(%arg6 : memref<64x1024xf32, #tpu.memory_space<vmem>>)
    "tpu.region"() ({
      %run_scoped3A = tpu.sem_alloc : memref<!tpu.dma_semaphore, #tpu.memory_space<semaphore_mem>>
      %dma_start3A_7 = arith.constant 0 : i32
      %dma_start3A_8 = tpu.memref_slice %arg4[%mul3A_2, %dma_start3A_7] : memref<2048x1024xf32, #tpu.memory_space<hbm>> -> memref<64x1024xf32, #tpu.memory_space<hbm>>
      %dma_start3A_9 = arith.constant 0 : i32
      %dma_start3A_10 = tpu.memref_slice %arg4[%mul3A_2, %dma_start3A_9] : memref<2048x1024xf32, #tpu.memory_space<hbm>> -> memref<64x1024xf32, #tpu.memory_space<hbm>>
      tpu.enqueue_dma source(%arg6 : memref<64x1024xf32, #tpu.memory_space<vmem>>) target(%dma_start3A_10 : memref<64x1024xf32, #tpu.memory_space<hbm>>) target_semaphore(%run_scoped3A : memref<!tpu.dma_semaphore, #tpu.memory_space<semaphore_mem>>)
      %dma_wait3A_11 = arith.constant 0 : i32
      %dma_wait3A_12 = tpu.memref_slice %arg4[%mul3A_2, %dma_wait3A_11] : memref<2048x1024xf32, #tpu.memory_space<hbm>> -> memref<64x1024xf32, #tpu.memory_space<hbm>>
      %dma_wait3A_13 = arith.constant 0 : i32
      %dma_wait3A_14 = tpu.memref_slice %arg4[%mul3A_2, %dma_wait3A_13] : memref<2048x1024xf32, #tpu.memory_space<hbm>> -> memref<64x1024xf32, #tpu.memory_space<hbm>>
      tpu.wait_dma2 semaphore(%run_scoped3A : memref<!tpu.dma_semaphore, #tpu.memory_space<semaphore_mem>>) src(%arg6 : memref<64x1024xf32, #tpu.memory_space<vmem>>) dst(%dma_wait3A_14 : memref<64x1024xf32, #tpu.memory_space<hbm>>)
      tpu.yield
    }) : () -> ()
    return
  }
}

module attributes {stable_mosaic.version = 14 : i64} {
  func.func @_mlp1_body(%arg0: i32, %arg1: i32, %arg2: memref<1x1024x1024xf32, #tpu.memory_space<vmem>>, %arg3: memref<1024x256xf32, #tpu.memory_space<vmem>>, %arg4: memref<1x256xf32, #tpu.memory_space<vmem>>, %arg5: memref<1x1024x256xf32, #tpu.memory_space<vmem>>) attributes {dimension_semantics = [#tpu.dimension_semantics<arbitrary>, #tpu.dimension_semantics<arbitrary>], iteration_bounds = array<i64: 4, 4>, scalar_prefetch = 0 : i64, scratch_operands = 0 : i64, tpu.core_type = #tpu.core_type<tc>, window_params = [{transform_indices = @transform_0, window_bounds = array<i64: 1, 1024, 1024>}, {pipeline_mode = #tpu.pipeline_mode<synchronous>, transform_indices = @transform_1, window_bounds = array<i64: 1024, 256>}, {pipeline_mode = #tpu.pipeline_mode<synchronous>, transform_indices = @transform_2, window_bounds = array<i64: 1, 256>}, {transform_indices = @transform_3, window_bounds = array<i64: 1, 1024, 256>}]} {
    %get3A = arith.constant 0 : index
    %get3A_0 = arith.constant 0 : index
    %get3A_1 = arith.constant 0 : index
    %get3A_2 = vector.load %arg2[%get3A, %get3A_0, %get3A_1] : memref<1x1024x1024xf32, #tpu.memory_space<vmem>>, vector<1x1024x1024xf32>
    %get3A_3 = vector.shape_cast %get3A_2 : vector<1x1024x1024xf32> to vector<1024x1024xf32>
    %convert_element_type3A = arith.truncf %get3A_3 : vector<1024x1024xf32> to vector<1024x1024xbf16>
    %get3A_4 = arith.constant 0 : index
    %get3A_5 = arith.constant 0 : index
    %get3A_6 = vector.load %arg3[%get3A_4, %get3A_5] : memref<1024x256xf32, #tpu.memory_space<vmem>>, vector<1024x256xf32>
    %convert_element_type3A_7 = arith.truncf %get3A_6 : vector<1024x256xf32> to vector<1024x256xbf16>
    %dot_general3A = arith.constant dense<0.000000e+00> : vector<1024x256xf32>
    %dot_general3A_8 = tpu.matmul %convert_element_type3A, %convert_element_type3A_7, %dot_general3A {dimension_numbers = #tpu.dot_dimension_numbers<[1], [0], [0], [1], [0, 0, 1, 1], [], []>, transpose_lhs_hint = false} : vector<1024x1024xbf16>, vector<1024x256xbf16>, vector<1024x256xf32> -> vector<1024x256xf32>
    %get3A_9 = arith.constant 0 : index
    %get3A_10 = arith.constant 0 : index
    %get3A_11 = vector.load %arg4[%get3A_9, %get3A_10] : memref<1x256xf32, #tpu.memory_space<vmem>>, vector<1x256xf32>
    %add3A = vector.broadcast %get3A_11 : vector<1x256xf32> to vector<1024x256xf32>
    %add3A_12 = arith.addf %dot_general3A_8, %add3A : vector<1024x256xf32>
    %swap3A = arith.constant 0 : index
    %swap3A_13 = arith.constant 0 : index
    %swap3A_14 = arith.constant 0 : index
    %swap3A_15 = vector.load %arg5[%swap3A, %swap3A_13, %swap3A_14] : memref<1x1024x256xf32, #tpu.memory_space<vmem>>, vector<1x1024x256xf32>
    %swap3A_16 = vector.shape_cast %swap3A_15 : vector<1x1024x256xf32> to vector<1024x256xf32>
    %swap3A_17 = vector.shape_cast %add3A_12 : vector<1024x256xf32> to vector<1x1024x256xf32>
    tpu.vector_store %arg5[%swap3A, %swap3A_13, %swap3A_14], %swap3A_17 {strides = array<i32>} : memref<1x1024x256xf32, #tpu.memory_space<vmem>>, vector<1x1024x256xf32>,
    return
  }
  func.func @transform_0(%arg0: i32, %arg1: i32) -> (i32, i32, i32) {
    %c0_i32 = arith.constant 0 : i32
    %c0_i32_0 = arith.constant 0 : i32
    return %arg0, %arg1, %c0_i32 : i32, i32, i32
  }
  func.func @transform_1(%arg0: i32, %arg1: i32) -> (i32, i32) {
    %c0_i32 = arith.constant 0 : i32
    %c0_i32_0 = arith.constant 0 : i32
    %c0_i32_1 = arith.constant 0 : i32
    return %c0_i32, %c0_i32_0 : i32, i32
  }
  func.func @transform_2(%arg0: i32, %arg1: i32) -> (i32, i32) {
    %c0_i32 = arith.constant 0 : i32
    %c0_i32_0 = arith.constant 0 : i32
    %c0_i32_1 = arith.constant 0 : i32
    return %c0_i32, %c0_i32_0 : i32, i32
  }
  func.func @transform_3(%arg0: i32, %arg1: i32) -> (i32, i32, i32) {
    %c0_i32 = arith.constant 0 : i32
    %c0_i32_0 = arith.constant 0 : i32
    return %arg0, %arg1, %c0_i32 : i32, i32, i32
  }
}

module attributes {stable_mosaic.version = 14 : i64} {
  func.func @_imp_body(%arg0: i32, %arg1: i32, %arg2: memref<1x1024x256xf32, #tpu.memory_space<vmem>>, %arg3: memref<1x1024x32xf32, #tpu.memory_space<vmem>>, %arg4: memref<1x1024x1xf32, #tpu.memory_space<vmem>>, %arg5: memref<256x1xf32, #tpu.memory_space<vmem>>, %arg6: memref<1x1xf32, #tpu.memory_space<vmem>>, %arg7: memref<1x1024x1xf32, #tpu.memory_space<vmem>>, %arg8: memref<1x1024x1xf32, #tpu.memory_space<vmem>>) attributes {dimension_semantics = [#tpu.dimension_semantics<arbitrary>, #tpu.dimension_semantics<arbitrary>], iteration_bounds = array<i64: 4, 4>, scalar_prefetch = 0 : i64, scratch_operands = 0 : i64, tpu.core_type = #tpu.core_type<tc>, window_params = [{transform_indices = @transform_0, window_bounds = array<i64: 1, 1024, 256>}, {transform_indices = @transform_1, window_bounds = array<i64: 1, 1024, 32>}, {transform_indices = @transform_2, window_bounds = array<i64: 1, 1024, 1>}, {pipeline_mode = #tpu.pipeline_mode<synchronous>, transform_indices = @transform_3, window_bounds = array<i64: 256, 1>}, {pipeline_mode = #tpu.pipeline_mode<synchronous>, transform_indices = @transform_4, window_bounds = array<i64: 1, 1>}, {transform_indices = @transform_5, window_bounds = array<i64: 1, 1024, 1>}, {transform_indices = @transform_6, window_bounds = array<i64: 1, 1024, 1>}]} {
    %get3A = arith.constant 0 : index
    %get3A_0 = arith.constant 0 : index
    %get3A_1 = arith.constant 0 : index
    %get3A_2 = vector.load %arg2[%get3A, %get3A_0, %get3A_1] : memref<1x1024x256xf32, #tpu.memory_space<vmem>>, vector<1x1024x256xf32>
    %get3A_3 = vector.shape_cast %get3A_2 : vector<1x1024x256xf32> to vector<1024x256xf32>
    %convert_element_type3A = arith.truncf %get3A_3 : vector<1024x256xf32> to vector<1024x256xbf16>
    %get3A_4 = arith.constant 0 : index
    %get3A_5 = arith.constant 0 : index
    %get3A_6 = vector.load %arg5[%get3A_4, %get3A_5] : memref<256x1xf32, #tpu.memory_space<vmem>>, vector<256x1xf32>
    %convert_element_type3A_7 = arith.truncf %get3A_6 : vector<256x1xf32> to vector<256x1xbf16>
    %dot_general3A = arith.constant dense<0.000000e+00> : vector<1024x1xf32>
    %dot_general3A_8 = tpu.matmul %convert_element_type3A, %convert_element_type3A_7, %dot_general3A {dimension_numbers = #tpu.dot_dimension_numbers<[1], [0], [0], [1], [0, 0, 1, 1], [], []>, transpose_lhs_hint = false} : vector<1024x256xbf16>, vector<256x1xbf16>, vector<1024x1xf32> -> vector<1024x1xf32>
    %get3A_9 = arith.constant 0 : index
    %get3A_10 = arith.constant 0 : index
    %get3A_11 = vector.load %arg6[%get3A_9, %get3A_10] : memref<1x1xf32, #tpu.memory_space<vmem>>, vector<1x1xf32>
    %add3A = vector.broadcast %get3A_11 : vector<1x1xf32> to vector<1024x1xf32>
    %add3A_12 = arith.addf %dot_general3A_8, %add3A : vector<1024x1xf32>
    %logistic3A = arith.negf %add3A_12 : vector<1024x1xf32>
    %logistic3A_13 = math.exp %logistic3A : vector<1024x1xf32>
    %logistic3A_14 = arith.constant 1.000000e+00 : f32
    %logistic3A_15 = vector.broadcast %logistic3A_14 : f32 to vector<1024x1xf32>
    %logistic3A_16 = arith.addf %logistic3A_15, %logistic3A_13 : vector<1024x1xf32>
    %logistic3A_17 = arith.divf %logistic3A_15, %logistic3A_16 : vector<1024x1xf32>
    %get3A_18 = arith.constant 0 : index
    %get3A_19 = arith.constant 0 : index
    %get3A_20 = arith.constant 0 : index
    %get3A_21 = vector.load %arg3[%get3A_18, %get3A_19, %get3A_20] : memref<1x1024x32xf32, #tpu.memory_space<vmem>>, vector<1x1024x32xf32>
    %get3A_22 = vector.shape_cast %get3A_21 : vector<1x1024x32xf32> to vector<1024x32xf32>
    %reduce_max3A = arith.constant dense<0xFF800000> : vector<1024xf32>
    %reduce_max3A_23 = vector.multi_reduction <maximumf>, %get3A_22, %reduce_max3A [1] : vector<1024x32xf32> to vector<1024xf32>
    %broadcast_in_dim3A = vector.shape_cast %reduce_max3A_23 : vector<1024xf32> to vector<1024x1xf32>
    %sub3A = arith.constant 1.000000e+00 : f32
    %sub3A_24 = vector.broadcast %sub3A : f32 to vector<1024x1xf32>
    %sub3A_25 = arith.subf %sub3A_24, %broadcast_in_dim3A : vector<1024x1xf32>
    %mul3A = arith.mulf %logistic3A_17, %sub3A_25 : vector<1024x1xf32>
    %get3A_26 = arith.constant 0 : index
    %get3A_27 = arith.constant 0 : index
    %get3A_28 = arith.constant 0 : index
    %get3A_29 = vector.load %arg4[%get3A_26, %get3A_27, %get3A_28] : memref<1x1024x1xf32, #tpu.memory_space<vmem>>, vector<1x1024x1xf32>
    %get3A_30 = vector.shape_cast %get3A_29 : vector<1x1024x1xf32> to vector<1024x1xf32>
    %gt3A = arith.constant 0.000000e+00 : f32
    %gt3A_31 = vector.broadcast %gt3A : f32 to vector<1024x1xf32>
    %gt3A_32 = arith.cmpf ogt, %get3A_30, %gt3A_31 : vector<1024x1xf32>
    %jit3A = arith.constant 0xFF800000 : f32
    %broadcast_in_dim3A_33 = vector.broadcast %jit3A : f32 to vector<1024x1xf32>
    %select_n3A = arith.select %gt3A_32, %mul3A, %broadcast_in_dim3A_33 : vector<1024x1xi1>, vector<1024x1xf32>
    %swap3A = arith.constant 0 : index
    %swap3A_34 = arith.constant 0 : index
    %swap3A_35 = arith.constant 0 : index
    %swap3A_36 = vector.load %arg7[%swap3A, %swap3A_34, %swap3A_35] : memref<1x1024x1xf32, #tpu.memory_space<vmem>>, vector<1x1024x1xf32>
    %swap3A_37 = vector.shape_cast %swap3A_36 : vector<1x1024x1xf32> to vector<1024x1xf32>
    %swap3A_38 = vector.shape_cast %logistic3A_17 : vector<1024x1xf32> to vector<1x1024x1xf32>
    tpu.vector_store %arg7[%swap3A, %swap3A_34, %swap3A_35], %swap3A_38 {strides = array<i32>} : memref<1x1024x1xf32, #tpu.memory_space<vmem>>, vector<1x1024x1xf32>,
    %swap3A_39 = arith.constant 0 : index
    %swap3A_40 = arith.constant 0 : index
    %swap3A_41 = arith.constant 0 : index
    %swap3A_42 = vector.load %arg8[%swap3A_39, %swap3A_40, %swap3A_41] : memref<1x1024x1xf32, #tpu.memory_space<vmem>>, vector<1x1024x1xf32>
    %swap3A_43 = vector.shape_cast %swap3A_42 : vector<1x1024x1xf32> to vector<1024x1xf32>
    %swap3A_44 = vector.shape_cast %select_n3A : vector<1024x1xf32> to vector<1x1024x1xf32>
    tpu.vector_store %arg8[%swap3A_39, %swap3A_40, %swap3A_41], %swap3A_44 {strides = array<i32>} : memref<1x1024x1xf32, #tpu.memory_space<vmem>>, vector<1x1024x1xf32>,
    return
  }
  func.func @transform_0(%arg0: i32, %arg1: i32) -> (i32, i32, i32) {
    %c0_i32 = arith.constant 0 : i32
    %c0_i32_0 = arith.constant 0 : i32
    return %arg0, %arg1, %c0_i32 : i32, i32, i32
  }
  func.func @transform_1(%arg0: i32, %arg1: i32) -> (i32, i32, i32) {
    %c0_i32 = arith.constant 0 : i32
    %c0_i32_0 = arith.constant 0 : i32
    return %arg0, %arg1, %c0_i32 : i32, i32, i32
  }
  func.func @transform_2(%arg0: i32, %arg1: i32) -> (i32, i32, i32) {
    %c0_i32 = arith.constant 0 : i32
    %c0_i32_0 = arith.constant 0 : i32
    return %arg0, %arg1, %c0_i32 : i32, i32, i32
  }
  func.func @transform_3(%arg0: i32, %arg1: i32) -> (i32, i32) {
    %c0_i32 = arith.constant 0 : i32
    %c0_i32_0 = arith.constant 0 : i32
    %c0_i32_1 = arith.constant 0 : i32
    return %c0_i32, %c0_i32_0 : i32, i32
  }
  func.func @transform_4(%arg0: i32, %arg1: i32) -> (i32, i32) {
    %c0_i32 = arith.constant 0 : i32
    %c0_i32_0 = arith.constant 0 : i32
    %c0_i32_1 = arith.constant 0 : i32
    return %c0_i32, %c0_i32_0 : i32, i32
  }
  func.func @transform_5(%arg0: i32, %arg1: i32) -> (i32, i32, i32) {
    %c0_i32 = arith.constant 0 : i32
    %c0_i32_0 = arith.constant 0 : i32
    return %arg0, %arg1, %c0_i32 : i32, i32, i32
  }
  func.func @transform_6(%arg0: i32, %arg1: i32) -> (i32, i32, i32) {
    %c0_i32 = arith.constant 0 : i32
    %c0_i32_0 = arith.constant 0 : i32
    return %arg0, %arg1, %c0_i32 : i32, i32, i32
  }
}

module attributes {stable_mosaic.version = 14 : i64} {
  func.func @_topk_body(%arg0: i32, %arg1: memref<1x1x4096xf32, #tpu.memory_space<vmem>>, %arg2: memref<1x4096x1xf32, #tpu.memory_space<vmem>>, %arg3: memref<1x1x512xi32, #tpu.memory_space<vmem>>, %arg4: memref<1x1x512xi32, #tpu.memory_space<vmem>>) attributes {dimension_semantics = [#tpu.dimension_semantics<arbitrary>], iteration_bounds = array<i64: 4>, scalar_prefetch = 0 : i64, scratch_operands = 0 : i64, tpu.core_type = #tpu.core_type<tc>, window_params = [{transform_indices = @transform_0, window_bounds = array<i64: 1, 1, 4096>}, {transform_indices = @transform_1, window_bounds = array<i64: 1, 4096, 1>}, {transform_indices = @transform_2, window_bounds = array<i64: 1, 1, 512>}, {transform_indices = @transform_3, window_bounds = array<i64: 1, 1, 512>}]} {
    %get3A = arith.constant 0 : index
    %get3A_0 = arith.constant 0 : index
    %get3A_1 = arith.constant 0 : index
    %get3A_2 = vector.load %arg1[%get3A, %get3A_0, %get3A_1] : memref<1x1x4096xf32, #tpu.memory_space<vmem>>, vector<1x1x4096xf32>
    %get3A_3 = vector.shape_cast %get3A_2 : vector<1x1x4096xf32> to vector<1x4096xf32>
    %get3A_4 = arith.constant 0 : index
    %get3A_5 = arith.constant 0 : index
    %get3A_6 = arith.constant 0 : index
    %get3A_7 = vector.load %arg2[%get3A_4, %get3A_5, %get3A_6] : memref<1x4096x1xf32, #tpu.memory_space<vmem>>, vector<1x4096x1xf32>
    %get3A_8 = vector.shape_cast %get3A_7 : vector<1x4096x1xf32> to vector<4096x1xf32>
    %iota3A = tpu.iota {dimensions = array<i32: 1>} : vector<1x4096xi32>
    %iota3A_9 = tpu.iota {dimensions = array<i32: 1>} : vector<1x512xi32>
    %broadcast_in_dim3A = arith.constant 0 : i32
    %broadcast_in_dim3A_10 = vector.broadcast %broadcast_in_dim3A : i32 to vector<1x512xi32>
    %slice3A = vector.extract_strided_slice %get3A_8 {offsets = [0, 0], sizes = [512, 1], strides = [1, 1]} : vector<4096x1xf32> to vector<512x1xf32>
    %iota3A_11 = tpu.iota {dimensions = array<i32: 0>} : vector<512x1xi32>
    %add3A = arith.constant 0 : i32
    %add3A_12 = vector.broadcast %add3A : i32 to vector<512x1xi32>
    %add3A_13 = arith.addi %iota3A_11, %add3A_12 : vector<512x1xi32>
    %gt3A = vector.broadcast %get3A_3 : vector<1x4096xf32> to vector<512x4096xf32>
    %gt3A_14 = vector.broadcast %slice3A : vector<512x1xf32> to vector<512x4096xf32>
    %gt3A_15 = arith.cmpf ogt, %gt3A, %gt3A_14 : vector<512x4096xf32>
    %eq3A = vector.broadcast %get3A_3 : vector<1x4096xf32> to vector<512x4096xf32>
    %eq3A_16 = vector.broadcast %slice3A : vector<512x1xf32> to vector<512x4096xf32>
    %eq3A_17 = arith.cmpf oeq, %eq3A, %eq3A_16 : vector<512x4096xf32>
    %lt3A = vector.broadcast %iota3A : vector<1x4096xi32> to vector<512x4096xi32>
    %lt3A_18 = vector.broadcast %add3A_13 : vector<512x1xi32> to vector<512x4096xi32>
    %lt3A_19 = arith.cmpi slt, %lt3A, %lt3A_18 : vector<512x4096xi32>
    %and3A = arith.andi %eq3A_17, %lt3A_19 : vector<512x4096xi1>
    %or3A = arith.ori %gt3A_15, %and3A : vector<512x4096xi1>
    %convert_element_type3A = arith.extui %or3A : vector<512x4096xi1> to vector<512x4096xi32>
    %reduce_sum3A = arith.constant dense<0> : vector<512xi32>
    %reduce_sum3A_20 = vector.multi_reduction <add>, %convert_element_type3A, %reduce_sum3A [1] : vector<512x4096xi32> to vector<512xi32>
    %broadcast_in_dim3A_21 = vector.shape_cast %reduce_sum3A_20 : vector<512xi32> to vector<512x1xi32>
    %eq3A_22 = vector.broadcast %broadcast_in_dim3A_21 : vector<512x1xi32> to vector<512x512xi32>
    %eq3A_23 = vector.broadcast %iota3A_9 : vector<1x512xi32> to vector<512x512xi32>
    %eq3A_24 = arith.cmpi eq, %eq3A_22, %eq3A_23 : vector<512x512xi32>
    %jit3A = arith.constant 0 : i32
    %broadcast_in_dim3A_25 = vector.shape_cast %add3A_13 : vector<512x1xi32> to vector<512x1xi32>
    %broadcast_in_dim3A_26 = vector.broadcast %broadcast_in_dim3A_25 : vector<512x1xi32> to vector<512x512xi32>
    %broadcast_in_dim3A_27 = vector.broadcast %jit3A : i32 to vector<512x512xi32>
    %select_n3A = arith.select %eq3A_24, %broadcast_in_dim3A_26, %broadcast_in_dim3A_27 : vector<512x512xi1>, vector<512x512xi32>
    %reduce_sum3A_28 = arith.constant dense<0> : vector<512xi32>
    %reduce_sum3A_29 = vector.multi_reduction <add>, %select_n3A, %reduce_sum3A_28 [0] : vector<512x512xi32> to vector<512xi32>
    %broadcast_in_dim3A_30 = vector.shape_cast %reduce_sum3A_29 : vector<512xi32> to vector<1x512xi32>
    %add3A_31 = arith.addi %broadcast_in_dim3A_10, %broadcast_in_dim3A_30 : vector<1x512xi32>
    %slice3A_32 = vector.extract_strided_slice %get3A_8 {offsets = [512, 0], sizes = [512, 1], strides = [1, 1]} : vector<4096x1xf32> to vector<512x1xf32>
    %iota3A_33 = tpu.iota {dimensions = array<i32: 0>} : vector<512x1xi32>
    %add3A_34 = arith.constant 512 : i32
    %add3A_35 = vector.broadcast %add3A_34 : i32 to vector<512x1xi32>
    %add3A_36 = arith.addi %iota3A_33, %add3A_35 : vector<512x1xi32>
    %gt3A_37 = vector.broadcast %get3A_3 : vector<1x4096xf32> to vector<512x4096xf32>
    %gt3A_38 = vector.broadcast %slice3A_32 : vector<512x1xf32> to vector<512x4096xf32>
    %gt3A_39 = arith.cmpf ogt, %gt3A_37, %gt3A_38 : vector<512x4096xf32>
    %eq3A_40 = vector.broadcast %get3A_3 : vector<1x4096xf32> to vector<512x4096xf32>
    %eq3A_41 = vector.broadcast %slice3A_32 : vector<512x1xf32> to vector<512x4096xf32>
    %eq3A_42 = arith.cmpf oeq, %eq3A_40, %eq3A_41 : vector<512x4096xf32>
    %lt3A_43 = vector.broadcast %iota3A : vector<1x4096xi32> to vector<512x4096xi32>
    %lt3A_44 = vector.broadcast %add3A_36 : vector<512x1xi32> to vector<512x4096xi32>
    %lt3A_45 = arith.cmpi slt, %lt3A_43, %lt3A_44 : vector<512x4096xi32>
    %and3A_46 = arith.andi %eq3A_42, %lt3A_45 : vector<512x4096xi1>
    %or3A_47 = arith.ori %gt3A_39, %and3A_46 : vector<512x4096xi1>
    %convert_element_type3A_48 = arith.extui %or3A_47 : vector<512x4096xi1> to vector<512x4096xi32>
    %reduce_sum3A_49 = arith.constant dense<0> : vector<512xi32>
    %reduce_sum3A_50 = vector.multi_reduction <add>, %convert_element_type3A_48, %reduce_sum3A_49 [1] : vector<512x4096xi32> to vector<512xi32>
    %broadcast_in_dim3A_51 = vector.shape_cast %reduce_sum3A_50 : vector<512xi32> to vector<512x1xi32>
    %eq3A_52 = vector.broadcast %broadcast_in_dim3A_51 : vector<512x1xi32> to vector<512x512xi32>
    %eq3A_53 = vector.broadcast %iota3A_9 : vector<1x512xi32> to vector<512x512xi32>
    %eq3A_54 = arith.cmpi eq, %eq3A_52, %eq3A_53 : vector<512x512xi32>
    %jit3A_55 = arith.constant 0 : i32
    %broadcast_in_dim3A_56 = vector.shape_cast %add3A_36 : vector<512x1xi32> to vector<512x1xi32>
    %broadcast_in_dim3A_57 = vector.broadcast %broadcast_in_dim3A_56 : vector<512x1xi32> to vector<512x512xi32>
    %broadcast_in_dim3A_58 = vector.broadcast %jit3A_55 : i32 to vector<512x512xi32>
    %select_n3A_59 = arith.select %eq3A_54, %broadcast_in_dim3A_57, %broadcast_in_dim3A_58 : vector<512x512xi1>, vector<512x512xi32>
    %reduce_sum3A_60 = arith.constant dense<0> : vector<512xi32>
    %reduce_sum3A_61 = vector.multi_reduction <add>, %select_n3A_59, %reduce_sum3A_60 [0] : vector<512x512xi32> to vector<512xi32>
    %broadcast_in_dim3A_62 = vector.shape_cast %reduce_sum3A_61 : vector<512xi32> to vector<1x512xi32>
    %add3A_63 = arith.addi %add3A_31, %broadcast_in_dim3A_62 : vector<1x512xi32>
    %slice3A_64 = vector.extract_strided_slice %get3A_8 {offsets = [1024, 0], sizes = [512, 1], strides = [1, 1]} : vector<4096x1xf32> to vector<512x1xf32>
    %iota3A_65 = tpu.iota {dimensions = array<i32: 0>} : vector<512x1xi32>
    %add3A_66 = arith.constant 1024 : i32
    %add3A_67 = vector.broadcast %add3A_66 : i32 to vector<512x1xi32>
    %add3A_68 = arith.addi %iota3A_65, %add3A_67 : vector<512x1xi32>
    %gt3A_69 = vector.broadcast %get3A_3 : vector<1x4096xf32> to vector<512x4096xf32>
    %gt3A_70 = vector.broadcast %slice3A_64 : vector<512x1xf32> to vector<512x4096xf32>
    %gt3A_71 = arith.cmpf ogt, %gt3A_69, %gt3A_70 : vector<512x4096xf32>
    %eq3A_72 = vector.broadcast %get3A_3 : vector<1x4096xf32> to vector<512x4096xf32>
    %eq3A_73 = vector.broadcast %slice3A_64 : vector<512x1xf32> to vector<512x4096xf32>
    %eq3A_74 = arith.cmpf oeq, %eq3A_72, %eq3A_73 : vector<512x4096xf32>
    %lt3A_75 = vector.broadcast %iota3A : vector<1x4096xi32> to vector<512x4096xi32>
    %lt3A_76 = vector.broadcast %add3A_68 : vector<512x1xi32> to vector<512x4096xi32>
    %lt3A_77 = arith.cmpi slt, %lt3A_75, %lt3A_76 : vector<512x4096xi32>
    %and3A_78 = arith.andi %eq3A_74, %lt3A_77 : vector<512x4096xi1>
    %or3A_79 = arith.ori %gt3A_71, %and3A_78 : vector<512x4096xi1>
    %convert_element_type3A_80 = arith.extui %or3A_79 : vector<512x4096xi1> to vector<512x4096xi32>
    %reduce_sum3A_81 = arith.constant dense<0> : vector<512xi32>
    %reduce_sum3A_82 = vector.multi_reduction <add>, %convert_element_type3A_80, %reduce_sum3A_81 [1] : vector<512x4096xi32> to vector<512xi32>
    %broadcast_in_dim3A_83 = vector.shape_cast %reduce_sum3A_82 : vector<512xi32> to vector<512x1xi32>
    %eq3A_84 = vector.broadcast %broadcast_in_dim3A_83 : vector<512x1xi32> to vector<512x512xi32>
    %eq3A_85 = vector.broadcast %iota3A_9 : vector<1x512xi32> to vector<512x512xi32>
    %eq3A_86 = arith.cmpi eq, %eq3A_84, %eq3A_85 : vector<512x512xi32>
    %jit3A_87 = arith.constant 0 : i32
    %broadcast_in_dim3A_88 = vector.shape_cast %add3A_68 : vector<512x1xi32> to vector<512x1xi32>
    %broadcast_in_dim3A_89 = vector.broadcast %broadcast_in_dim3A_88 : vector<512x1xi32> to vector<512x512xi32>
    %broadcast_in_dim3A_90 = vector.broadcast %jit3A_87 : i32 to vector<512x512xi32>
    %select_n3A_91 = arith.select %eq3A_86, %broadcast_in_dim3A_89, %broadcast_in_dim3A_90 : vector<512x512xi1>, vector<512x512xi32>
    %reduce_sum3A_92 = arith.constant dense<0> : vector<512xi32>
    %reduce_sum3A_93 = vector.multi_reduction <add>, %select_n3A_91, %reduce_sum3A_92 [0] : vector<512x512xi32> to vector<512xi32>
    %broadcast_in_dim3A_94 = vector.shape_cast %reduce_sum3A_93 : vector<512xi32> to vector<1x512xi32>
    %add3A_95 = arith.addi %add3A_63, %broadcast_in_dim3A_94 : vector<1x512xi32>
    %slice3A_96 = vector.extract_strided_slice %get3A_8 {offsets = [1536, 0], sizes = [512, 1], strides = [1, 1]} : vector<4096x1xf32> to vector<512x1xf32>
    %iota3A_97 = tpu.iota {dimensions = array<i32: 0>} : vector<512x1xi32>
    %add3A_98 = arith.constant 1536 : i32
    %add3A_99 = vector.broadcast %add3A_98 : i32 to vector<512x1xi32>
    %add3A_100 = arith.addi %iota3A_97, %add3A_99 : vector<512x1xi32>
    %gt3A_101 = vector.broadcast %get3A_3 : vector<1x4096xf32> to vector<512x4096xf32>
    %gt3A_102 = vector.broadcast %slice3A_96 : vector<512x1xf32> to vector<512x4096xf32>
    %gt3A_103 = arith.cmpf ogt, %gt3A_101, %gt3A_102 : vector<512x4096xf32>
    %eq3A_104 = vector.broadcast %get3A_3 : vector<1x4096xf32> to vector<512x4096xf32>
    %eq3A_105 = vector.broadcast %slice3A_96 : vector<512x1xf32> to vector<512x4096xf32>
    %eq3A_106 = arith.cmpf oeq, %eq3A_104, %eq3A_105 : vector<512x4096xf32>
    %lt3A_107 = vector.broadcast %iota3A : vector<1x4096xi32> to vector<512x4096xi32>
    %lt3A_108 = vector.broadcast %add3A_100 : vector<512x1xi32> to vector<512x4096xi32>
    %lt3A_109 = arith.cmpi slt, %lt3A_107, %lt3A_108 : vector<512x4096xi32>
    %and3A_110 = arith.andi %eq3A_106, %lt3A_109 : vector<512x4096xi1>
    %or3A_111 = arith.ori %gt3A_103, %and3A_110 : vector<512x4096xi1>
    %convert_element_type3A_112 = arith.extui %or3A_111 : vector<512x4096xi1> to vector<512x4096xi32>
    %reduce_sum3A_113 = arith.constant dense<0> : vector<512xi32>
    %reduce_sum3A_114 = vector.multi_reduction <add>, %convert_element_type3A_112, %reduce_sum3A_113 [1] : vector<512x4096xi32> to vector<512xi32>
    %broadcast_in_dim3A_115 = vector.shape_cast %reduce_sum3A_114 : vector<512xi32> to vector<512x1xi32>
    %eq3A_116 = vector.broadcast %broadcast_in_dim3A_115 : vector<512x1xi32> to vector<512x512xi32>
    %eq3A_117 = vector.broadcast %iota3A_9 : vector<1x512xi32> to vector<512x512xi32>
    %eq3A_118 = arith.cmpi eq, %eq3A_116, %eq3A_117 : vector<512x512xi32>
    %jit3A_119 = arith.constant 0 : i32
    %broadcast_in_dim3A_120 = vector.shape_cast %add3A_100 : vector<512x1xi32> to vector<512x1xi32>
    %broadcast_in_dim3A_121 = vector.broadcast %broadcast_in_dim3A_120 : vector<512x1xi32> to vector<512x512xi32>
    %broadcast_in_dim3A_122 = vector.broadcast %jit3A_119 : i32 to vector<512x512xi32>
    %select_n3A_123 = arith.select %eq3A_118, %broadcast_in_dim3A_121, %broadcast_in_dim3A_122 : vector<512x512xi1>, vector<512x512xi32>
    %reduce_sum3A_124 = arith.constant dense<0> : vector<512xi32>
    %reduce_sum3A_125 = vector.multi_reduction <add>, %select_n3A_123, %reduce_sum3A_124 [0] : vector<512x512xi32> to vector<512xi32>
    %broadcast_in_dim3A_126 = vector.shape_cast %reduce_sum3A_125 : vector<512xi32> to vector<1x512xi32>
    %add3A_127 = arith.addi %add3A_95, %broadcast_in_dim3A_126 : vector<1x512xi32>
    %slice3A_128 = vector.extract_strided_slice %get3A_8 {offsets = [2048, 0], sizes = [512, 1], strides = [1, 1]} : vector<4096x1xf32> to vector<512x1xf32>
    %iota3A_129 = tpu.iota {dimensions = array<i32: 0>} : vector<512x1xi32>
    %add3A_130 = arith.constant 2048 : i32
    %add3A_131 = vector.broadcast %add3A_130 : i32 to vector<512x1xi32>
    %add3A_132 = arith.addi %iota3A_129, %add3A_131 : vector<512x1xi32>
    %gt3A_133 = vector.broadcast %get3A_3 : vector<1x4096xf32> to vector<512x4096xf32>
    %gt3A_134 = vector.broadcast %slice3A_128 : vector<512x1xf32> to vector<512x4096xf32>
    %gt3A_135 = arith.cmpf ogt, %gt3A_133, %gt3A_134 : vector<512x4096xf32>
    %eq3A_136 = vector.broadcast %get3A_3 : vector<1x4096xf32> to vector<512x4096xf32>
    %eq3A_137 = vector.broadcast %slice3A_128 : vector<512x1xf32> to vector<512x4096xf32>
    %eq3A_138 = arith.cmpf oeq, %eq3A_136, %eq3A_137 : vector<512x4096xf32>
    %lt3A_139 = vector.broadcast %iota3A : vector<1x4096xi32> to vector<512x4096xi32>
    %lt3A_140 = vector.broadcast %add3A_132 : vector<512x1xi32> to vector<512x4096xi32>
    %lt3A_141 = arith.cmpi slt, %lt3A_139, %lt3A_140 : vector<512x4096xi32>
    %and3A_142 = arith.andi %eq3A_138, %lt3A_141 : vector<512x4096xi1>
    %or3A_143 = arith.ori %gt3A_135, %and3A_142 : vector<512x4096xi1>
    %convert_element_type3A_144 = arith.extui %or3A_143 : vector<512x4096xi1> to vector<512x4096xi32>
    %reduce_sum3A_145 = arith.constant dense<0> : vector<512xi32>
    %reduce_sum3A_146 = vector.multi_reduction <add>, %convert_element_type3A_144, %reduce_sum3A_145 [1] : vector<512x4096xi32> to vector<512xi32>
    %broadcast_in_dim3A_147 = vector.shape_cast %reduce_sum3A_146 : vector<512xi32> to vector<512x1xi32>
    %eq3A_148 = vector.broadcast %broadcast_in_dim3A_147 : vector<512x1xi32> to vector<512x512xi32>
    %eq3A_149 = vector.broadcast %iota3A_9 : vector<1x512xi32> to vector<512x512xi32>
    %eq3A_150 = arith.cmpi eq, %eq3A_148, %eq3A_149 : vector<512x512xi32>
    %jit3A_151 = arith.constant 0 : i32
    %broadcast_in_dim3A_152 = vector.shape_cast %add3A_132 : vector<512x1xi32> to vector<512x1xi32>
    %broadcast_in_dim3A_153 = vector.broadcast %broadcast_in_dim3A_152 : vector<512x1xi32> to vector<512x512xi32>
    %broadcast_in_dim3A_154 = vector.broadcast %jit3A_151 : i32 to vector<512x512xi32>
    %select_n3A_155 = arith.select %eq3A_150, %broadcast_in_dim3A_153, %broadcast_in_dim3A_154 : vector<512x512xi1>, vector<512x512xi32>
    %reduce_sum3A_156 = arith.constant dense<0> : vector<512xi32>
    %reduce_sum3A_157 = vector.multi_reduction <add>, %select_n3A_155, %reduce_sum3A_156 [0] : vector<512x512xi32> to vector<512xi32>
    %broadcast_in_dim3A_158 = vector.shape_cast %reduce_sum3A_157 : vector<512xi32> to vector<1x512xi32>
    %add3A_159 = arith.addi %add3A_127, %broadcast_in_dim3A_158 : vector<1x512xi32>
    %slice3A_160 = vector.extract_strided_slice %get3A_8 {offsets = [2560, 0], sizes = [512, 1], strides = [1, 1]} : vector<4096x1xf32> to vector<512x1xf32>
    %iota3A_161 = tpu.iota {dimensions = array<i32: 0>} : vector<512x1xi32>
    %add3A_162 = arith.constant 2560 : i32
    %add3A_163 = vector.broadcast %add3A_162 : i32 to vector<512x1xi32>
    %add3A_164 = arith.addi %iota3A_161, %add3A_163 : vector<512x1xi32>
    %gt3A_165 = vector.broadcast %get3A_3 : vector<1x4096xf32> to vector<512x4096xf32>
    %gt3A_166 = vector.broadcast %slice3A_160 : vector<512x1xf32> to vector<512x4096xf32>
    %gt3A_167 = arith.cmpf ogt, %gt3A_165, %gt3A_166 : vector<512x4096xf32>
    %eq3A_168 = vector.broadcast %get3A_3 : vector<1x4096xf32> to vector<512x4096xf32>
    %eq3A_169 = vector.broadcast %slice3A_160 : vector<512x1xf32> to vector<512x4096xf32>
    %eq3A_170 = arith.cmpf oeq, %eq3A_168, %eq3A_169 : vector<512x4096xf32>
    %lt3A_171 = vector.broadcast %iota3A : vector<1x4096xi32> to vector<512x4096xi32>
    %lt3A_172 = vector.broadcast %add3A_164 : vector<512x1xi32> to vector<512x4096xi32>
    %lt3A_173 = arith.cmpi slt, %lt3A_171, %lt3A_172 : vector<512x4096xi32>
    %and3A_174 = arith.andi %eq3A_170, %lt3A_173 : vector<512x4096xi1>
    %or3A_175 = arith.ori %gt3A_167, %and3A_174 : vector<512x4096xi1>
    %convert_element_type3A_176 = arith.extui %or3A_175 : vector<512x4096xi1> to vector<512x4096xi32>
    %reduce_sum3A_177 = arith.constant dense<0> : vector<512xi32>
    %reduce_sum3A_178 = vector.multi_reduction <add>, %convert_element_type3A_176, %reduce_sum3A_177 [1] : vector<512x4096xi32> to vector<512xi32>
    %broadcast_in_dim3A_179 = vector.shape_cast %reduce_sum3A_178 : vector<512xi32> to vector<512x1xi32>
    %eq3A_180 = vector.broadcast %broadcast_in_dim3A_179 : vector<512x1xi32> to vector<512x512xi32>
    %eq3A_181 = vector.broadcast %iota3A_9 : vector<1x512xi32> to vector<512x512xi32>
    %eq3A_182 = arith.cmpi eq, %eq3A_180, %eq3A_181 : vector<512x512xi32>
    %jit3A_183 = arith.constant 0 : i32
    %broadcast_in_dim3A_184 = vector.shape_cast %add3A_164 : vector<512x1xi32> to vector<512x1xi32>
    %broadcast_in_dim3A_185 = vector.broadcast %broadcast_in_dim3A_184 : vector<512x1xi32> to vector<512x512xi32>
    %broadcast_in_dim3A_186 = vector.broadcast %jit3A_183 : i32 to vector<512x512xi32>
    %select_n3A_187 = arith.select %eq3A_182, %broadcast_in_dim3A_185, %broadcast_in_dim3A_186 : vector<512x512xi1>, vector<512x512xi32>
    %reduce_sum3A_188 = arith.constant dense<0> : vector<512xi32>
    %reduce_sum3A_189 = vector.multi_reduction <add>, %select_n3A_187, %reduce_sum3A_188 [0] : vector<512x512xi32> to vector<512xi32>
    %broadcast_in_dim3A_190 = vector.shape_cast %reduce_sum3A_189 : vector<512xi32> to vector<1x512xi32>
    %add3A_191 = arith.addi %add3A_159, %broadcast_in_dim3A_190 : vector<1x512xi32>
    %slice3A_192 = vector.extract_strided_slice %get3A_8 {offsets = [3072, 0], sizes = [512, 1], strides = [1, 1]} : vector<4096x1xf32> to vector<512x1xf32>
    %iota3A_193 = tpu.iota {dimensions = array<i32: 0>} : vector<512x1xi32>
    %add3A_194 = arith.constant 3072 : i32
    %add3A_195 = vector.broadcast %add3A_194 : i32 to vector<512x1xi32>
    %add3A_196 = arith.addi %iota3A_193, %add3A_195 : vector<512x1xi32>
    %gt3A_197 = vector.broadcast %get3A_3 : vector<1x4096xf32> to vector<512x4096xf32>
    %gt3A_198 = vector.broadcast %slice3A_192 : vector<512x1xf32> to vector<512x4096xf32>
    %gt3A_199 = arith.cmpf ogt, %gt3A_197, %gt3A_198 : vector<512x4096xf32>
    %eq3A_200 = vector.broadcast %get3A_3 : vector<1x4096xf32> to vector<512x4096xf32>
    %eq3A_201 = vector.broadcast %slice3A_192 : vector<512x1xf32> to vector<512x4096xf32>
    %eq3A_202 = arith.cmpf oeq, %eq3A_200, %eq3A_201 : vector<512x4096xf32>
    %lt3A_203 = vector.broadcast %iota3A : vector<1x4096xi32> to vector<512x4096xi32>
    %lt3A_204 = vector.broadcast %add3A_196 : vector<512x1xi32> to vector<512x4096xi32>
    %lt3A_205 = arith.cmpi slt, %lt3A_203, %lt3A_204 : vector<512x4096xi32>
    %and3A_206 = arith.andi %eq3A_202, %lt3A_205 : vector<512x4096xi1>
    %or3A_207 = arith.ori %gt3A_199, %and3A_206 : vector<512x4096xi1>
    %convert_element_type3A_208 = arith.extui %or3A_207 : vector<512x4096xi1> to vector<512x4096xi32>
    %reduce_sum3A_209 = arith.constant dense<0> : vector<512xi32>
    %reduce_sum3A_210 = vector.multi_reduction <add>, %convert_element_type3A_208, %reduce_sum3A_209 [1] : vector<512x4096xi32> to vector<512xi32>
    %broadcast_in_dim3A_211 = vector.shape_cast %reduce_sum3A_210 : vector<512xi32> to vector<512x1xi32>
    %eq3A_212 = vector.broadcast %broadcast_in_dim3A_211 : vector<512x1xi32> to vector<512x512xi32>
    %eq3A_213 = vector.broadcast %iota3A_9 : vector<1x512xi32> to vector<512x512xi32>
    %eq3A_214 = arith.cmpi eq, %eq3A_212, %eq3A_213 : vector<512x512xi32>
    %jit3A_215 = arith.constant 0 : i32
    %broadcast_in_dim3A_216 = vector.shape_cast %add3A_196 : vector<512x1xi32> to vector<512x1xi32>
    %broadcast_in_dim3A_217 = vector.broadcast %broadcast_in_dim3A_216 : vector<512x1xi32> to vector<512x512xi32>
    %broadcast_in_dim3A_218 = vector.broadcast %jit3A_215 : i32 to vector<512x512xi32>
    %select_n3A_219 = arith.select %eq3A_214, %broadcast_in_dim3A_217, %broadcast_in_dim3A_218 : vector<512x512xi1>, vector<512x512xi32>
    %reduce_sum3A_220 = arith.constant dense<0> : vector<512xi32>
    %reduce_sum3A_221 = vector.multi_reduction <add>, %select_n3A_219, %reduce_sum3A_220 [0] : vector<512x512xi32> to vector<512xi32>
    %broadcast_in_dim3A_222 = vector.shape_cast %reduce_sum3A_221 : vector<512xi32> to vector<1x512xi32>
    %add3A_223 = arith.addi %add3A_191, %broadcast_in_dim3A_222 : vector<1x512xi32>
    %slice3A_224 = vector.extract_strided_slice %get3A_8 {offsets = [3584, 0], sizes = [512, 1], strides = [1, 1]} : vector<4096x1xf32> to vector<512x1xf32>
    %iota3A_225 = tpu.iota {dimensions = array<i32: 0>} : vector<512x1xi32>
    %add3A_226 = arith.constant 3584 : i32
    %add3A_227 = vector.broadcast %add3A_226 : i32 to vector<512x1xi32>
    %add3A_228 = arith.addi %iota3A_225, %add3A_227 : vector<512x1xi32>
    %gt3A_229 = vector.broadcast %get3A_3 : vector<1x4096xf32> to vector<512x4096xf32>
    %gt3A_230 = vector.broadcast %slice3A_224 : vector<512x1xf32> to vector<512x4096xf32>
    %gt3A_231 = arith.cmpf ogt, %gt3A_229, %gt3A_230 : vector<512x4096xf32>
    %eq3A_232 = vector.broadcast %get3A_3 : vector<1x4096xf32> to vector<512x4096xf32>
    %eq3A_233 = vector.broadcast %slice3A_224 : vector<512x1xf32> to vector<512x4096xf32>
    %eq3A_234 = arith.cmpf oeq, %eq3A_232, %eq3A_233 : vector<512x4096xf32>
    %lt3A_235 = vector.broadcast %iota3A : vector<1x4096xi32> to vector<512x4096xi32>
    %lt3A_236 = vector.broadcast %add3A_228 : vector<512x1xi32> to vector<512x4096xi32>
    %lt3A_237 = arith.cmpi slt, %lt3A_235, %lt3A_236 : vector<512x4096xi32>
    %and3A_238 = arith.andi %eq3A_234, %lt3A_237 : vector<512x4096xi1>
    %or3A_239 = arith.ori %gt3A_231, %and3A_238 : vector<512x4096xi1>
    %convert_element_type3A_240 = arith.extui %or3A_239 : vector<512x4096xi1> to vector<512x4096xi32>
    %reduce_sum3A_241 = arith.constant dense<0> : vector<512xi32>
    %reduce_sum3A_242 = vector.multi_reduction <add>, %convert_element_type3A_240, %reduce_sum3A_241 [1] : vector<512x4096xi32> to vector<512xi32>
    %broadcast_in_dim3A_243 = vector.shape_cast %reduce_sum3A_242 : vector<512xi32> to vector<512x1xi32>
    %eq3A_244 = vector.broadcast %broadcast_in_dim3A_243 : vector<512x1xi32> to vector<512x512xi32>
    %eq3A_245 = vector.broadcast %iota3A_9 : vector<1x512xi32> to vector<512x512xi32>
    %eq3A_246 = arith.cmpi eq, %eq3A_244, %eq3A_245 : vector<512x512xi32>
    %jit3A_247 = arith.constant 0 : i32
    %broadcast_in_dim3A_248 = vector.shape_cast %add3A_228 : vector<512x1xi32> to vector<512x1xi32>
    %broadcast_in_dim3A_249 = vector.broadcast %broadcast_in_dim3A_248 : vector<512x1xi32> to vector<512x512xi32>
    %broadcast_in_dim3A_250 = vector.broadcast %jit3A_247 : i32 to vector<512x512xi32>
    %select_n3A_251 = arith.select %eq3A_246, %broadcast_in_dim3A_249, %broadcast_in_dim3A_250 : vector<512x512xi1>, vector<512x512xi32>
    %reduce_sum3A_252 = arith.constant dense<0> : vector<512xi32>
    %reduce_sum3A_253 = vector.multi_reduction <add>, %select_n3A_251, %reduce_sum3A_252 [0] : vector<512x512xi32> to vector<512xi32>
    %broadcast_in_dim3A_254 = vector.shape_cast %reduce_sum3A_253 : vector<512xi32> to vector<1x512xi32>
    %add3A_255 = arith.addi %add3A_223, %broadcast_in_dim3A_254 : vector<1x512xi32>
    %swap3A = arith.constant 0 : index
    %swap3A_256 = arith.constant 0 : index
    %swap3A_257 = arith.constant 0 : index
    %swap3A_258 = vector.load %arg3[%swap3A, %swap3A_256, %swap3A_257] : memref<1x1x512xi32, #tpu.memory_space<vmem>>, vector<1x1x512xi32>
    %swap3A_259 = vector.shape_cast %swap3A_258 : vector<1x1x512xi32> to vector<1x512xi32>
    %swap3A_260 = vector.shape_cast %add3A_255 : vector<1x512xi32> to vector<1x1x512xi32>
    tpu.vector_store %arg3[%swap3A, %swap3A_256, %swap3A_257], %swap3A_260 {strides = array<i32>} : memref<1x1x512xi32, #tpu.memory_space<vmem>>, vector<1x1x512xi32>,
    %mul3A = arith.constant 4096 : i32
    %mul3A_261 = arith.muli %arg0, %mul3A : i32
    %add3A_262 = vector.broadcast %mul3A_261 : i32 to vector<1x512xi32>
    %add3A_263 = arith.addi %add3A_255, %add3A_262 : vector<1x512xi32>
    %swap3A_264 = arith.constant 0 : index
    %swap3A_265 = arith.constant 0 : index
    %swap3A_266 = arith.constant 0 : index
    %swap3A_267 = vector.load %arg4[%swap3A_264, %swap3A_265, %swap3A_266] : memref<1x1x512xi32, #tpu.memory_space<vmem>>, vector<1x1x512xi32>
    %swap3A_268 = vector.shape_cast %swap3A_267 : vector<1x1x512xi32> to vector<1x512xi32>
    %swap3A_269 = vector.shape_cast %add3A_263 : vector<1x512xi32> to vector<1x1x512xi32>
    tpu.vector_store %arg4[%swap3A_264, %swap3A_265, %swap3A_266], %swap3A_269 {strides = array<i32>} : memref<1x1x512xi32, #tpu.memory_space<vmem>>, vector<1x1x512xi32>,
    return
  }
  func.func @transform_0(%arg0: i32) -> (i32, i32, i32) {
    %c0_i32 = arith.constant 0 : i32
    %c0_i32_0 = arith.constant 0 : i32
    %c0_i32_1 = arith.constant 0 : i32
    return %arg0, %c0_i32, %c0_i32_0 : i32, i32, i32
  }
  func.func @transform_1(%arg0: i32) -> (i32, i32, i32) {
    %c0_i32 = arith.constant 0 : i32
    %c0_i32_0 = arith.constant 0 : i32
    %c0_i32_1 = arith.constant 0 : i32
    return %arg0, %c0_i32, %c0_i32_0 : i32, i32, i32
  }
  func.func @transform_2(%arg0: i32) -> (i32, i32, i32) {
    %c0_i32 = arith.constant 0 : i32
    %c0_i32_0 = arith.constant 0 : i32
    %c0_i32_1 = arith.constant 0 : i32
    return %arg0, %c0_i32, %c0_i32_0 : i32, i32, i32
  }
  func.func @transform_3(%arg0: i32) -> (i32, i32, i32) {
    %c0_i32 = arith.constant 0 : i32
    %c0_i32_0 = arith.constant 0 : i32
    %c0_i32_1 = arith.constant 0 : i32
    return %arg0, %c0_i32, %c0_i32_0 : i32, i32, i32
  }
}

module attributes {stable_mosaic.version = 14 : i64} {
  func.func @_attn_body(%arg0: memref<64x1024xf32, #tpu.memory_space<vmem>>, %arg1: memref<2048x1024xf32, #tpu.memory_space<vmem>>, %arg2: memref<8x1024xf32, #tpu.memory_space<vmem>>, %arg3: memref<3072x1024xf32, #tpu.memory_space<vmem>>, %arg4: memref<1024x1024xf32, #tpu.memory_space<vmem>>, %arg5: memref<64x1024xf32, #tpu.memory_space<vmem>>) attributes {dimension_semantics = [], scalar_prefetch = 0 : i64, scratch_operands = 0 : i64, tpu.core_type = #tpu.core_type<tc>} {
    %get3A = arith.constant 0 : index
    %get3A_0 = arith.constant 0 : index
    %get3A_1 = vector.load %arg0[%get3A, %get3A_0] : memref<64x1024xf32, #tpu.memory_space<vmem>>, vector<64x1024xf32>
    %get3A_2 = arith.constant 0 : index
    %get3A_3 = arith.constant 0 : index
    %get3A_4 = vector.load %arg1[%get3A_2, %get3A_3] : memref<2048x1024xf32, #tpu.memory_space<vmem>>, vector<2048x1024xf32>
    %get3A_5 = arith.constant 0 : index
    %get3A_6 = arith.constant 0 : index
    %get3A_7 = vector.load %arg2[%get3A_5, %get3A_6] : memref<8x1024xf32, #tpu.memory_space<vmem>>, vector<8x1024xf32>
    %slice3A = vector.extract_strided_slice %get3A_7 {offsets = [0, 0], sizes = [1, 1024], strides = [1, 1]} : vector<8x1024xf32> to vector<1x1024xf32>
    %slice3A_8 = vector.extract_strided_slice %get3A_7 {offsets = [1, 0], sizes = [1, 1024], strides = [1, 1]} : vector<8x1024xf32> to vector<1x1024xf32>
    %reduce_sum3A = arith.constant dense<0.000000e+00> : vector<64xf32>
    %reduce_sum3A_9 = vector.multi_reduction <add>, %get3A_1, %reduce_sum3A [1] : vector<64x1024xf32> to vector<64xf32>
    %broadcast_in_dim3A = vector.shape_cast %reduce_sum3A_9 : vector<64xf32> to vector<64x1xf32>
    %div3A = arith.constant 1.024000e+03 : f32
    %div3A_10 = vector.broadcast %div3A : f32 to vector<64x1xf32>
    %div3A_11 = arith.divf %broadcast_in_dim3A, %div3A_10 : vector<64x1xf32>
    %sub3A = vector.broadcast %div3A_11 : vector<64x1xf32> to vector<64x1024xf32>
    %sub3A_12 = arith.subf %get3A_1, %sub3A : vector<64x1024xf32>
    %mul3A = arith.mulf %sub3A_12, %sub3A_12 : vector<64x1024xf32>
    %reduce_sum3A_13 = arith.constant dense<0.000000e+00> : vector<64xf32>
    %reduce_sum3A_14 = vector.multi_reduction <add>, %mul3A, %reduce_sum3A_13 [1] : vector<64x1024xf32> to vector<64xf32>
    %broadcast_in_dim3A_15 = vector.shape_cast %reduce_sum3A_14 : vector<64xf32> to vector<64x1xf32>
    %div3A_16 = arith.constant 1.024000e+03 : f32
    %div3A_17 = vector.broadcast %div3A_16 : f32 to vector<64x1xf32>
    %div3A_18 = arith.divf %broadcast_in_dim3A_15, %div3A_17 : vector<64x1xf32>
    %add3A = arith.constant 9.99999974E-6 : f32
    %add3A_19 = vector.broadcast %add3A : f32 to vector<64x1xf32>
    %add3A_20 = arith.addf %div3A_18, %add3A_19 : vector<64x1xf32>
    %sqrt3A = math.sqrt %add3A_20 : vector<64x1xf32>
    %div3A_21 = vector.broadcast %sqrt3A : vector<64x1xf32> to vector<64x1024xf32>
    %div3A_22 = arith.divf %sub3A_12, %div3A_21 : vector<64x1024xf32>
    %mul3A_23 = vector.broadcast %slice3A : vector<1x1024xf32> to vector<64x1024xf32>
    %mul3A_24 = arith.mulf %div3A_22, %mul3A_23 : vector<64x1024xf32>
    %add3A_25 = vector.broadcast %slice3A_8 : vector<1x1024xf32> to vector<64x1024xf32>
    %add3A_26 = arith.addf %mul3A_24, %add3A_25 : vector<64x1024xf32>
    %slice3A_27 = vector.extract_strided_slice %get3A_7 {offsets = [2, 0], sizes = [1, 1024], strides = [1, 1]} : vector<8x1024xf32> to vector<1x1024xf32>
    %slice3A_28 = vector.extract_strided_slice %get3A_7 {offsets = [3, 0], sizes = [1, 1024], strides = [1, 1]} : vector<8x1024xf32> to vector<1x1024xf32>
    %reduce_sum3A_29 = arith.constant dense<0.000000e+00> : vector<2048xf32>
    %reduce_sum3A_30 = vector.multi_reduction <add>, %get3A_4, %reduce_sum3A_29 [1] : vector<2048x1024xf32> to vector<2048xf32>
    %broadcast_in_dim3A_31 = vector.shape_cast %reduce_sum3A_30 : vector<2048xf32> to vector<2048x1xf32>
    %div3A_32 = arith.constant 1.024000e+03 : f32
    %div3A_33 = vector.broadcast %div3A_32 : f32 to vector<2048x1xf32>
    %div3A_34 = arith.divf %broadcast_in_dim3A_31, %div3A_33 : vector<2048x1xf32>
    %sub3A_35 = vector.broadcast %div3A_34 : vector<2048x1xf32> to vector<2048x1024xf32>
    %sub3A_36 = arith.subf %get3A_4, %sub3A_35 : vector<2048x1024xf32>
    %mul3A_37 = arith.mulf %sub3A_36, %sub3A_36 : vector<2048x1024xf32>
    %reduce_sum3A_38 = arith.constant dense<0.000000e+00> : vector<2048xf32>
    %reduce_sum3A_39 = vector.multi_reduction <add>, %mul3A_37, %reduce_sum3A_38 [1] : vector<2048x1024xf32> to vector<2048xf32>
    %broadcast_in_dim3A_40 = vector.shape_cast %reduce_sum3A_39 : vector<2048xf32> to vector<2048x1xf32>
    %div3A_41 = arith.constant 1.024000e+03 : f32
    %div3A_42 = vector.broadcast %div3A_41 : f32 to vector<2048x1xf32>
    %div3A_43 = arith.divf %broadcast_in_dim3A_40, %div3A_42 : vector<2048x1xf32>
    %add3A_44 = arith.constant 9.99999974E-6 : f32
    %add3A_45 = vector.broadcast %add3A_44 : f32 to vector<2048x1xf32>
    %add3A_46 = arith.addf %div3A_43, %add3A_45 : vector<2048x1xf32>
    %sqrt3A_47 = math.sqrt %add3A_46 : vector<2048x1xf32>
    %div3A_48 = vector.broadcast %sqrt3A_47 : vector<2048x1xf32> to vector<2048x1024xf32>
    %div3A_49 = arith.divf %sub3A_36, %div3A_48 : vector<2048x1024xf32>
    %mul3A_50 = vector.broadcast %slice3A_27 : vector<1x1024xf32> to vector<2048x1024xf32>
    %mul3A_51 = arith.mulf %div3A_49, %mul3A_50 : vector<2048x1024xf32>
    %add3A_52 = vector.broadcast %slice3A_28 : vector<1x1024xf32> to vector<2048x1024xf32>
    %add3A_53 = arith.addf %mul3A_51, %add3A_52 : vector<2048x1024xf32>
    %get3A_54 = arith.constant 0 : index
    %get3A_55 = arith.constant 0 : index
    %get3A_56 = vector.load %arg3[%get3A_54, %get3A_55] : memref<3072x1024xf32, #tpu.memory_space<vmem>>, vector<1024x1024xf32>
    %get3A_57 = arith.constant 1024 : index
    %get3A_58 = arith.constant 0 : index
    %get3A_59 = vector.load %arg3[%get3A_57, %get3A_58] : memref<3072x1024xf32, #tpu.memory_space<vmem>>, vector<1024x1024xf32>
    %get3A_60 = arith.constant 2048 : index
    %get3A_61 = arith.constant 0 : index
    %get3A_62 = vector.load %arg3[%get3A_60, %get3A_61] : memref<3072x1024xf32, #tpu.memory_space<vmem>>, vector<1024x1024xf32>
    %convert_element_type3A = arith.truncf %add3A_26 : vector<64x1024xf32> to vector<64x1024xbf16>
    %convert_element_type3A_63 = arith.truncf %get3A_56 : vector<1024x1024xf32> to vector<1024x1024xbf16>
    %dot_general3A = arith.constant dense<0.000000e+00> : vector<64x1024xf32>
    %dot_general3A_64 = tpu.matmul %convert_element_type3A, %convert_element_type3A_63, %dot_general3A {dimension_numbers = #tpu.dot_dimension_numbers<[1], [1], [0], [0], [0, 0, 1, 0], [], []>, transpose_lhs_hint = false} : vector<64x1024xbf16>, vector<1024x1024xbf16>, vector<64x1024xf32> -> vector<64x1024xf32>
    %slice3A_65 = vector.extract_strided_slice %get3A_7 {offsets = [4, 0], sizes = [1, 1024], strides = [1, 1]} : vector<8x1024xf32> to vector<1x1024xf32>
    %add3A_66 = vector.broadcast %slice3A_65 : vector<1x1024xf32> to vector<64x1024xf32>
    %add3A_67 = arith.addf %dot_general3A_64, %add3A_66 : vector<64x1024xf32>
    %convert_element_type3A_68 = arith.truncf %add3A_53 : vector<2048x1024xf32> to vector<2048x1024xbf16>
    %convert_element_type3A_69 = arith.truncf %get3A_59 : vector<1024x1024xf32> to vector<1024x1024xbf16>
    %dot_general3A_70 = arith.constant dense<0.000000e+00> : vector<2048x1024xf32>
    %dot_general3A_71 = tpu.matmul %convert_element_type3A_68, %convert_element_type3A_69, %dot_general3A_70 {dimension_numbers = #tpu.dot_dimension_numbers<[1], [1], [0], [0], [0, 0, 1, 0], [], []>, transpose_lhs_hint = false} : vector<2048x1024xbf16>, vector<1024x1024xbf16>, vector<2048x1024xf32> -> vector<2048x1024xf32>
    %slice3A_72 = vector.extract_strided_slice %get3A_7 {offsets = [5, 0], sizes = [1, 1024], strides = [1, 1]} : vector<8x1024xf32> to vector<1x1024xf32>
    %add3A_73 = vector.broadcast %slice3A_72 : vector<1x1024xf32> to vector<2048x1024xf32>
    %add3A_74 = arith.addf %dot_general3A_71, %add3A_73 : vector<2048x1024xf32>
    %convert_element_type3A_75 = arith.truncf %get3A_4 : vector<2048x1024xf32> to vector<2048x1024xbf16>
    %convert_element_type3A_76 = arith.truncf %get3A_62 : vector<1024x1024xf32> to vector<1024x1024xbf16>
    %dot_general3A_77 = arith.constant dense<0.000000e+00> : vector<2048x1024xf32>
    %dot_general3A_78 = tpu.matmul %convert_element_type3A_75, %convert_element_type3A_76, %dot_general3A_77 {dimension_numbers = #tpu.dot_dimension_numbers<[1], [1], [0], [0], [0, 0, 1, 0], [], []>, transpose_lhs_hint = false} : vector<2048x1024xbf16>, vector<1024x1024xbf16>, vector<2048x1024xf32> -> vector<2048x1024xf32>
    %slice3A_79 = vector.extract_strided_slice %get3A_7 {offsets = [6, 0], sizes = [1, 1024], strides = [1, 1]} : vector<8x1024xf32> to vector<1x1024xf32>
    %add3A_80 = vector.broadcast %slice3A_79 : vector<1x1024xf32> to vector<2048x1024xf32>
    %add3A_81 = arith.addf %dot_general3A_78, %add3A_80 : vector<2048x1024xf32>
    %slice3A_82 = vector.extract_strided_slice %add3A_67 {offsets = [0, 0], sizes = [16, 64], strides = [1, 1]} : vector<64x1024xf32> to vector<16x64xf32>
    %slice3A_83 = vector.extract_strided_slice %add3A_74 {offsets = [0, 0], sizes = [512, 64], strides = [1, 1]} : vector<2048x1024xf32> to vector<512x64xf32>
    %slice3A_84 = vector.extract_strided_slice %add3A_81 {offsets = [0, 0], sizes = [512, 64], strides = [1, 1]} : vector<2048x1024xf32> to vector<512x64xf32>
    %convert_element_type3A_85 = arith.truncf %slice3A_82 : vector<16x64xf32> to vector<16x64xbf16>
    %convert_element_type3A_86 = arith.truncf %slice3A_83 : vector<512x64xf32> to vector<512x64xbf16>
    %dot_general3A_87 = arith.constant dense<0.000000e+00> : vector<16x512xf32>
    %dot_general3A_88 = tpu.matmul %convert_element_type3A_85, %convert_element_type3A_86, %dot_general3A_87 {dimension_numbers = #tpu.dot_dimension_numbers<[1], [1], [0], [0], [0, 0, 1, 0], [], []>, transpose_lhs_hint = false} : vector<16x64xbf16>, vector<512x64xbf16>, vector<16x512xf32> -> vector<16x512xf32>
    %mul3A_89 = arith.constant 1.250000e-01 : f32
    %mul3A_90 = vector.broadcast %mul3A_89 : f32 to vector<16x512xf32>
    %mul3A_91 = arith.mulf %dot_general3A_88, %mul3A_90 : vector<16x512xf32>
    %reduce_max3A = arith.constant dense<0xFF800000> : vector<16xf32>
    %reduce_max3A_92 = vector.multi_reduction <maximumf>, %mul3A_91, %reduce_max3A [1] : vector<16x512xf32> to vector<16xf32>
    %broadcast_in_dim3A_93 = vector.shape_cast %reduce_max3A_92 : vector<16xf32> to vector<16x1xf32>
    %sub3A_94 = vector.broadcast %broadcast_in_dim3A_93 : vector<16x1xf32> to vector<16x512xf32>
    %sub3A_95 = arith.subf %mul3A_91, %sub3A_94 : vector<16x512xf32>
    %exp3A = math.exp %sub3A_95 : vector<16x512xf32>
    %reduce_sum3A_96 = arith.constant dense<0.000000e+00> : vector<16xf32>
    %reduce_sum3A_97 = vector.multi_reduction <add>, %exp3A, %reduce_sum3A_96 [1] : vector<16x512xf32> to vector<16xf32>
    %broadcast_in_dim3A_98 = vector.shape_cast %reduce_sum3A_97 : vector<16xf32> to vector<16x1xf32>
    %div3A_99 = vector.broadcast %broadcast_in_dim3A_98 : vector<16x1xf32> to vector<16x512xf32>
    %div3A_100 = arith.divf %exp3A, %div3A_99 : vector<16x512xf32>
    %convert_element_type3A_101 = arith.truncf %div3A_100 : vector<16x512xf32> to vector<16x512xbf16>
    %convert_element_type3A_102 = arith.truncf %slice3A_84 : vector<512x64xf32> to vector<512x64xbf16>
    %dot_general3A_103 = arith.constant dense<0.000000e+00> : vector<16x64xf32>
    %dot_general3A_104 = tpu.matmul %convert_element_type3A_101, %convert_element_type3A_102, %dot_general3A_103 {dimension_numbers = #tpu.dot_dimension_numbers<[1], [0], [0], [1], [0, 0, 1, 1], [], []>, transpose_lhs_hint = false} : vector<16x512xbf16>, vector<512x64xbf16>, vector<16x64xf32> -> vector<16x64xf32>
    %slice3A_105 = vector.extract_strided_slice %add3A_67 {offsets = [0, 64], sizes = [16, 64], strides = [1, 1]} : vector<64x1024xf32> to vector<16x64xf32>
    %slice3A_106 = vector.extract_strided_slice %add3A_74 {offsets = [0, 64], sizes = [512, 64], strides = [1, 1]} : vector<2048x1024xf32> to vector<512x64xf32>
    %slice3A_107 = vector.extract_strided_slice %add3A_81 {offsets = [0, 64], sizes = [512, 64], strides = [1, 1]} : vector<2048x1024xf32> to vector<512x64xf32>
    %convert_element_type3A_108 = arith.truncf %slice3A_105 : vector<16x64xf32> to vector<16x64xbf16>
    %convert_element_type3A_109 = arith.truncf %slice3A_106 : vector<512x64xf32> to vector<512x64xbf16>
    %dot_general3A_110 = arith.constant dense<0.000000e+00> : vector<16x512xf32>
    %dot_general3A_111 = tpu.matmul %convert_element_type3A_108, %convert_element_type3A_109, %dot_general3A_110 {dimension_numbers = #tpu.dot_dimension_numbers<[1], [1], [0], [0], [0, 0, 1, 0], [], []>, transpose_lhs_hint = false} : vector<16x64xbf16>, vector<512x64xbf16>, vector<16x512xf32> -> vector<16x512xf32>
    %mul3A_112 = arith.constant 1.250000e-01 : f32
    %mul3A_113 = vector.broadcast %mul3A_112 : f32 to vector<16x512xf32>
    %mul3A_114 = arith.mulf %dot_general3A_111, %mul3A_113 : vector<16x512xf32>
    %reduce_max3A_115 = arith.constant dense<0xFF800000> : vector<16xf32>
    %reduce_max3A_116 = vector.multi_reduction <maximumf>, %mul3A_114, %reduce_max3A_115 [1] : vector<16x512xf32> to vector<16xf32>
    %broadcast_in_dim3A_117 = vector.shape_cast %reduce_max3A_116 : vector<16xf32> to vector<16x1xf32>
    %sub3A_118 = vector.broadcast %broadcast_in_dim3A_117 : vector<16x1xf32> to vector<16x512xf32>
    %sub3A_119 = arith.subf %mul3A_114, %sub3A_118 : vector<16x512xf32>
    %exp3A_120 = math.exp %sub3A_119 : vector<16x512xf32>
    %reduce_sum3A_121 = arith.constant dense<0.000000e+00> : vector<16xf32>
    %reduce_sum3A_122 = vector.multi_reduction <add>, %exp3A_120, %reduce_sum3A_121 [1] : vector<16x512xf32> to vector<16xf32>
    %broadcast_in_dim3A_123 = vector.shape_cast %reduce_sum3A_122 : vector<16xf32> to vector<16x1xf32>
    %div3A_124 = vector.broadcast %broadcast_in_dim3A_123 : vector<16x1xf32> to vector<16x512xf32>
    %div3A_125 = arith.divf %exp3A_120, %div3A_124 : vector<16x512xf32>
    %convert_element_type3A_126 = arith.truncf %div3A_125 : vector<16x512xf32> to vector<16x512xbf16>
    %convert_element_type3A_127 = arith.truncf %slice3A_107 : vector<512x64xf32> to vector<512x64xbf16>
    %dot_general3A_128 = arith.constant dense<0.000000e+00> : vector<16x64xf32>
    %dot_general3A_129 = tpu.matmul %convert_element_type3A_126, %convert_element_type3A_127, %dot_general3A_128 {dimension_numbers = #tpu.dot_dimension_numbers<[1], [0], [0], [1], [0, 0, 1, 1], [], []>, transpose_lhs_hint = false} : vector<16x512xbf16>, vector<512x64xbf16>, vector<16x64xf32> -> vector<16x64xf32>
    %slice3A_130 = vector.extract_strided_slice %add3A_67 {offsets = [0, 128], sizes = [16, 64], strides = [1, 1]} : vector<64x1024xf32> to vector<16x64xf32>
    %slice3A_131 = vector.extract_strided_slice %add3A_74 {offsets = [0, 128], sizes = [512, 64], strides = [1, 1]} : vector<2048x1024xf32> to vector<512x64xf32>
    %slice3A_132 = vector.extract_strided_slice %add3A_81 {offsets = [0, 128], sizes = [512, 64], strides = [1, 1]} : vector<2048x1024xf32> to vector<512x64xf32>
    %convert_element_type3A_133 = arith.truncf %slice3A_130 : vector<16x64xf32> to vector<16x64xbf16>
    %convert_element_type3A_134 = arith.truncf %slice3A_131 : vector<512x64xf32> to vector<512x64xbf16>
    %dot_general3A_135 = arith.constant dense<0.000000e+00> : vector<16x512xf32>
    %dot_general3A_136 = tpu.matmul %convert_element_type3A_133, %convert_element_type3A_134, %dot_general3A_135 {dimension_numbers = #tpu.dot_dimension_numbers<[1], [1], [0], [0], [0, 0, 1, 0], [], []>, transpose_lhs_hint = false} : vector<16x64xbf16>, vector<512x64xbf16>, vector<16x512xf32> -> vector<16x512xf32>
    %mul3A_137 = arith.constant 1.250000e-01 : f32
    %mul3A_138 = vector.broadcast %mul3A_137 : f32 to vector<16x512xf32>
    %mul3A_139 = arith.mulf %dot_general3A_136, %mul3A_138 : vector<16x512xf32>
    %reduce_max3A_140 = arith.constant dense<0xFF800000> : vector<16xf32>
    %reduce_max3A_141 = vector.multi_reduction <maximumf>, %mul3A_139, %reduce_max3A_140 [1] : vector<16x512xf32> to vector<16xf32>
    %broadcast_in_dim3A_142 = vector.shape_cast %reduce_max3A_141 : vector<16xf32> to vector<16x1xf32>
    %sub3A_143 = vector.broadcast %broadcast_in_dim3A_142 : vector<16x1xf32> to vector<16x512xf32>
    %sub3A_144 = arith.subf %mul3A_139, %sub3A_143 : vector<16x512xf32>
    %exp3A_145 = math.exp %sub3A_144 : vector<16x512xf32>
    %reduce_sum3A_146 = arith.constant dense<0.000000e+00> : vector<16xf32>
    %reduce_sum3A_147 = vector.multi_reduction <add>, %exp3A_145, %reduce_sum3A_146 [1] : vector<16x512xf32> to vector<16xf32>
    %broadcast_in_dim3A_148 = vector.shape_cast %reduce_sum3A_147 : vector<16xf32> to vector<16x1xf32>
    %div3A_149 = vector.broadcast %broadcast_in_dim3A_148 : vector<16x1xf32> to vector<16x512xf32>
    %div3A_150 = arith.divf %exp3A_145, %div3A_149 : vector<16x512xf32>
    %convert_element_type3A_151 = arith.truncf %div3A_150 : vector<16x512xf32> to vector<16x512xbf16>
    %convert_element_type3A_152 = arith.truncf %slice3A_132 : vector<512x64xf32> to vector<512x64xbf16>
    %dot_general3A_153 = arith.constant dense<0.000000e+00> : vector<16x64xf32>
    %dot_general3A_154 = tpu.matmul %convert_element_type3A_151, %convert_element_type3A_152, %dot_general3A_153 {dimension_numbers = #tpu.dot_dimension_numbers<[1], [0], [0], [1], [0, 0, 1, 1], [], []>, transpose_lhs_hint = false} : vector<16x512xbf16>, vector<512x64xbf16>, vector<16x64xf32> -> vector<16x64xf32>
    %slice3A_155 = vector.extract_strided_slice %add3A_67 {offsets = [0, 192], sizes = [16, 64], strides = [1, 1]} : vector<64x1024xf32> to vector<16x64xf32>
    %slice3A_156 = vector.extract_strided_slice %add3A_74 {offsets = [0, 192], sizes = [512, 64], strides = [1, 1]} : vector<2048x1024xf32> to vector<512x64xf32>
    %slice3A_157 = vector.extract_strided_slice %add3A_81 {offsets = [0, 192], sizes = [512, 64], strides = [1, 1]} : vector<2048x1024xf32> to vector<512x64xf32>
    %convert_element_type3A_158 = arith.truncf %slice3A_155 : vector<16x64xf32> to vector<16x64xbf16>
    %convert_element_type3A_159 = arith.truncf %slice3A_156 : vector<512x64xf32> to vector<512x64xbf16>
    %dot_general3A_160 = arith.constant dense<0.000000e+00> : vector<16x512xf32>
    %dot_general3A_161 = tpu.matmul %convert_element_type3A_158, %convert_element_type3A_159, %dot_general3A_160 {dimension_numbers = #tpu.dot_dimension_numbers<[1], [1], [0], [0], [0, 0, 1, 0], [], []>, transpose_lhs_hint = false} : vector<16x64xbf16>, vector<512x64xbf16>, vector<16x512xf32> -> vector<16x512xf32>
    %mul3A_162 = arith.constant 1.250000e-01 : f32
    %mul3A_163 = vector.broadcast %mul3A_162 : f32 to vector<16x512xf32>
    %mul3A_164 = arith.mulf %dot_general3A_161, %mul3A_163 : vector<16x512xf32>
    %reduce_max3A_165 = arith.constant dense<0xFF800000> : vector<16xf32>
    %reduce_max3A_166 = vector.multi_reduction <maximumf>, %mul3A_164, %reduce_max3A_165 [1] : vector<16x512xf32> to vector<16xf32>
    %broadcast_in_dim3A_167 = vector.shape_cast %reduce_max3A_166 : vector<16xf32> to vector<16x1xf32>
    %sub3A_168 = vector.broadcast %broadcast_in_dim3A_167 : vector<16x1xf32> to vector<16x512xf32>
    %sub3A_169 = arith.subf %mul3A_164, %sub3A_168 : vector<16x512xf32>
    %exp3A_170 = math.exp %sub3A_169 : vector<16x512xf32>
    %reduce_sum3A_171 = arith.constant dense<0.000000e+00> : vector<16xf32>
    %reduce_sum3A_172 = vector.multi_reduction <add>, %exp3A_170, %reduce_sum3A_171 [1] : vector<16x512xf32> to vector<16xf32>
    %broadcast_in_dim3A_173 = vector.shape_cast %reduce_sum3A_172 : vector<16xf32> to vector<16x1xf32>
    %div3A_174 = vector.broadcast %broadcast_in_dim3A_173 : vector<16x1xf32> to vector<16x512xf32>
    %div3A_175 = arith.divf %exp3A_170, %div3A_174 : vector<16x512xf32>
    %convert_element_type3A_176 = arith.truncf %div3A_175 : vector<16x512xf32> to vector<16x512xbf16>
    %convert_element_type3A_177 = arith.truncf %slice3A_157 : vector<512x64xf32> to vector<512x64xbf16>
    %dot_general3A_178 = arith.constant dense<0.000000e+00> : vector<16x64xf32>
    %dot_general3A_179 = tpu.matmul %convert_element_type3A_176, %convert_element_type3A_177, %dot_general3A_178 {dimension_numbers = #tpu.dot_dimension_numbers<[1], [0], [0], [1], [0, 0, 1, 1], [], []>, transpose_lhs_hint = false} : vector<16x512xbf16>, vector<512x64xbf16>, vector<16x64xf32> -> vector<16x64xf32>
    %slice3A_180 = vector.extract_strided_slice %add3A_67 {offsets = [0, 256], sizes = [16, 64], strides = [1, 1]} : vector<64x1024xf32> to vector<16x64xf32>
    %slice3A_181 = vector.extract_strided_slice %add3A_74 {offsets = [0, 256], sizes = [512, 64], strides = [1, 1]} : vector<2048x1024xf32> to vector<512x64xf32>
    %slice3A_182 = vector.extract_strided_slice %add3A_81 {offsets = [0, 256], sizes = [512, 64], strides = [1, 1]} : vector<2048x1024xf32> to vector<512x64xf32>
    %convert_element_type3A_183 = arith.truncf %slice3A_180 : vector<16x64xf32> to vector<16x64xbf16>
    %convert_element_type3A_184 = arith.truncf %slice3A_181 : vector<512x64xf32> to vector<512x64xbf16>
    %dot_general3A_185 = arith.constant dense<0.000000e+00> : vector<16x512xf32>
    %dot_general3A_186 = tpu.matmul %convert_element_type3A_183, %convert_element_type3A_184, %dot_general3A_185 {dimension_numbers = #tpu.dot_dimension_numbers<[1], [1], [0], [0], [0, 0, 1, 0], [], []>, transpose_lhs_hint = false} : vector<16x64xbf16>, vector<512x64xbf16>, vector<16x512xf32> -> vector<16x512xf32>
    %mul3A_187 = arith.constant 1.250000e-01 : f32
    %mul3A_188 = vector.broadcast %mul3A_187 : f32 to vector<16x512xf32>
    %mul3A_189 = arith.mulf %dot_general3A_186, %mul3A_188 : vector<16x512xf32>
    %reduce_max3A_190 = arith.constant dense<0xFF800000> : vector<16xf32>
    %reduce_max3A_191 = vector.multi_reduction <maximumf>, %mul3A_189, %reduce_max3A_190 [1] : vector<16x512xf32> to vector<16xf32>
    %broadcast_in_dim3A_192 = vector.shape_cast %reduce_max3A_191 : vector<16xf32> to vector<16x1xf32>
    %sub3A_193 = vector.broadcast %broadcast_in_dim3A_192 : vector<16x1xf32> to vector<16x512xf32>
    %sub3A_194 = arith.subf %mul3A_189, %sub3A_193 : vector<16x512xf32>
    %exp3A_195 = math.exp %sub3A_194 : vector<16x512xf32>
    %reduce_sum3A_196 = arith.constant dense<0.000000e+00> : vector<16xf32>
    %reduce_sum3A_197 = vector.multi_reduction <add>, %exp3A_195, %reduce_sum3A_196 [1] : vector<16x512xf32> to vector<16xf32>
    %broadcast_in_dim3A_198 = vector.shape_cast %reduce_sum3A_197 : vector<16xf32> to vector<16x1xf32>
    %div3A_199 = vector.broadcast %broadcast_in_dim3A_198 : vector<16x1xf32> to vector<16x512xf32>
    %div3A_200 = arith.divf %exp3A_195, %div3A_199 : vector<16x512xf32>
    %convert_element_type3A_201 = arith.truncf %div3A_200 : vector<16x512xf32> to vector<16x512xbf16>
    %convert_element_type3A_202 = arith.truncf %slice3A_182 : vector<512x64xf32> to vector<512x64xbf16>
    %dot_general3A_203 = arith.constant dense<0.000000e+00> : vector<16x64xf32>
    %dot_general3A_204 = tpu.matmul %convert_element_type3A_201, %convert_element_type3A_202, %dot_general3A_203 {dimension_numbers = #tpu.dot_dimension_numbers<[1], [0], [0], [1], [0, 0, 1, 1], [], []>, transpose_lhs_hint = false} : vector<16x512xbf16>, vector<512x64xbf16>, vector<16x64xf32> -> vector<16x64xf32>
    %slice3A_205 = vector.extract_strided_slice %add3A_67 {offsets = [0, 320], sizes = [16, 64], strides = [1, 1]} : vector<64x1024xf32> to vector<16x64xf32>
    %slice3A_206 = vector.extract_strided_slice %add3A_74 {offsets = [0, 320], sizes = [512, 64], strides = [1, 1]} : vector<2048x1024xf32> to vector<512x64xf32>
    %slice3A_207 = vector.extract_strided_slice %add3A_81 {offsets = [0, 320], sizes = [512, 64], strides = [1, 1]} : vector<2048x1024xf32> to vector<512x64xf32>
    %convert_element_type3A_208 = arith.truncf %slice3A_205 : vector<16x64xf32> to vector<16x64xbf16>
    %convert_element_type3A_209 = arith.truncf %slice3A_206 : vector<512x64xf32> to vector<512x64xbf16>
    %dot_general3A_210 = arith.constant dense<0.000000e+00> : vector<16x512xf32>
    %dot_general3A_211 = tpu.matmul %convert_element_type3A_208, %convert_element_type3A_209, %dot_general3A_210 {dimension_numbers = #tpu.dot_dimension_numbers<[1], [1], [0], [0], [0, 0, 1, 0], [], []>, transpose_lhs_hint = false} : vector<16x64xbf16>, vector<512x64xbf16>, vector<16x512xf32> -> vector<16x512xf32>
    %mul3A_212 = arith.constant 1.250000e-01 : f32
    %mul3A_213 = vector.broadcast %mul3A_212 : f32 to vector<16x512xf32>
    %mul3A_214 = arith.mulf %dot_general3A_211, %mul3A_213 : vector<16x512xf32>
    %reduce_max3A_215 = arith.constant dense<0xFF800000> : vector<16xf32>
    %reduce_max3A_216 = vector.multi_reduction <maximumf>, %mul3A_214, %reduce_max3A_215 [1] : vector<16x512xf32> to vector<16xf32>
    %broadcast_in_dim3A_217 = vector.shape_cast %reduce_max3A_216 : vector<16xf32> to vector<16x1xf32>
    %sub3A_218 = vector.broadcast %broadcast_in_dim3A_217 : vector<16x1xf32> to vector<16x512xf32>
    %sub3A_219 = arith.subf %mul3A_214, %sub3A_218 : vector<16x512xf32>
    %exp3A_220 = math.exp %sub3A_219 : vector<16x512xf32>
    %reduce_sum3A_221 = arith.constant dense<0.000000e+00> : vector<16xf32>
    %reduce_sum3A_222 = vector.multi_reduction <add>, %exp3A_220, %reduce_sum3A_221 [1] : vector<16x512xf32> to vector<16xf32>
    %broadcast_in_dim3A_223 = vector.shape_cast %reduce_sum3A_222 : vector<16xf32> to vector<16x1xf32>
    %div3A_224 = vector.broadcast %broadcast_in_dim3A_223 : vector<16x1xf32> to vector<16x512xf32>
    %div3A_225 = arith.divf %exp3A_220, %div3A_224 : vector<16x512xf32>
    %convert_element_type3A_226 = arith.truncf %div3A_225 : vector<16x512xf32> to vector<16x512xbf16>
    %convert_element_type3A_227 = arith.truncf %slice3A_207 : vector<512x64xf32> to vector<512x64xbf16>
    %dot_general3A_228 = arith.constant dense<0.000000e+00> : vector<16x64xf32>
    %dot_general3A_229 = tpu.matmul %convert_element_type3A_226, %convert_element_type3A_227, %dot_general3A_228 {dimension_numbers = #tpu.dot_dimension_numbers<[1], [0], [0], [1], [0, 0, 1, 1], [], []>, transpose_lhs_hint = false} : vector<16x512xbf16>, vector<512x64xbf16>, vector<16x64xf32> -> vector<16x64xf32>
    %slice3A_230 = vector.extract_strided_slice %add3A_67 {offsets = [0, 384], sizes = [16, 64], strides = [1, 1]} : vector<64x1024xf32> to vector<16x64xf32>
    %slice3A_231 = vector.extract_strided_slice %add3A_74 {offsets = [0, 384], sizes = [512, 64], strides = [1, 1]} : vector<2048x1024xf32> to vector<512x64xf32>
    %slice3A_232 = vector.extract_strided_slice %add3A_81 {offsets = [0, 384], sizes = [512, 64], strides = [1, 1]} : vector<2048x1024xf32> to vector<512x64xf32>
    %convert_element_type3A_233 = arith.truncf %slice3A_230 : vector<16x64xf32> to vector<16x64xbf16>
    %convert_element_type3A_234 = arith.truncf %slice3A_231 : vector<512x64xf32> to vector<512x64xbf16>
    %dot_general3A_235 = arith.constant dense<0.000000e+00> : vector<16x512xf32>
    %dot_general3A_236 = tpu.matmul %convert_element_type3A_233, %convert_element_type3A_234, %dot_general3A_235 {dimension_numbers = #tpu.dot_dimension_numbers<[1], [1], [0], [0], [0, 0, 1, 0], [], []>, transpose_lhs_hint = false} : vector<16x64xbf16>, vector<512x64xbf16>, vector<16x512xf32> -> vector<16x512xf32>
    %mul3A_237 = arith.constant 1.250000e-01 : f32
    %mul3A_238 = vector.broadcast %mul3A_237 : f32 to vector<16x512xf32>
    %mul3A_239 = arith.mulf %dot_general3A_236, %mul3A_238 : vector<16x512xf32>
    %reduce_max3A_240 = arith.constant dense<0xFF800000> : vector<16xf32>
    %reduce_max3A_241 = vector.multi_reduction <maximumf>, %mul3A_239, %reduce_max3A_240 [1] : vector<16x512xf32> to vector<16xf32>
    %broadcast_in_dim3A_242 = vector.shape_cast %reduce_max3A_241 : vector<16xf32> to vector<16x1xf32>
    %sub3A_243 = vector.broadcast %broadcast_in_dim3A_242 : vector<16x1xf32> to vector<16x512xf32>
    %sub3A_244 = arith.subf %mul3A_239, %sub3A_243 : vector<16x512xf32>
    %exp3A_245 = math.exp %sub3A_244 : vector<16x512xf32>
    %reduce_sum3A_246 = arith.constant dense<0.000000e+00> : vector<16xf32>
    %reduce_sum3A_247 = vector.multi_reduction <add>, %exp3A_245, %reduce_sum3A_246 [1] : vector<16x512xf32> to vector<16xf32>
    %broadcast_in_dim3A_248 = vector.shape_cast %reduce_sum3A_247 : vector<16xf32> to vector<16x1xf32>
    %div3A_249 = vector.broadcast %broadcast_in_dim3A_248 : vector<16x1xf32> to vector<16x512xf32>
    %div3A_250 = arith.divf %exp3A_245, %div3A_249 : vector<16x512xf32>
    %convert_element_type3A_251 = arith.truncf %div3A_250 : vector<16x512xf32> to vector<16x512xbf16>
    %convert_element_type3A_252 = arith.truncf %slice3A_232 : vector<512x64xf32> to vector<512x64xbf16>
    %dot_general3A_253 = arith.constant dense<0.000000e+00> : vector<16x64xf32>
    %dot_general3A_254 = tpu.matmul %convert_element_type3A_251, %convert_element_type3A_252, %dot_general3A_253 {dimension_numbers = #tpu.dot_dimension_numbers<[1], [0], [0], [1], [0, 0, 1, 1], [], []>, transpose_lhs_hint = false} : vector<16x512xbf16>, vector<512x64xbf16>, vector<16x64xf32> -> vector<16x64xf32>
    %slice3A_255 = vector.extract_strided_slice %add3A_67 {offsets = [0, 448], sizes = [16, 64], strides = [1, 1]} : vector<64x1024xf32> to vector<16x64xf32>
    %slice3A_256 = vector.extract_strided_slice %add3A_74 {offsets = [0, 448], sizes = [512, 64], strides = [1, 1]} : vector<2048x1024xf32> to vector<512x64xf32>
    %slice3A_257 = vector.extract_strided_slice %add3A_81 {offsets = [0, 448], sizes = [512, 64], strides = [1, 1]} : vector<2048x1024xf32> to vector<512x64xf32>
    %convert_element_type3A_258 = arith.truncf %slice3A_255 : vector<16x64xf32> to vector<16x64xbf16>
    %convert_element_type3A_259 = arith.truncf %slice3A_256 : vector<512x64xf32> to vector<512x64xbf16>
    %dot_general3A_260 = arith.constant dense<0.000000e+00> : vector<16x512xf32>
    %dot_general3A_261 = tpu.matmul %convert_element_type3A_258, %convert_element_type3A_259, %dot_general3A_260 {dimension_numbers = #tpu.dot_dimension_numbers<[1], [1], [0], [0], [0, 0, 1, 0], [], []>, transpose_lhs_hint = false} : vector<16x64xbf16>, vector<512x64xbf16>, vector<16x512xf32> -> vector<16x512xf32>
    %mul3A_262 = arith.constant 1.250000e-01 : f32
    %mul3A_263 = vector.broadcast %mul3A_262 : f32 to vector<16x512xf32>
    %mul3A_264 = arith.mulf %dot_general3A_261, %mul3A_263 : vector<16x512xf32>
    %reduce_max3A_265 = arith.constant dense<0xFF800000> : vector<16xf32>
    %reduce_max3A_266 = vector.multi_reduction <maximumf>, %mul3A_264, %reduce_max3A_265 [1] : vector<16x512xf32> to vector<16xf32>
    %broadcast_in_dim3A_267 = vector.shape_cast %reduce_max3A_266 : vector<16xf32> to vector<16x1xf32>
    %sub3A_268 = vector.broadcast %broadcast_in_dim3A_267 : vector<16x1xf32> to vector<16x512xf32>
    %sub3A_269 = arith.subf %mul3A_264, %sub3A_268 : vector<16x512xf32>
    %exp3A_270 = math.exp %sub3A_269 : vector<16x512xf32>
    %reduce_sum3A_271 = arith.constant dense<0.000000e+00> : vector<16xf32>
    %reduce_sum3A_272 = vector.multi_reduction <add>, %exp3A_270, %reduce_sum3A_271 [1] : vector<16x512xf32> to vector<16xf32>
    %broadcast_in_dim3A_273 = vector.shape_cast %reduce_sum3A_272 : vector<16xf32> to vector<16x1xf32>
    %div3A_274 = vector.broadcast %broadcast_in_dim3A_273 : vector<16x1xf32> to vector<16x512xf32>
    %div3A_275 = arith.divf %exp3A_270, %div3A_274 : vector<16x512xf32>
    %convert_element_type3A_276 = arith.truncf %div3A_275 : vector<16x512xf32> to vector<16x512xbf16>
    %convert_element_type3A_277 = arith.truncf %slice3A_257 : vector<512x64xf32> to vector<512x64xbf16>
    %dot_general3A_278 = arith.constant dense<0.000000e+00> : vector<16x64xf32>
    %dot_general3A_279 = tpu.matmul %convert_element_type3A_276, %convert_element_type3A_277, %dot_general3A_278 {dimension_numbers = #tpu.dot_dimension_numbers<[1], [0], [0], [1], [0, 0, 1, 1], [], []>, transpose_lhs_hint = false} : vector<16x512xbf16>, vector<512x64xbf16>, vector<16x64xf32> -> vector<16x64xf32>
    %slice3A_280 = vector.extract_strided_slice %add3A_67 {offsets = [0, 512], sizes = [16, 64], strides = [1, 1]} : vector<64x1024xf32> to vector<16x64xf32>
    %slice3A_281 = vector.extract_strided_slice %add3A_74 {offsets = [0, 512], sizes = [512, 64], strides = [1, 1]} : vector<2048x1024xf32> to vector<512x64xf32>
    %slice3A_282 = vector.extract_strided_slice %add3A_81 {offsets = [0, 512], sizes = [512, 64], strides = [1, 1]} : vector<2048x1024xf32> to vector<512x64xf32>
    %convert_element_type3A_283 = arith.truncf %slice3A_280 : vector<16x64xf32> to vector<16x64xbf16>
    %convert_element_type3A_284 = arith.truncf %slice3A_281 : vector<512x64xf32> to vector<512x64xbf16>
    %dot_general3A_285 = arith.constant dense<0.000000e+00> : vector<16x512xf32>
    %dot_general3A_286 = tpu.matmul %convert_element_type3A_283, %convert_element_type3A_284, %dot_general3A_285 {dimension_numbers = #tpu.dot_dimension_numbers<[1], [1], [0], [0], [0, 0, 1, 0], [], []>, transpose_lhs_hint = false} : vector<16x64xbf16>, vector<512x64xbf16>, vector<16x512xf32> -> vector<16x512xf32>
    %mul3A_287 = arith.constant 1.250000e-01 : f32
    %mul3A_288 = vector.broadcast %mul3A_287 : f32 to vector<16x512xf32>
    %mul3A_289 = arith.mulf %dot_general3A_286, %mul3A_288 : vector<16x512xf32>
    %reduce_max3A_290 = arith.constant dense<0xFF800000> : vector<16xf32>
    %reduce_max3A_291 = vector.multi_reduction <maximumf>, %mul3A_289, %reduce_max3A_290 [1] : vector<16x512xf32> to vector<16xf32>
    %broadcast_in_dim3A_292 = vector.shape_cast %reduce_max3A_291 : vector<16xf32> to vector<16x1xf32>
    %sub3A_293 = vector.broadcast %broadcast_in_dim3A_292 : vector<16x1xf32> to vector<16x512xf32>
    %sub3A_294 = arith.subf %mul3A_289, %sub3A_293 : vector<16x512xf32>
    %exp3A_295 = math.exp %sub3A_294 : vector<16x512xf32>
    %reduce_sum3A_296 = arith.constant dense<0.000000e+00> : vector<16xf32>
    %reduce_sum3A_297 = vector.multi_reduction <add>, %exp3A_295, %reduce_sum3A_296 [1] : vector<16x512xf32> to vector<16xf32>
    %broadcast_in_dim3A_298 = vector.shape_cast %reduce_sum3A_297 : vector<16xf32> to vector<16x1xf32>
    %div3A_299 = vector.broadcast %broadcast_in_dim3A_298 : vector<16x1xf32> to vector<16x512xf32>
    %div3A_300 = arith.divf %exp3A_295, %div3A_299 : vector<16x512xf32>
    %convert_element_type3A_301 = arith.truncf %div3A_300 : vector<16x512xf32> to vector<16x512xbf16>
    %convert_element_type3A_302 = arith.truncf %slice3A_282 : vector<512x64xf32> to vector<512x64xbf16>
    %dot_general3A_303 = arith.constant dense<0.000000e+00> : vector<16x64xf32>
    %dot_general3A_304 = tpu.matmul %convert_element_type3A_301, %convert_element_type3A_302, %dot_general3A_303 {dimension_numbers = #tpu.dot_dimension_numbers<[1], [0], [0], [1], [0, 0, 1, 1], [], []>, transpose_lhs_hint = false} : vector<16x512xbf16>, vector<512x64xbf16>, vector<16x64xf32> -> vector<16x64xf32>
    %slice3A_305 = vector.extract_strided_slice %add3A_67 {offsets = [0, 576], sizes = [16, 64], strides = [1, 1]} : vector<64x1024xf32> to vector<16x64xf32>
    %slice3A_306 = vector.extract_strided_slice %add3A_74 {offsets = [0, 576], sizes = [512, 64], strides = [1, 1]} : vector<2048x1024xf32> to vector<512x64xf32>
    %slice3A_307 = vector.extract_strided_slice %add3A_81 {offsets = [0, 576], sizes = [512, 64], strides = [1, 1]} : vector<2048x1024xf32> to vector<512x64xf32>
    %convert_element_type3A_308 = arith.truncf %slice3A_305 : vector<16x64xf32> to vector<16x64xbf16>
    %convert_element_type3A_309 = arith.truncf %slice3A_306 : vector<512x64xf32> to vector<512x64xbf16>
    %dot_general3A_310 = arith.constant dense<0.000000e+00> : vector<16x512xf32>
    %dot_general3A_311 = tpu.matmul %convert_element_type3A_308, %convert_element_type3A_309, %dot_general3A_310 {dimension_numbers = #tpu.dot_dimension_numbers<[1], [1], [0], [0], [0, 0, 1, 0], [], []>, transpose_lhs_hint = false} : vector<16x64xbf16>, vector<512x64xbf16>, vector<16x512xf32> -> vector<16x512xf32>
    %mul3A_312 = arith.constant 1.250000e-01 : f32
    %mul3A_313 = vector.broadcast %mul3A_312 : f32 to vector<16x512xf32>
    %mul3A_314 = arith.mulf %dot_general3A_311, %mul3A_313 : vector<16x512xf32>
    %reduce_max3A_315 = arith.constant dense<0xFF800000> : vector<16xf32>
    %reduce_max3A_316 = vector.multi_reduction <maximumf>, %mul3A_314, %reduce_max3A_315 [1] : vector<16x512xf32> to vector<16xf32>
    %broadcast_in_dim3A_317 = vector.shape_cast %reduce_max3A_316 : vector<16xf32> to vector<16x1xf32>
    %sub3A_318 = vector.broadcast %broadcast_in_dim3A_317 : vector<16x1xf32> to vector<16x512xf32>
    %sub3A_319 = arith.subf %mul3A_314, %sub3A_318 : vector<16x512xf32>
    %exp3A_320 = math.exp %sub3A_319 : vector<16x512xf32>
    %reduce_sum3A_321 = arith.constant dense<0.000000e+00> : vector<16xf32>
    %reduce_sum3A_322 = vector.multi_reduction <add>, %exp3A_320, %reduce_sum3A_321 [1] : vector<16x512xf32> to vector<16xf32>
    %broadcast_in_dim3A_323 = vector.shape_cast %reduce_sum3A_322 : vector<16xf32> to vector<16x1xf32>
    %div3A_324 = vector.broadcast %broadcast_in_dim3A_323 : vector<16x1xf32> to vector<16x512xf32>
    %div3A_325 = arith.divf %exp3A_320, %div3A_324 : vector<16x512xf32>
    %convert_element_type3A_326 = arith.truncf %div3A_325 : vector<16x512xf32> to vector<16x512xbf16>
    %convert_element_type3A_327 = arith.truncf %slice3A_307 : vector<512x64xf32> to vector<512x64xbf16>
    %dot_general3A_328 = arith.constant dense<0.000000e+00> : vector<16x64xf32>
    %dot_general3A_329 = tpu.matmul %convert_element_type3A_326, %convert_element_type3A_327, %dot_general3A_328 {dimension_numbers = #tpu.dot_dimension_numbers<[1], [0], [0], [1], [0, 0, 1, 1], [], []>, transpose_lhs_hint = false} : vector<16x512xbf16>, vector<512x64xbf16>, vector<16x64xf32> -> vector<16x64xf32>
    %slice3A_330 = vector.extract_strided_slice %add3A_67 {offsets = [0, 640], sizes = [16, 64], strides = [1, 1]} : vector<64x1024xf32> to vector<16x64xf32>
    %slice3A_331 = vector.extract_strided_slice %add3A_74 {offsets = [0, 640], sizes = [512, 64], strides = [1, 1]} : vector<2048x1024xf32> to vector<512x64xf32>
    %slice3A_332 = vector.extract_strided_slice %add3A_81 {offsets = [0, 640], sizes = [512, 64], strides = [1, 1]} : vector<2048x1024xf32> to vector<512x64xf32>
    %convert_element_type3A_333 = arith.truncf %slice3A_330 : vector<16x64xf32> to vector<16x64xbf16>
    %convert_element_type3A_334 = arith.truncf %slice3A_331 : vector<512x64xf32> to vector<512x64xbf16>
    %dot_general3A_335 = arith.constant dense<0.000000e+00> : vector<16x512xf32>
    %dot_general3A_336 = tpu.matmul %convert_element_type3A_333, %convert_element_type3A_334, %dot_general3A_335 {dimension_numbers = #tpu.dot_dimension_numbers<[1], [1], [0], [0], [0, 0, 1, 0], [], []>, transpose_lhs_hint = false} : vector<16x64xbf16>, vector<512x64xbf16>, vector<16x512xf32> -> vector<16x512xf32>
    %mul3A_337 = arith.constant 1.250000e-01 : f32
    %mul3A_338 = vector.broadcast %mul3A_337 : f32 to vector<16x512xf32>
    %mul3A_339 = arith.mulf %dot_general3A_336, %mul3A_338 : vector<16x512xf32>
    %reduce_max3A_340 = arith.constant dense<0xFF800000> : vector<16xf32>
    %reduce_max3A_341 = vector.multi_reduction <maximumf>, %mul3A_339, %reduce_max3A_340 [1] : vector<16x512xf32> to vector<16xf32>
    %broadcast_in_dim3A_342 = vector.shape_cast %reduce_max3A_341 : vector<16xf32> to vector<16x1xf32>
    %sub3A_343 = vector.broadcast %broadcast_in_dim3A_342 : vector<16x1xf32> to vector<16x512xf32>
    %sub3A_344 = arith.subf %mul3A_339, %sub3A_343 : vector<16x512xf32>
    %exp3A_345 = math.exp %sub3A_344 : vector<16x512xf32>
    %reduce_sum3A_346 = arith.constant dense<0.000000e+00> : vector<16xf32>
    %reduce_sum3A_347 = vector.multi_reduction <add>, %exp3A_345, %reduce_sum3A_346 [1] : vector<16x512xf32> to vector<16xf32>
    %broadcast_in_dim3A_348 = vector.shape_cast %reduce_sum3A_347 : vector<16xf32> to vector<16x1xf32>
    %div3A_349 = vector.broadcast %broadcast_in_dim3A_348 : vector<16x1xf32> to vector<16x512xf32>
    %div3A_350 = arith.divf %exp3A_345, %div3A_349 : vector<16x512xf32>
    %convert_element_type3A_351 = arith.truncf %div3A_350 : vector<16x512xf32> to vector<16x512xbf16>
    %convert_element_type3A_352 = arith.truncf %slice3A_332 : vector<512x64xf32> to vector<512x64xbf16>
    %dot_general3A_353 = arith.constant dense<0.000000e+00> : vector<16x64xf32>
    %dot_general3A_354 = tpu.matmul %convert_element_type3A_351, %convert_element_type3A_352, %dot_general3A_353 {dimension_numbers = #tpu.dot_dimension_numbers<[1], [0], [0], [1], [0, 0, 1, 1], [], []>, transpose_lhs_hint = false} : vector<16x512xbf16>, vector<512x64xbf16>, vector<16x64xf32> -> vector<16x64xf32>
    %slice3A_355 = vector.extract_strided_slice %add3A_67 {offsets = [0, 704], sizes = [16, 64], strides = [1, 1]} : vector<64x1024xf32> to vector<16x64xf32>
    %slice3A_356 = vector.extract_strided_slice %add3A_74 {offsets = [0, 704], sizes = [512, 64], strides = [1, 1]} : vector<2048x1024xf32> to vector<512x64xf32>
    %slice3A_357 = vector.extract_strided_slice %add3A_81 {offsets = [0, 704], sizes = [512, 64], strides = [1, 1]} : vector<2048x1024xf32> to vector<512x64xf32>
    %convert_element_type3A_358 = arith.truncf %slice3A_355 : vector<16x64xf32> to vector<16x64xbf16>
    %convert_element_type3A_359 = arith.truncf %slice3A_356 : vector<512x64xf32> to vector<512x64xbf16>
    %dot_general3A_360 = arith.constant dense<0.000000e+00> : vector<16x512xf32>
    %dot_general3A_361 = tpu.matmul %convert_element_type3A_358, %convert_element_type3A_359, %dot_general3A_360 {dimension_numbers = #tpu.dot_dimension_numbers<[1], [1], [0], [0], [0, 0, 1, 0], [], []>, transpose_lhs_hint = false} : vector<16x64xbf16>, vector<512x64xbf16>, vector<16x512xf32> -> vector<16x512xf32>
    %mul3A_362 = arith.constant 1.250000e-01 : f32
    %mul3A_363 = vector.broadcast %mul3A_362 : f32 to vector<16x512xf32>
    %mul3A_364 = arith.mulf %dot_general3A_361, %mul3A_363 : vector<16x512xf32>
    %reduce_max3A_365 = arith.constant dense<0xFF800000> : vector<16xf32>
    %reduce_max3A_366 = vector.multi_reduction <maximumf>, %mul3A_364, %reduce_max3A_365 [1] : vector<16x512xf32> to vector<16xf32>
    %broadcast_in_dim3A_367 = vector.shape_cast %reduce_max3A_366 : vector<16xf32> to vector<16x1xf32>
    %sub3A_368 = vector.broadcast %broadcast_in_dim3A_367 : vector<16x1xf32> to vector<16x512xf32>
    %sub3A_369 = arith.subf %mul3A_364, %sub3A_368 : vector<16x512xf32>
    %exp3A_370 = math.exp %sub3A_369 : vector<16x512xf32>
    %reduce_sum3A_371 = arith.constant dense<0.000000e+00> : vector<16xf32>
    %reduce_sum3A_372 = vector.multi_reduction <add>, %exp3A_370, %reduce_sum3A_371 [1] : vector<16x512xf32> to vector<16xf32>
    %broadcast_in_dim3A_373 = vector.shape_cast %reduce_sum3A_372 : vector<16xf32> to vector<16x1xf32>
    %div3A_374 = vector.broadcast %broadcast_in_dim3A_373 : vector<16x1xf32> to vector<16x512xf32>
    %div3A_375 = arith.divf %exp3A_370, %div3A_374 : vector<16x512xf32>
    %convert_element_type3A_376 = arith.truncf %div3A_375 : vector<16x512xf32> to vector<16x512xbf16>
    %convert_element_type3A_377 = arith.truncf %slice3A_357 : vector<512x64xf32> to vector<512x64xbf16>
    %dot_general3A_378 = arith.constant dense<0.000000e+00> : vector<16x64xf32>
    %dot_general3A_379 = tpu.matmul %convert_element_type3A_376, %convert_element_type3A_377, %dot_general3A_378 {dimension_numbers = #tpu.dot_dimension_numbers<[1], [0], [0], [1], [0, 0, 1, 1], [], []>, transpose_lhs_hint = false} : vector<16x512xbf16>, vector<512x64xbf16>, vector<16x64xf32> -> vector<16x64xf32>
    %slice3A_380 = vector.extract_strided_slice %add3A_67 {offsets = [0, 768], sizes = [16, 64], strides = [1, 1]} : vector<64x1024xf32> to vector<16x64xf32>
    %slice3A_381 = vector.extract_strided_slice %add3A_74 {offsets = [0, 768], sizes = [512, 64], strides = [1, 1]} : vector<2048x1024xf32> to vector<512x64xf32>
    %slice3A_382 = vector.extract_strided_slice %add3A_81 {offsets = [0, 768], sizes = [512, 64], strides = [1, 1]} : vector<2048x1024xf32> to vector<512x64xf32>
    %convert_element_type3A_383 = arith.truncf %slice3A_380 : vector<16x64xf32> to vector<16x64xbf16>
    %convert_element_type3A_384 = arith.truncf %slice3A_381 : vector<512x64xf32> to vector<512x64xbf16>
    %dot_general3A_385 = arith.constant dense<0.000000e+00> : vector<16x512xf32>
    %dot_general3A_386 = tpu.matmul %convert_element_type3A_383, %convert_element_type3A_384, %dot_general3A_385 {dimension_numbers = #tpu.dot_dimension_numbers<[1], [1], [0], [0], [0, 0, 1, 0], [], []>, transpose_lhs_hint = false} : vector<16x64xbf16>, vector<512x64xbf16>, vector<16x512xf32> -> vector<16x512xf32>
    %mul3A_387 = arith.constant 1.250000e-01 : f32
    %mul3A_388 = vector.broadcast %mul3A_387 : f32 to vector<16x512xf32>
    %mul3A_389 = arith.mulf %dot_general3A_386, %mul3A_388 : vector<16x512xf32>
    %reduce_max3A_390 = arith.constant dense<0xFF800000> : vector<16xf32>
    %reduce_max3A_391 = vector.multi_reduction <maximumf>, %mul3A_389, %reduce_max3A_390 [1] : vector<16x512xf32> to vector<16xf32>
    %broadcast_in_dim3A_392 = vector.shape_cast %reduce_max3A_391 : vector<16xf32> to vector<16x1xf32>
    %sub3A_393 = vector.broadcast %broadcast_in_dim3A_392 : vector<16x1xf32> to vector<16x512xf32>
    %sub3A_394 = arith.subf %mul3A_389, %sub3A_393 : vector<16x512xf32>
    %exp3A_395 = math.exp %sub3A_394 : vector<16x512xf32>
    %reduce_sum3A_396 = arith.constant dense<0.000000e+00> : vector<16xf32>
    %reduce_sum3A_397 = vector.multi_reduction <add>, %exp3A_395, %reduce_sum3A_396 [1] : vector<16x512xf32> to vector<16xf32>
    %broadcast_in_dim3A_398 = vector.shape_cast %reduce_sum3A_397 : vector<16xf32> to vector<16x1xf32>
    %div3A_399 = vector.broadcast %broadcast_in_dim3A_398 : vector<16x1xf32> to vector<16x512xf32>
    %div3A_400 = arith.divf %exp3A_395, %div3A_399 : vector<16x512xf32>
    %convert_element_type3A_401 = arith.truncf %div3A_400 : vector<16x512xf32> to vector<16x512xbf16>
    %convert_element_type3A_402 = arith.truncf %slice3A_382 : vector<512x64xf32> to vector<512x64xbf16>
    %dot_general3A_403 = arith.constant dense<0.000000e+00> : vector<16x64xf32>
    %dot_general3A_404 = tpu.matmul %convert_element_type3A_401, %convert_element_type3A_402, %dot_general3A_403 {dimension_numbers = #tpu.dot_dimension_numbers<[1], [0], [0], [1], [0, 0, 1, 1], [], []>, transpose_lhs_hint = false} : vector<16x512xbf16>, vector<512x64xbf16>, vector<16x64xf32> -> vector<16x64xf32>
    %slice3A_405 = vector.extract_strided_slice %add3A_67 {offsets = [0, 832], sizes = [16, 64], strides = [1, 1]} : vector<64x1024xf32> to vector<16x64xf32>
    %slice3A_406 = vector.extract_strided_slice %add3A_74 {offsets = [0, 832], sizes = [512, 64], strides = [1, 1]} : vector<2048x1024xf32> to vector<512x64xf32>
    %slice3A_407 = vector.extract_strided_slice %add3A_81 {offsets = [0, 832], sizes = [512, 64], strides = [1, 1]} : vector<2048x1024xf32> to vector<512x64xf32>
    %convert_element_type3A_408 = arith.truncf %slice3A_405 : vector<16x64xf32> to vector<16x64xbf16>
    %convert_element_type3A_409 = arith.truncf %slice3A_406 : vector<512x64xf32> to vector<512x64xbf16>
    %dot_general3A_410 = arith.constant dense<0.000000e+00> : vector<16x512xf32>
    %dot_general3A_411 = tpu.matmul %convert_element_type3A_408, %convert_element_type3A_409, %dot_general3A_410 {dimension_numbers = #tpu.dot_dimension_numbers<[1], [1], [0], [0], [0, 0, 1, 0], [], []>, transpose_lhs_hint = false} : vector<16x64xbf16>, vector<512x64xbf16>, vector<16x512xf32> -> vector<16x512xf32>
    %mul3A_412 = arith.constant 1.250000e-01 : f32
    %mul3A_413 = vector.broadcast %mul3A_412 : f32 to vector<16x512xf32>
    %mul3A_414 = arith.mulf %dot_general3A_411, %mul3A_413 : vector<16x512xf32>
    %reduce_max3A_415 = arith.constant dense<0xFF800000> : vector<16xf32>
    %reduce_max3A_416 = vector.multi_reduction <maximumf>, %mul3A_414, %reduce_max3A_415 [1] : vector<16x512xf32> to vector<16xf32>
    %broadcast_in_dim3A_417 = vector.shape_cast %reduce_max3A_416 : vector<16xf32> to vector<16x1xf32>
    %sub3A_418 = vector.broadcast %broadcast_in_dim3A_417 : vector<16x1xf32> to vector<16x512xf32>
    %sub3A_419 = arith.subf %mul3A_414, %sub3A_418 : vector<16x512xf32>
    %exp3A_420 = math.exp %sub3A_419 : vector<16x512xf32>
    %reduce_sum3A_421 = arith.constant dense<0.000000e+00> : vector<16xf32>
    %reduce_sum3A_422 = vector.multi_reduction <add>, %exp3A_420, %reduce_sum3A_421 [1] : vector<16x512xf32> to vector<16xf32>
    %broadcast_in_dim3A_423 = vector.shape_cast %reduce_sum3A_422 : vector<16xf32> to vector<16x1xf32>
    %div3A_424 = vector.broadcast %broadcast_in_dim3A_423 : vector<16x1xf32> to vector<16x512xf32>
    %div3A_425 = arith.divf %exp3A_420, %div3A_424 : vector<16x512xf32>
    %convert_element_type3A_426 = arith.truncf %div3A_425 : vector<16x512xf32> to vector<16x512xbf16>
    %convert_element_type3A_427 = arith.truncf %slice3A_407 : vector<512x64xf32> to vector<512x64xbf16>
    %dot_general3A_428 = arith.constant dense<0.000000e+00> : vector<16x64xf32>
    %dot_general3A_429 = tpu.matmul %convert_element_type3A_426, %convert_element_type3A_427, %dot_general3A_428 {dimension_numbers = #tpu.dot_dimension_numbers<[1], [0], [0], [1], [0, 0, 1, 1], [], []>, transpose_lhs_hint = false} : vector<16x512xbf16>, vector<512x64xbf16>, vector<16x64xf32> -> vector<16x64xf32>
    %slice3A_430 = vector.extract_strided_slice %add3A_67 {offsets = [0, 896], sizes = [16, 64], strides = [1, 1]} : vector<64x1024xf32> to vector<16x64xf32>
    %slice3A_431 = vector.extract_strided_slice %add3A_74 {offsets = [0, 896], sizes = [512, 64], strides = [1, 1]} : vector<2048x1024xf32> to vector<512x64xf32>
    %slice3A_432 = vector.extract_strided_slice %add3A_81 {offsets = [0, 896], sizes = [512, 64], strides = [1, 1]} : vector<2048x1024xf32> to vector<512x64xf32>
    %convert_element_type3A_433 = arith.truncf %slice3A_430 : vector<16x64xf32> to vector<16x64xbf16>
    %convert_element_type3A_434 = arith.truncf %slice3A_431 : vector<512x64xf32> to vector<512x64xbf16>
    %dot_general3A_435 = arith.constant dense<0.000000e+00> : vector<16x512xf32>
    %dot_general3A_436 = tpu.matmul %convert_element_type3A_433, %convert_element_type3A_434, %dot_general3A_435 {dimension_numbers = #tpu.dot_dimension_numbers<[1], [1], [0], [0], [0, 0, 1, 0], [], []>, transpose_lhs_hint = false} : vector<16x64xbf16>, vector<512x64xbf16>, vector<16x512xf32> -> vector<16x512xf32>
    %mul3A_437 = arith.constant 1.250000e-01 : f32
    %mul3A_438 = vector.broadcast %mul3A_437 : f32 to vector<16x512xf32>
    %mul3A_439 = arith.mulf %dot_general3A_436, %mul3A_438 : vector<16x512xf32>
    %reduce_max3A_440 = arith.constant dense<0xFF800000> : vector<16xf32>
    %reduce_max3A_441 = vector.multi_reduction <maximumf>, %mul3A_439, %reduce_max3A_440 [1] : vector<16x512xf32> to vector<16xf32>
    %broadcast_in_dim3A_442 = vector.shape_cast %reduce_max3A_441 : vector<16xf32> to vector<16x1xf32>
    %sub3A_443 = vector.broadcast %broadcast_in_dim3A_442 : vector<16x1xf32> to vector<16x512xf32>
    %sub3A_444 = arith.subf %mul3A_439, %sub3A_443 : vector<16x512xf32>
    %exp3A_445 = math.exp %sub3A_444 : vector<16x512xf32>
    %reduce_sum3A_446 = arith.constant dense<0.000000e+00> : vector<16xf32>
    %reduce_sum3A_447 = vector.multi_reduction <add>, %exp3A_445, %reduce_sum3A_446 [1] : vector<16x512xf32> to vector<16xf32>
    %broadcast_in_dim3A_448 = vector.shape_cast %reduce_sum3A_447 : vector<16xf32> to vector<16x1xf32>
    %div3A_449 = vector.broadcast %broadcast_in_dim3A_448 : vector<16x1xf32> to vector<16x512xf32>
    %div3A_450 = arith.divf %exp3A_445, %div3A_449 : vector<16x512xf32>
    %convert_element_type3A_451 = arith.truncf %div3A_450 : vector<16x512xf32> to vector<16x512xbf16>
    %convert_element_type3A_452 = arith.truncf %slice3A_432 : vector<512x64xf32> to vector<512x64xbf16>
    %dot_general3A_453 = arith.constant dense<0.000000e+00> : vector<16x64xf32>
    %dot_general3A_454 = tpu.matmul %convert_element_type3A_451, %convert_element_type3A_452, %dot_general3A_453 {dimension_numbers = #tpu.dot_dimension_numbers<[1], [0], [0], [1], [0, 0, 1, 1], [], []>, transpose_lhs_hint = false} : vector<16x512xbf16>, vector<512x64xbf16>, vector<16x64xf32> -> vector<16x64xf32>
    %slice3A_455 = vector.extract_strided_slice %add3A_67 {offsets = [0, 960], sizes = [16, 64], strides = [1, 1]} : vector<64x1024xf32> to vector<16x64xf32>
    %slice3A_456 = vector.extract_strided_slice %add3A_74 {offsets = [0, 960], sizes = [512, 64], strides = [1, 1]} : vector<2048x1024xf32> to vector<512x64xf32>
    %slice3A_457 = vector.extract_strided_slice %add3A_81 {offsets = [0, 960], sizes = [512, 64], strides = [1, 1]} : vector<2048x1024xf32> to vector<512x64xf32>
    %convert_element_type3A_458 = arith.truncf %slice3A_455 : vector<16x64xf32> to vector<16x64xbf16>
    %convert_element_type3A_459 = arith.truncf %slice3A_456 : vector<512x64xf32> to vector<512x64xbf16>
    %dot_general3A_460 = arith.constant dense<0.000000e+00> : vector<16x512xf32>
    %dot_general3A_461 = tpu.matmul %convert_element_type3A_458, %convert_element_type3A_459, %dot_general3A_460 {dimension_numbers = #tpu.dot_dimension_numbers<[1], [1], [0], [0], [0, 0, 1, 0], [], []>, transpose_lhs_hint = false} : vector<16x64xbf16>, vector<512x64xbf16>, vector<16x512xf32> -> vector<16x512xf32>
    %mul3A_462 = arith.constant 1.250000e-01 : f32
    %mul3A_463 = vector.broadcast %mul3A_462 : f32 to vector<16x512xf32>
    %mul3A_464 = arith.mulf %dot_general3A_461, %mul3A_463 : vector<16x512xf32>
    %reduce_max3A_465 = arith.constant dense<0xFF800000> : vector<16xf32>
    %reduce_max3A_466 = vector.multi_reduction <maximumf>, %mul3A_464, %reduce_max3A_465 [1] : vector<16x512xf32> to vector<16xf32>
    %broadcast_in_dim3A_467 = vector.shape_cast %reduce_max3A_466 : vector<16xf32> to vector<16x1xf32>
    %sub3A_468 = vector.broadcast %broadcast_in_dim3A_467 : vector<16x1xf32> to vector<16x512xf32>
    %sub3A_469 = arith.subf %mul3A_464, %sub3A_468 : vector<16x512xf32>
    %exp3A_470 = math.exp %sub3A_469 : vector<16x512xf32>
    %reduce_sum3A_471 = arith.constant dense<0.000000e+00> : vector<16xf32>
    %reduce_sum3A_472 = vector.multi_reduction <add>, %exp3A_470, %reduce_sum3A_471 [1] : vector<16x512xf32> to vector<16xf32>
    %broadcast_in_dim3A_473 = vector.shape_cast %reduce_sum3A_472 : vector<16xf32> to vector<16x1xf32>
    %div3A_474 = vector.broadcast %broadcast_in_dim3A_473 : vector<16x1xf32> to vector<16x512xf32>
    %div3A_475 = arith.divf %exp3A_470, %div3A_474 : vector<16x512xf32>
    %convert_element_type3A_476 = arith.truncf %div3A_475 : vector<16x512xf32> to vector<16x512xbf16>
    %convert_element_type3A_477 = arith.truncf %slice3A_457 : vector<512x64xf32> to vector<512x64xbf16>
    %dot_general3A_478 = arith.constant dense<0.000000e+00> : vector<16x64xf32>
    %dot_general3A_479 = tpu.matmul %convert_element_type3A_476, %convert_element_type3A_477, %dot_general3A_478 {dimension_numbers = #tpu.dot_dimension_numbers<[1], [0], [0], [1], [0, 0, 1, 1], [], []>, transpose_lhs_hint = false} : vector<16x512xbf16>, vector<512x64xbf16>, vector<16x64xf32> -> vector<16x64xf32>
    %concatenate3A = tpu.concatenate %dot_general3A_104, %dot_general3A_129, %dot_general3A_154, %dot_general3A_179, %dot_general3A_204, %dot_general3A_229, %dot_general3A_254, %dot_general3A_279, %dot_general3A_304, %dot_general3A_329, %dot_general3A_354, %dot_general3A_379, %dot_general3A_404, %dot_general3A_429, %dot_general3A_454, %dot_general3A_479 in 1 : vector<16x64xf32>, vector<16x64xf32>, vector<16x64xf32>, vector<16x64xf32>, vector<16x64xf32>, vector<16x64xf32>, vector<16x64xf32>, vector<16x64xf32>, vector<16x64xf32>, vector<16x64xf32>, vector<16x64xf32>, vector<16x64xf32>, vector<16x64xf32>, vector<16x64xf32>, vector<16x64xf32>, vector<16x64xf32> -> vector<16x1024xf32>
    %slice3A_480 = vector.extract_strided_slice %add3A_67 {offsets = [16, 0], sizes = [16, 64], strides = [1, 1]} : vector<64x1024xf32> to vector<16x64xf32>
    %slice3A_481 = vector.extract_strided_slice %add3A_74 {offsets = [512, 0], sizes = [512, 64], strides = [1, 1]} : vector<2048x1024xf32> to vector<512x64xf32>
    %slice3A_482 = vector.extract_strided_slice %add3A_81 {offsets = [512, 0], sizes = [512, 64], strides = [1, 1]} : vector<2048x1024xf32> to vector<512x64xf32>
    %convert_element_type3A_483 = arith.truncf %slice3A_480 : vector<16x64xf32> to vector<16x64xbf16>
    %convert_element_type3A_484 = arith.truncf %slice3A_481 : vector<512x64xf32> to vector<512x64xbf16>
    %dot_general3A_485 = arith.constant dense<0.000000e+00> : vector<16x512xf32>
    %dot_general3A_486 = tpu.matmul %convert_element_type3A_483, %convert_element_type3A_484, %dot_general3A_485 {dimension_numbers = #tpu.dot_dimension_numbers<[1], [1], [0], [0], [0, 0, 1, 0], [], []>, transpose_lhs_hint = false} : vector<16x64xbf16>, vector<512x64xbf16>, vector<16x512xf32> -> vector<16x512xf32>
    %mul3A_487 = arith.constant 1.250000e-01 : f32
    %mul3A_488 = vector.broadcast %mul3A_487 : f32 to vector<16x512xf32>
    %mul3A_489 = arith.mulf %dot_general3A_486, %mul3A_488 : vector<16x512xf32>
    %reduce_max3A_490 = arith.constant dense<0xFF800000> : vector<16xf32>
    %reduce_max3A_491 = vector.multi_reduction <maximumf>, %mul3A_489, %reduce_max3A_490 [1] : vector<16x512xf32> to vector<16xf32>
    %broadcast_in_dim3A_492 = vector.shape_cast %reduce_max3A_491 : vector<16xf32> to vector<16x1xf32>
    %sub3A_493 = vector.broadcast %broadcast_in_dim3A_492 : vector<16x1xf32> to vector<16x512xf32>
    %sub3A_494 = arith.subf %mul3A_489, %sub3A_493 : vector<16x512xf32>
    %exp3A_495 = math.exp %sub3A_494 : vector<16x512xf32>
    %reduce_sum3A_496 = arith.constant dense<0.000000e+00> : vector<16xf32>
    %reduce_sum3A_497 = vector.multi_reduction <add>, %exp3A_495, %reduce_sum3A_496 [1] : vector<16x512xf32> to vector<16xf32>
    %broadcast_in_dim3A_498 = vector.shape_cast %reduce_sum3A_497 : vector<16xf32> to vector<16x1xf32>
    %div3A_499 = vector.broadcast %broadcast_in_dim3A_498 : vector<16x1xf32> to vector<16x512xf32>
    %div3A_500 = arith.divf %exp3A_495, %div3A_499 : vector<16x512xf32>
    %convert_element_type3A_501 = arith.truncf %div3A_500 : vector<16x512xf32> to vector<16x512xbf16>
    %convert_element_type3A_502 = arith.truncf %slice3A_482 : vector<512x64xf32> to vector<512x64xbf16>
    %dot_general3A_503 = arith.constant dense<0.000000e+00> : vector<16x64xf32>
    %dot_general3A_504 = tpu.matmul %convert_element_type3A_501, %convert_element_type3A_502, %dot_general3A_503 {dimension_numbers = #tpu.dot_dimension_numbers<[1], [0], [0], [1], [0, 0, 1, 1], [], []>, transpose_lhs_hint = false} : vector<16x512xbf16>, vector<512x64xbf16>, vector<16x64xf32> -> vector<16x64xf32>
    %slice3A_505 = vector.extract_strided_slice %add3A_67 {offsets = [16, 64], sizes = [16, 64], strides = [1, 1]} : vector<64x1024xf32> to vector<16x64xf32>
    %slice3A_506 = vector.extract_strided_slice %add3A_74 {offsets = [512, 64], sizes = [512, 64], strides = [1, 1]} : vector<2048x1024xf32> to vector<512x64xf32>
    %slice3A_507 = vector.extract_strided_slice %add3A_81 {offsets = [512, 64], sizes = [512, 64], strides = [1, 1]} : vector<2048x1024xf32> to vector<512x64xf32>
    %convert_element_type3A_508 = arith.truncf %slice3A_505 : vector<16x64xf32> to vector<16x64xbf16>
    %convert_element_type3A_509 = arith.truncf %slice3A_506 : vector<512x64xf32> to vector<512x64xbf16>
    %dot_general3A_510 = arith.constant dense<0.000000e+00> : vector<16x512xf32>
    %dot_general3A_511 = tpu.matmul %convert_element_type3A_508, %convert_element_type3A_509, %dot_general3A_510 {dimension_numbers = #tpu.dot_dimension_numbers<[1], [1], [0], [0], [0, 0, 1, 0], [], []>, transpose_lhs_hint = false} : vector<16x64xbf16>, vector<512x64xbf16>, vector<16x512xf32> -> vector<16x512xf32>
    %mul3A_512 = arith.constant 1.250000e-01 : f32
    %mul3A_513 = vector.broadcast %mul3A_512 : f32 to vector<16x512xf32>
    %mul3A_514 = arith.mulf %dot_general3A_511, %mul3A_513 : vector<16x512xf32>
    %reduce_max3A_515 = arith.constant dense<0xFF800000> : vector<16xf32>
    %reduce_max3A_516 = vector.multi_reduction <maximumf>, %mul3A_514, %reduce_max3A_515 [1] : vector<16x512xf32> to vector<16xf32>
    %broadcast_in_dim3A_517 = vector.shape_cast %reduce_max3A_516 : vector<16xf32> to vector<16x1xf32>
    %sub3A_518 = vector.broadcast %broadcast_in_dim3A_517 : vector<16x1xf32> to vector<16x512xf32>
    %sub3A_519 = arith.subf %mul3A_514, %sub3A_518 : vector<16x512xf32>
    %exp3A_520 = math.exp %sub3A_519 : vector<16x512xf32>
    %reduce_sum3A_521 = arith.constant dense<0.000000e+00> : vector<16xf32>
    %reduce_sum3A_522 = vector.multi_reduction <add>, %exp3A_520, %reduce_sum3A_521 [1] : vector<16x512xf32> to vector<16xf32>
    %broadcast_in_dim3A_523 = vector.shape_cast %reduce_sum3A_522 : vector<16xf32> to vector<16x1xf32>
    %div3A_524 = vector.broadcast %broadcast_in_dim3A_523 : vector<16x1xf32> to vector<16x512xf32>
    %div3A_525 = arith.divf %exp3A_520, %div3A_524 : vector<16x512xf32>
    %convert_element_type3A_526 = arith.truncf %div3A_525 : vector<16x512xf32> to vector<16x512xbf16>
    %convert_element_type3A_527 = arith.truncf %slice3A_507 : vector<512x64xf32> to vector<512x64xbf16>
    %dot_general3A_528 = arith.constant dense<0.000000e+00> : vector<16x64xf32>
    %dot_general3A_529 = tpu.matmul %convert_element_type3A_526, %convert_element_type3A_527, %dot_general3A_528 {dimension_numbers = #tpu.dot_dimension_numbers<[1], [0], [0], [1], [0, 0, 1, 1], [], []>, transpose_lhs_hint = false} : vector<16x512xbf16>, vector<512x64xbf16>, vector<16x64xf32> -> vector<16x64xf32>
    %slice3A_530 = vector.extract_strided_slice %add3A_67 {offsets = [16, 128], sizes = [16, 64], strides = [1, 1]} : vector<64x1024xf32> to vector<16x64xf32>
    %slice3A_531 = vector.extract_strided_slice %add3A_74 {offsets = [512, 128], sizes = [512, 64], strides = [1, 1]} : vector<2048x1024xf32> to vector<512x64xf32>
    %slice3A_532 = vector.extract_strided_slice %add3A_81 {offsets = [512, 128], sizes = [512, 64], strides = [1, 1]} : vector<2048x1024xf32> to vector<512x64xf32>
    %convert_element_type3A_533 = arith.truncf %slice3A_530 : vector<16x64xf32> to vector<16x64xbf16>
    %convert_element_type3A_534 = arith.truncf %slice3A_531 : vector<512x64xf32> to vector<512x64xbf16>
    %dot_general3A_535 = arith.constant dense<0.000000e+00> : vector<16x512xf32>
    %dot_general3A_536 = tpu.matmul %convert_element_type3A_533, %convert_element_type3A_534, %dot_general3A_535 {dimension_numbers = #tpu.dot_dimension_numbers<[1], [1], [0], [0], [0, 0, 1, 0], [], []>, transpose_lhs_hint = false} : vector<16x64xbf16>, vector<512x64xbf16>, vector<16x512xf32> -> vector<16x512xf32>
    %mul3A_537 = arith.constant 1.250000e-01 : f32
    %mul3A_538 = vector.broadcast %mul3A_537 : f32 to vector<16x512xf32>
    %mul3A_539 = arith.mulf %dot_general3A_536, %mul3A_538 : vector<16x512xf32>
    %reduce_max3A_540 = arith.constant dense<0xFF800000> : vector<16xf32>
    %reduce_max3A_541 = vector.multi_reduction <maximumf>, %mul3A_539, %reduce_max3A_540 [1] : vector<16x512xf32> to vector<16xf32>
    %broadcast_in_dim3A_542 = vector.shape_cast %reduce_max3A_541 : vector<16xf32> to vector<16x1xf32>
    %sub3A_543 = vector.broadcast %broadcast_in_dim3A_542 : vector<16x1xf32> to vector<16x512xf32>
    %sub3A_544 = arith.subf %mul3A_539, %sub3A_543 : vector<16x512xf32>
    %exp3A_545 = math.exp %sub3A_544 : vector<16x512xf32>
    %reduce_sum3A_546 = arith.constant dense<0.000000e+00> : vector<16xf32>
    %reduce_sum3A_547 = vector.multi_reduction <add>, %exp3A_545, %reduce_sum3A_546 [1] : vector<16x512xf32> to vector<16xf32>
    %broadcast_in_dim3A_548 = vector.shape_cast %reduce_sum3A_547 : vector<16xf32> to vector<16x1xf32>
    %div3A_549 = vector.broadcast %broadcast_in_dim3A_548 : vector<16x1xf32> to vector<16x512xf32>
    %div3A_550 = arith.divf %exp3A_545, %div3A_549 : vector<16x512xf32>
    %convert_element_type3A_551 = arith.truncf %div3A_550 : vector<16x512xf32> to vector<16x512xbf16>
    %convert_element_type3A_552 = arith.truncf %slice3A_532 : vector<512x64xf32> to vector<512x64xbf16>
    %dot_general3A_553 = arith.constant dense<0.000000e+00> : vector<16x64xf32>
    %dot_general3A_554 = tpu.matmul %convert_element_type3A_551, %convert_element_type3A_552, %dot_general3A_553 {dimension_numbers = #tpu.dot_dimension_numbers<[1], [0], [0], [1], [0, 0, 1, 1], [], []>, transpose_lhs_hint = false} : vector<16x512xbf16>, vector<512x64xbf16>, vector<16x64xf32> -> vector<16x64xf32>
    %slice3A_555 = vector.extract_strided_slice %add3A_67 {offsets = [16, 192], sizes = [16, 64], strides = [1, 1]} : vector<64x1024xf32> to vector<16x64xf32>
    %slice3A_556 = vector.extract_strided_slice %add3A_74 {offsets = [512, 192], sizes = [512, 64], strides = [1, 1]} : vector<2048x1024xf32> to vector<512x64xf32>
    %slice3A_557 = vector.extract_strided_slice %add3A_81 {offsets = [512, 192], sizes = [512, 64], strides = [1, 1]} : vector<2048x1024xf32> to vector<512x64xf32>
    %convert_element_type3A_558 = arith.truncf %slice3A_555 : vector<16x64xf32> to vector<16x64xbf16>
    %convert_element_type3A_559 = arith.truncf %slice3A_556 : vector<512x64xf32> to vector<512x64xbf16>
    %dot_general3A_560 = arith.constant dense<0.000000e+00> : vector<16x512xf32>
    %dot_general3A_561 = tpu.matmul %convert_element_type3A_558, %convert_element_type3A_559, %dot_general3A_560 {dimension_numbers = #tpu.dot_dimension_numbers<[1], [1], [0], [0], [0, 0, 1, 0], [], []>, transpose_lhs_hint = false} : vector<16x64xbf16>, vector<512x64xbf16>, vector<16x512xf32> -> vector<16x512xf32>
    %mul3A_562 = arith.constant 1.250000e-01 : f32
    %mul3A_563 = vector.broadcast %mul3A_562 : f32 to vector<16x512xf32>
    %mul3A_564 = arith.mulf %dot_general3A_561, %mul3A_563 : vector<16x512xf32>
    %reduce_max3A_565 = arith.constant dense<0xFF800000> : vector<16xf32>
    %reduce_max3A_566 = vector.multi_reduction <maximumf>, %mul3A_564, %reduce_max3A_565 [1] : vector<16x512xf32> to vector<16xf32>
    %broadcast_in_dim3A_567 = vector.shape_cast %reduce_max3A_566 : vector<16xf32> to vector<16x1xf32>
    %sub3A_568 = vector.broadcast %broadcast_in_dim3A_567 : vector<16x1xf32> to vector<16x512xf32>
    %sub3A_569 = arith.subf %mul3A_564, %sub3A_568 : vector<16x512xf32>
    %exp3A_570 = math.exp %sub3A_569 : vector<16x512xf32>
    %reduce_sum3A_571 = arith.constant dense<0.000000e+00> : vector<16xf32>
    %reduce_sum3A_572 = vector.multi_reduction <add>, %exp3A_570, %reduce_sum3A_571 [1] : vector<16x512xf32> to vector<16xf32>
    %broadcast_in_dim3A_573 = vector.shape_cast %reduce_sum3A_572 : vector<16xf32> to vector<16x1xf32>
    %div3A_574 = vector.broadcast %broadcast_in_dim3A_573 : vector<16x1xf32> to vector<16x512xf32>
    %div3A_575 = arith.divf %exp3A_570, %div3A_574 : vector<16x512xf32>
    %convert_element_type3A_576 = arith.truncf %div3A_575 : vector<16x512xf32> to vector<16x512xbf16>
    %convert_element_type3A_577 = arith.truncf %slice3A_557 : vector<512x64xf32> to vector<512x64xbf16>
    %dot_general3A_578 = arith.constant dense<0.000000e+00> : vector<16x64xf32>
    %dot_general3A_579 = tpu.matmul %convert_element_type3A_576, %convert_element_type3A_577, %dot_general3A_578 {dimension_numbers = #tpu.dot_dimension_numbers<[1], [0], [0], [1], [0, 0, 1, 1], [], []>, transpose_lhs_hint = false} : vector<16x512xbf16>, vector<512x64xbf16>, vector<16x64xf32> -> vector<16x64xf32>
    %slice3A_580 = vector.extract_strided_slice %add3A_67 {offsets = [16, 256], sizes = [16, 64], strides = [1, 1]} : vector<64x1024xf32> to vector<16x64xf32>
    %slice3A_581 = vector.extract_strided_slice %add3A_74 {offsets = [512, 256], sizes = [512, 64], strides = [1, 1]} : vector<2048x1024xf32> to vector<512x64xf32>
    %slice3A_582 = vector.extract_strided_slice %add3A_81 {offsets = [512, 256], sizes = [512, 64], strides = [1, 1]} : vector<2048x1024xf32> to vector<512x64xf32>
    %convert_element_type3A_583 = arith.truncf %slice3A_580 : vector<16x64xf32> to vector<16x64xbf16>
    %convert_element_type3A_584 = arith.truncf %slice3A_581 : vector<512x64xf32> to vector<512x64xbf16>
    %dot_general3A_585 = arith.constant dense<0.000000e+00> : vector<16x512xf32>
    %dot_general3A_586 = tpu.matmul %convert_element_type3A_583, %convert_element_type3A_584, %dot_general3A_585 {dimension_numbers = #tpu.dot_dimension_numbers<[1], [1], [0], [0], [0, 0, 1, 0], [], []>, transpose_lhs_hint = false} : vector<16x64xbf16>, vector<512x64xbf16>, vector<16x512xf32> -> vector<16x512xf32>
    %mul3A_587 = arith.constant 1.250000e-01 : f32
    %mul3A_588 = vector.broadcast %mul3A_587 : f32 to vector<16x512xf32>
    %mul3A_589 = arith.mulf %dot_general3A_586, %mul3A_588 : vector<16x512xf32>
    %reduce_max3A_590 = arith.constant dense<0xFF800000> : vector<16xf32>
    %reduce_max3A_591 = vector.multi_reduction <maximumf>, %mul3A_589, %reduce_max3A_590 [1] : vector<16x512xf32> to vector<16xf32>
    %broadcast_in_dim3A_592 = vector.shape_cast %reduce_max3A_591 : vector<16xf32> to vector<16x1xf32>
    %sub3A_593 = vector.broadcast %broadcast_in_dim3A_592 : vector<16x1xf32> to vector<16x512xf32>
    %sub3A_594 = arith.subf %mul3A_589, %sub3A_593 : vector<16x512xf32>
    %exp3A_595 = math.exp %sub3A_594 : vector<16x512xf32>
    %reduce_sum3A_596 = arith.constant dense<0.000000e+00> : vector<16xf32>
    %reduce_sum3A_597 = vector.multi_reduction <add>, %exp3A_595, %reduce_sum3A_596 [1] : vector<16x512xf32> to vector<16xf32>
    %broadcast_in_dim3A_598 = vector.shape_cast %reduce_sum3A_597 : vector<16xf32> to vector<16x1xf32>
    %div3A_599 = vector.broadcast %broadcast_in_dim3A_598 : vector<16x1xf32> to vector<16x512xf32>
    %div3A_600 = arith.divf %exp3A_595, %div3A_599 : vector<16x512xf32>
    %convert_element_type3A_601 = arith.truncf %div3A_600 : vector<16x512xf32> to vector<16x512xbf16>
    %convert_element_type3A_602 = arith.truncf %slice3A_582 : vector<512x64xf32> to vector<512x64xbf16>
    %dot_general3A_603 = arith.constant dense<0.000000e+00> : vector<16x64xf32>
    %dot_general3A_604 = tpu.matmul %convert_element_type3A_601, %convert_element_type3A_602, %dot_general3A_603 {dimension_numbers = #tpu.dot_dimension_numbers<[1], [0], [0], [1], [0, 0, 1, 1], [], []>, transpose_lhs_hint = false} : vector<16x512xbf16>, vector<512x64xbf16>, vector<16x64xf32> -> vector<16x64xf32>
    %slice3A_605 = vector.extract_strided_slice %add3A_67 {offsets = [16, 320], sizes = [16, 64], strides = [1, 1]} : vector<64x1024xf32> to vector<16x64xf32>
    %slice3A_606 = vector.extract_strided_slice %add3A_74 {offsets = [512, 320], sizes = [512, 64], strides = [1, 1]} : vector<2048x1024xf32> to vector<512x64xf32>
    %slice3A_607 = vector.extract_strided_slice %add3A_81 {offsets = [512, 320], sizes = [512, 64], strides = [1, 1]} : vector<2048x1024xf32> to vector<512x64xf32>
    %convert_element_type3A_608 = arith.truncf %slice3A_605 : vector<16x64xf32> to vector<16x64xbf16>
    %convert_element_type3A_609 = arith.truncf %slice3A_606 : vector<512x64xf32> to vector<512x64xbf16>
    %dot_general3A_610 = arith.constant dense<0.000000e+00> : vector<16x512xf32>
    %dot_general3A_611 = tpu.matmul %convert_element_type3A_608, %convert_element_type3A_609, %dot_general3A_610 {dimension_numbers = #tpu.dot_dimension_numbers<[1], [1], [0], [0], [0, 0, 1, 0], [], []>, transpose_lhs_hint = false} : vector<16x64xbf16>, vector<512x64xbf16>, vector<16x512xf32> -> vector<16x512xf32>
    %mul3A_612 = arith.constant 1.250000e-01 : f32
    %mul3A_613 = vector.broadcast %mul3A_612 : f32 to vector<16x512xf32>
    %mul3A_614 = arith.mulf %dot_general3A_611, %mul3A_613 : vector<16x512xf32>
    %reduce_max3A_615 = arith.constant dense<0xFF800000> : vector<16xf32>
    %reduce_max3A_616 = vector.multi_reduction <maximumf>, %mul3A_614, %reduce_max3A_615 [1] : vector<16x512xf32> to vector<16xf32>
    %broadcast_in_dim3A_617 = vector.shape_cast %reduce_max3A_616 : vector<16xf32> to vector<16x1xf32>
    %sub3A_618 = vector.broadcast %broadcast_in_dim3A_617 : vector<16x1xf32> to vector<16x512xf32>
    %sub3A_619 = arith.subf %mul3A_614, %sub3A_618 : vector<16x512xf32>
    %exp3A_620 = math.exp %sub3A_619 : vector<16x512xf32>
    %reduce_sum3A_621 = arith.constant dense<0.000000e+00> : vector<16xf32>
    %reduce_sum3A_622 = vector.multi_reduction <add>, %exp3A_620, %reduce_sum3A_621 [1] : vector<16x512xf32> to vector<16xf32>
    %broadcast_in_dim3A_623 = vector.shape_cast %reduce_sum3A_622 : vector<16xf32> to vector<16x1xf32>
    %div3A_624 = vector.broadcast %broadcast_in_dim3A_623 : vector<16x1xf32> to vector<16x512xf32>
    %div3A_625 = arith.divf %exp3A_620, %div3A_624 : vector<16x512xf32>
    %convert_element_type3A_626 = arith.truncf %div3A_625 : vector<16x512xf32> to vector<16x512xbf16>
    %convert_element_type3A_627 = arith.truncf %slice3A_607 : vector<512x64xf32> to vector<512x64xbf16>
    %dot_general3A_628 = arith.constant dense<0.000000e+00> : vector<16x64xf32>
    %dot_general3A_629 = tpu.matmul %convert_element_type3A_626, %convert_element_type3A_627, %dot_general3A_628 {dimension_numbers = #tpu.dot_dimension_numbers<[1], [0], [0], [1], [0, 0, 1, 1], [], []>, transpose_lhs_hint = false} : vector<16x512xbf16>, vector<512x64xbf16>, vector<16x64xf32> -> vector<16x64xf32>
    %slice3A_630 = vector.extract_strided_slice %add3A_67 {offsets = [16, 384], sizes = [16, 64], strides = [1, 1]} : vector<64x1024xf32> to vector<16x64xf32>
    %slice3A_631 = vector.extract_strided_slice %add3A_74 {offsets = [512, 384], sizes = [512, 64], strides = [1, 1]} : vector<2048x1024xf32> to vector<512x64xf32>
    %slice3A_632 = vector.extract_strided_slice %add3A_81 {offsets = [512, 384], sizes = [512, 64], strides = [1, 1]} : vector<2048x1024xf32> to vector<512x64xf32>
    %convert_element_type3A_633 = arith.truncf %slice3A_630 : vector<16x64xf32> to vector<16x64xbf16>
    %convert_element_type3A_634 = arith.truncf %slice3A_631 : vector<512x64xf32> to vector<512x64xbf16>
    %dot_general3A_635 = arith.constant dense<0.000000e+00> : vector<16x512xf32>
    %dot_general3A_636 = tpu.matmul %convert_element_type3A_633, %convert_element_type3A_634, %dot_general3A_635 {dimension_numbers = #tpu.dot_dimension_numbers<[1], [1], [0], [0], [0, 0, 1, 0], [], []>, transpose_lhs_hint = false} : vector<16x64xbf16>, vector<512x64xbf16>, vector<16x512xf32> -> vector<16x512xf32>
    %mul3A_637 = arith.constant 1.250000e-01 : f32
    %mul3A_638 = vector.broadcast %mul3A_637 : f32 to vector<16x512xf32>
    %mul3A_639 = arith.mulf %dot_general3A_636, %mul3A_638 : vector<16x512xf32>
    %reduce_max3A_640 = arith.constant dense<0xFF800000> : vector<16xf32>
    %reduce_max3A_641 = vector.multi_reduction <maximumf>, %mul3A_639, %reduce_max3A_640 [1] : vector<16x512xf32> to vector<16xf32>
    %broadcast_in_dim3A_642 = vector.shape_cast %reduce_max3A_641 : vector<16xf32> to vector<16x1xf32>
    %sub3A_643 = vector.broadcast %broadcast_in_dim3A_642 : vector<16x1xf32> to vector<16x512xf32>
    %sub3A_644 = arith.subf %mul3A_639, %sub3A_643 : vector<16x512xf32>
    %exp3A_645 = math.exp %sub3A_644 : vector<16x512xf32>
    %reduce_sum3A_646 = arith.constant dense<0.000000e+00> : vector<16xf32>
    %reduce_sum3A_647 = vector.multi_reduction <add>, %exp3A_645, %reduce_sum3A_646 [1] : vector<16x512xf32> to vector<16xf32>
    %broadcast_in_dim3A_648 = vector.shape_cast %reduce_sum3A_647 : vector<16xf32> to vector<16x1xf32>
    %div3A_649 = vector.broadcast %broadcast_in_dim3A_648 : vector<16x1xf32> to vector<16x512xf32>
    %div3A_650 = arith.divf %exp3A_645, %div3A_649 : vector<16x512xf32>
    %convert_element_type3A_651 = arith.truncf %div3A_650 : vector<16x512xf32> to vector<16x512xbf16>
    %convert_element_type3A_652 = arith.truncf %slice3A_632 : vector<512x64xf32> to vector<512x64xbf16>
    %dot_general3A_653 = arith.constant dense<0.000000e+00> : vector<16x64xf32>
    %dot_general3A_654 = tpu.matmul %convert_element_type3A_651, %convert_element_type3A_652, %dot_general3A_653 {dimension_numbers = #tpu.dot_dimension_numbers<[1], [0], [0], [1], [0, 0, 1, 1], [], []>, transpose_lhs_hint = false} : vector<16x512xbf16>, vector<512x64xbf16>, vector<16x64xf32> -> vector<16x64xf32>
    %slice3A_655 = vector.extract_strided_slice %add3A_67 {offsets = [16, 448], sizes = [16, 64], strides = [1, 1]} : vector<64x1024xf32> to vector<16x64xf32>
    %slice3A_656 = vector.extract_strided_slice %add3A_74 {offsets = [512, 448], sizes = [512, 64], strides = [1, 1]} : vector<2048x1024xf32> to vector<512x64xf32>
    %slice3A_657 = vector.extract_strided_slice %add3A_81 {offsets = [512, 448], sizes = [512, 64], strides = [1, 1]} : vector<2048x1024xf32> to vector<512x64xf32>
    %convert_element_type3A_658 = arith.truncf %slice3A_655 : vector<16x64xf32> to vector<16x64xbf16>
    %convert_element_type3A_659 = arith.truncf %slice3A_656 : vector<512x64xf32> to vector<512x64xbf16>
    %dot_general3A_660 = arith.constant dense<0.000000e+00> : vector<16x512xf32>
    %dot_general3A_661 = tpu.matmul %convert_element_type3A_658, %convert_element_type3A_659, %dot_general3A_660 {dimension_numbers = #tpu.dot_dimension_numbers<[1], [1], [0], [0], [0, 0, 1, 0], [], []>, transpose_lhs_hint = false} : vector<16x64xbf16>, vector<512x64xbf16>, vector<16x512xf32> -> vector<16x512xf32>
    %mul3A_662 = arith.constant 1.250000e-01 : f32
    %mul3A_663 = vector.broadcast %mul3A_662 : f32 to vector<16x512xf32>
    %mul3A_664 = arith.mulf %dot_general3A_661, %mul3A_663 : vector<16x512xf32>
    %reduce_max3A_665 = arith.constant dense<0xFF800000> : vector<16xf32>
    %reduce_max3A_666 = vector.multi_reduction <maximumf>, %mul3A_664, %reduce_max3A_665 [1] : vector<16x512xf32> to vector<16xf32>
    %broadcast_in_dim3A_667 = vector.shape_cast %reduce_max3A_666 : vector<16xf32> to vector<16x1xf32>
    %sub3A_668 = vector.broadcast %broadcast_in_dim3A_667 : vector<16x1xf32> to vector<16x512xf32>
    %sub3A_669 = arith.subf %mul3A_664, %sub3A_668 : vector<16x512xf32>
    %exp3A_670 = math.exp %sub3A_669 : vector<16x512xf32>
    %reduce_sum3A_671 = arith.constant dense<0.000000e+00> : vector<16xf32>
    %reduce_sum3A_672 = vector.multi_reduction <add>, %exp3A_670, %reduce_sum3A_671 [1] : vector<16x512xf32> to vector<16xf32>
    %broadcast_in_dim3A_673 = vector.shape_cast %reduce_sum3A_672 : vector<16xf32> to vector<16x1xf32>
    %div3A_674 = vector.broadcast %broadcast_in_dim3A_673 : vector<16x1xf32> to vector<16x512xf32>
    %div3A_675 = arith.divf %exp3A_670, %div3A_674 : vector<16x512xf32>
    %convert_element_type3A_676 = arith.truncf %div3A_675 : vector<16x512xf32> to vector<16x512xbf16>
    %convert_element_type3A_677 = arith.truncf %slice3A_657 : vector<512x64xf32> to vector<512x64xbf16>
    %dot_general3A_678 = arith.constant dense<0.000000e+00> : vector<16x64xf32>
    %dot_general3A_679 = tpu.matmul %convert_element_type3A_676, %convert_element_type3A_677, %dot_general3A_678 {dimension_numbers = #tpu.dot_dimension_numbers<[1], [0], [0], [1], [0, 0, 1, 1], [], []>, transpose_lhs_hint = false} : vector<16x512xbf16>, vector<512x64xbf16>, vector<16x64xf32> -> vector<16x64xf32>
    %slice3A_680 = vector.extract_strided_slice %add3A_67 {offsets = [16, 512], sizes = [16, 64], strides = [1, 1]} : vector<64x1024xf32> to vector<16x64xf32>
    %slice3A_681 = vector.extract_strided_slice %add3A_74 {offsets = [512, 512], sizes = [512, 64], strides = [1, 1]} : vector<2048x1024xf32> to vector<512x64xf32>
    %slice3A_682 = vector.extract_strided_slice %add3A_81 {offsets = [512, 512], sizes = [512, 64], strides = [1, 1]} : vector<2048x1024xf32> to vector<512x64xf32>
    %convert_element_type3A_683 = arith.truncf %slice3A_680 : vector<16x64xf32> to vector<16x64xbf16>
    %convert_element_type3A_684 = arith.truncf %slice3A_681 : vector<512x64xf32> to vector<512x64xbf16>
    %dot_general3A_685 = arith.constant dense<0.000000e+00> : vector<16x512xf32>
    %dot_general3A_686 = tpu.matmul %convert_element_type3A_683, %convert_element_type3A_684, %dot_general3A_685 {dimension_numbers = #tpu.dot_dimension_numbers<[1], [1], [0], [0], [0, 0, 1, 0], [], []>, transpose_lhs_hint = false} : vector<16x64xbf16>, vector<512x64xbf16>, vector<16x512xf32> -> vector<16x512xf32>
    %mul3A_687 = arith.constant 1.250000e-01 : f32
    %mul3A_688 = vector.broadcast %mul3A_687 : f32 to vector<16x512xf32>
    %mul3A_689 = arith.mulf %dot_general3A_686, %mul3A_688 : vector<16x512xf32>
    %reduce_max3A_690 = arith.constant dense<0xFF800000> : vector<16xf32>
    %reduce_max3A_691 = vector.multi_reduction <maximumf>, %mul3A_689, %reduce_max3A_690 [1] : vector<16x512xf32> to vector<16xf32>
    %broadcast_in_dim3A_692 = vector.shape_cast %reduce_max3A_691 : vector<16xf32> to vector<16x1xf32>
    %sub3A_693 = vector.broadcast %broadcast_in_dim3A_692 : vector<16x1xf32> to vector<16x512xf32>
    %sub3A_694 = arith.subf %mul3A_689, %sub3A_693 : vector<16x512xf32>
    %exp3A_695 = math.exp %sub3A_694 : vector<16x512xf32>
    %reduce_sum3A_696 = arith.constant dense<0.000000e+00> : vector<16xf32>
    %reduce_sum3A_697 = vector.multi_reduction <add>, %exp3A_695, %reduce_sum3A_696 [1] : vector<16x512xf32> to vector<16xf32>
    %broadcast_in_dim3A_698 = vector.shape_cast %reduce_sum3A_697 : vector<16xf32> to vector<16x1xf32>
    %div3A_699 = vector.broadcast %broadcast_in_dim3A_698 : vector<16x1xf32> to vector<16x512xf32>
    %div3A_700 = arith.divf %exp3A_695, %div3A_699 : vector<16x512xf32>
    %convert_element_type3A_701 = arith.truncf %div3A_700 : vector<16x512xf32> to vector<16x512xbf16>
    %convert_element_type3A_702 = arith.truncf %slice3A_682 : vector<512x64xf32> to vector<512x64xbf16>
    %dot_general3A_703 = arith.constant dense<0.000000e+00> : vector<16x64xf32>
    %dot_general3A_704 = tpu.matmul %convert_element_type3A_701, %convert_element_type3A_702, %dot_general3A_703 {dimension_numbers = #tpu.dot_dimension_numbers<[1], [0], [0], [1], [0, 0, 1, 1], [], []>, transpose_lhs_hint = false} : vector<16x512xbf16>, vector<512x64xbf16>, vector<16x64xf32> -> vector<16x64xf32>
    %slice3A_705 = vector.extract_strided_slice %add3A_67 {offsets = [16, 576], sizes = [16, 64], strides = [1, 1]} : vector<64x1024xf32> to vector<16x64xf32>
    %slice3A_706 = vector.extract_strided_slice %add3A_74 {offsets = [512, 576], sizes = [512, 64], strides = [1, 1]} : vector<2048x1024xf32> to vector<512x64xf32>
    %slice3A_707 = vector.extract_strided_slice %add3A_81 {offsets = [512, 576], sizes = [512, 64], strides = [1, 1]} : vector<2048x1024xf32> to vector<512x64xf32>
    %convert_element_type3A_708 = arith.truncf %slice3A_705 : vector<16x64xf32> to vector<16x64xbf16>
    %convert_element_type3A_709 = arith.truncf %slice3A_706 : vector<512x64xf32> to vector<512x64xbf16>
    %dot_general3A_710 = arith.constant dense<0.000000e+00> : vector<16x512xf32>
    %dot_general3A_711 = tpu.matmul %convert_element_type3A_708, %convert_element_type3A_709, %dot_general3A_710 {dimension_numbers = #tpu.dot_dimension_numbers<[1], [1], [0], [0], [0, 0, 1, 0], [], []>, transpose_lhs_hint = false} : vector<16x64xbf16>, vector<512x64xbf16>, vector<16x512xf32> -> vector<16x512xf32>
    %mul3A_712 = arith.constant 1.250000e-01 : f32
    %mul3A_713 = vector.broadcast %mul3A_712 : f32 to vector<16x512xf32>
    %mul3A_714 = arith.mulf %dot_general3A_711, %mul3A_713 : vector<16x512xf32>
    %reduce_max3A_715 = arith.constant dense<0xFF800000> : vector<16xf32>
    %reduce_max3A_716 = vector.multi_reduction <maximumf>, %mul3A_714, %reduce_max3A_715 [1] : vector<16x512xf32> to vector<16xf32>
    %broadcast_in_dim3A_717 = vector.shape_cast %reduce_max3A_716 : vector<16xf32> to vector<16x1xf32>
    %sub3A_718 = vector.broadcast %broadcast_in_dim3A_717 : vector<16x1xf32> to vector<16x512xf32>
    %sub3A_719 = arith.subf %mul3A_714, %sub3A_718 : vector<16x512xf32>
    %exp3A_720 = math.exp %sub3A_719 : vector<16x512xf32>
    %reduce_sum3A_721 = arith.constant dense<0.000000e+00> : vector<16xf32>
    %reduce_sum3A_722 = vector.multi_reduction <add>, %exp3A_720, %reduce_sum3A_721 [1] : vector<16x512xf32> to vector<16xf32>
    %broadcast_in_dim3A_723 = vector.shape_cast %reduce_sum3A_722 : vector<16xf32> to vector<16x1xf32>
    %div3A_724 = vector.broadcast %broadcast_in_dim3A_723 : vector<16x1xf32> to vector<16x512xf32>
    %div3A_725 = arith.divf %exp3A_720, %div3A_724 : vector<16x512xf32>
    %convert_element_type3A_726 = arith.truncf %div3A_725 : vector<16x512xf32> to vector<16x512xbf16>
    %convert_element_type3A_727 = arith.truncf %slice3A_707 : vector<512x64xf32> to vector<512x64xbf16>
    %dot_general3A_728 = arith.constant dense<0.000000e+00> : vector<16x64xf32>
    %dot_general3A_729 = tpu.matmul %convert_element_type3A_726, %convert_element_type3A_727, %dot_general3A_728 {dimension_numbers = #tpu.dot_dimension_numbers<[1], [0], [0], [1], [0, 0, 1, 1], [], []>, transpose_lhs_hint = false} : vector<16x512xbf16>, vector<512x64xbf16>, vector<16x64xf32> -> vector<16x64xf32>
    %slice3A_730 = vector.extract_strided_slice %add3A_67 {offsets = [16, 640], sizes = [16, 64], strides = [1, 1]} : vector<64x1024xf32> to vector<16x64xf32>
    %slice3A_731 = vector.extract_strided_slice %add3A_74 {offsets = [512, 640], sizes = [512, 64], strides = [1, 1]} : vector<2048x1024xf32> to vector<512x64xf32>
    %slice3A_732 = vector.extract_strided_slice %add3A_81 {offsets = [512, 640], sizes = [512, 64], strides = [1, 1]} : vector<2048x1024xf32> to vector<512x64xf32>
    %convert_element_type3A_733 = arith.truncf %slice3A_730 : vector<16x64xf32> to vector<16x64xbf16>
    %convert_element_type3A_734 = arith.truncf %slice3A_731 : vector<512x64xf32> to vector<512x64xbf16>
    %dot_general3A_735 = arith.constant dense<0.000000e+00> : vector<16x512xf32>
    %dot_general3A_736 = tpu.matmul %convert_element_type3A_733, %convert_element_type3A_734, %dot_general3A_735 {dimension_numbers = #tpu.dot_dimension_numbers<[1], [1], [0], [0], [0, 0, 1, 0], [], []>, transpose_lhs_hint = false} : vector<16x64xbf16>, vector<512x64xbf16>, vector<16x512xf32> -> vector<16x512xf32>
    %mul3A_737 = arith.constant 1.250000e-01 : f32
    %mul3A_738 = vector.broadcast %mul3A_737 : f32 to vector<16x512xf32>
    %mul3A_739 = arith.mulf %dot_general3A_736, %mul3A_738 : vector<16x512xf32>
    %reduce_max3A_740 = arith.constant dense<0xFF800000> : vector<16xf32>
    %reduce_max3A_741 = vector.multi_reduction <maximumf>, %mul3A_739, %reduce_max3A_740 [1] : vector<16x512xf32> to vector<16xf32>
    %broadcast_in_dim3A_742 = vector.shape_cast %reduce_max3A_741 : vector<16xf32> to vector<16x1xf32>
    %sub3A_743 = vector.broadcast %broadcast_in_dim3A_742 : vector<16x1xf32> to vector<16x512xf32>
    %sub3A_744 = arith.subf %mul3A_739, %sub3A_743 : vector<16x512xf32>
    %exp3A_745 = math.exp %sub3A_744 : vector<16x512xf32>
    %reduce_sum3A_746 = arith.constant dense<0.000000e+00> : vector<16xf32>
    %reduce_sum3A_747 = vector.multi_reduction <add>, %exp3A_745, %reduce_sum3A_746 [1] : vector<16x512xf32> to vector<16xf32>
    %broadcast_in_dim3A_748 = vector.shape_cast %reduce_sum3A_747 : vector<16xf32> to vector<16x1xf32>
    %div3A_749 = vector.broadcast %broadcast_in_dim3A_748 : vector<16x1xf32> to vector<16x512xf32>
    %div3A_750 = arith.divf %exp3A_745, %div3A_749 : vector<16x512xf32>
    %convert_element_type3A_751 = arith.truncf %div3A_750 : vector<16x512xf32> to vector<16x512xbf16>
    %convert_element_type3A_752 = arith.truncf %slice3A_732 : vector<512x64xf32> to vector<512x64xbf16>
    %dot_general3A_753 = arith.constant dense<0.000000e+00> : vector<16x64xf32>
    %dot_general3A_754 = tpu.matmul %convert_element_type3A_751, %convert_element_type3A_752, %dot_general3A_753 {dimension_numbers = #tpu.dot_dimension_numbers<[1], [0], [0], [1], [0, 0, 1, 1], [], []>, transpose_lhs_hint = false} : vector<16x512xbf16>, vector<512x64xbf16>, vector<16x64xf32> -> vector<16x64xf32>
    %slice3A_755 = vector.extract_strided_slice %add3A_67 {offsets = [16, 704], sizes = [16, 64], strides = [1, 1]} : vector<64x1024xf32> to vector<16x64xf32>
    %slice3A_756 = vector.extract_strided_slice %add3A_74 {offsets = [512, 704], sizes = [512, 64], strides = [1, 1]} : vector<2048x1024xf32> to vector<512x64xf32>
    %slice3A_757 = vector.extract_strided_slice %add3A_81 {offsets = [512, 704], sizes = [512, 64], strides = [1, 1]} : vector<2048x1024xf32> to vector<512x64xf32>
    %convert_element_type3A_758 = arith.truncf %slice3A_755 : vector<16x64xf32> to vector<16x64xbf16>
    %convert_element_type3A_759 = arith.truncf %slice3A_756 : vector<512x64xf32> to vector<512x64xbf16>
    %dot_general3A_760 = arith.constant dense<0.000000e+00> : vector<16x512xf32>
    %dot_general3A_761 = tpu.matmul %convert_element_type3A_758, %convert_element_type3A_759, %dot_general3A_760 {dimension_numbers = #tpu.dot_dimension_numbers<[1], [1], [0], [0], [0, 0, 1, 0], [], []>, transpose_lhs_hint = false} : vector<16x64xbf16>, vector<512x64xbf16>, vector<16x512xf32> -> vector<16x512xf32>
    %mul3A_762 = arith.constant 1.250000e-01 : f32
    %mul3A_763 = vector.broadcast %mul3A_762 : f32 to vector<16x512xf32>
    %mul3A_764 = arith.mulf %dot_general3A_761, %mul3A_763 : vector<16x512xf32>
    %reduce_max3A_765 = arith.constant dense<0xFF800000> : vector<16xf32>
    %reduce_max3A_766 = vector.multi_reduction <maximumf>, %mul3A_764, %reduce_max3A_765 [1] : vector<16x512xf32> to vector<16xf32>
    %broadcast_in_dim3A_767 = vector.shape_cast %reduce_max3A_766 : vector<16xf32> to vector<16x1xf32>
    %sub3A_768 = vector.broadcast %broadcast_in_dim3A_767 : vector<16x1xf32> to vector<16x512xf32>
    %sub3A_769 = arith.subf %mul3A_764, %sub3A_768 : vector<16x512xf32>
    %exp3A_770 = math.exp %sub3A_769 : vector<16x512xf32>
    %reduce_sum3A_771 = arith.constant dense<0.000000e+00> : vector<16xf32>
    %reduce_sum3A_772 = vector.multi_reduction <add>, %exp3A_770, %reduce_sum3A_771 [1] : vector<16x512xf32> to vector<16xf32>
    %broadcast_in_dim3A_773 = vector.shape_cast %reduce_sum3A_772 : vector<16xf32> to vector<16x1xf32>
    %div3A_774 = vector.broadcast %broadcast_in_dim3A_773 : vector<16x1xf32> to vector<16x512xf32>
    %div3A_775 = arith.divf %exp3A_770, %div3A_774 : vector<16x512xf32>
    %convert_element_type3A_776 = arith.truncf %div3A_775 : vector<16x512xf32> to vector<16x512xbf16>
    %convert_element_type3A_777 = arith.truncf %slice3A_757 : vector<512x64xf32> to vector<512x64xbf16>
    %dot_general3A_778 = arith.constant dense<0.000000e+00> : vector<16x64xf32>
    %dot_general3A_779 = tpu.matmul %convert_element_type3A_776, %convert_element_type3A_777, %dot_general3A_778 {dimension_numbers = #tpu.dot_dimension_numbers<[1], [0], [0], [1], [0, 0, 1, 1], [], []>, transpose_lhs_hint = false} : vector<16x512xbf16>, vector<512x64xbf16>, vector<16x64xf32> -> vector<16x64xf32>
    %slice3A_780 = vector.extract_strided_slice %add3A_67 {offsets = [16, 768], sizes = [16, 64], strides = [1, 1]} : vector<64x1024xf32> to vector<16x64xf32>
    %slice3A_781 = vector.extract_strided_slice %add3A_74 {offsets = [512, 768], sizes = [512, 64], strides = [1, 1]} : vector<2048x1024xf32> to vector<512x64xf32>
    %slice3A_782 = vector.extract_strided_slice %add3A_81 {offsets = [512, 768], sizes = [512, 64], strides = [1, 1]} : vector<2048x1024xf32> to vector<512x64xf32>
    %convert_element_type3A_783 = arith.truncf %slice3A_780 : vector<16x64xf32> to vector<16x64xbf16>
    %convert_element_type3A_784 = arith.truncf %slice3A_781 : vector<512x64xf32> to vector<512x64xbf16>
    %dot_general3A_785 = arith.constant dense<0.000000e+00> : vector<16x512xf32>
    %dot_general3A_786 = tpu.matmul %convert_element_type3A_783, %convert_element_type3A_784, %dot_general3A_785 {dimension_numbers = #tpu.dot_dimension_numbers<[1], [1], [0], [0], [0, 0, 1, 0], [], []>, transpose_lhs_hint = false} : vector<16x64xbf16>, vector<512x64xbf16>, vector<16x512xf32> -> vector<16x512xf32>
    %mul3A_787 = arith.constant 1.250000e-01 : f32
    %mul3A_788 = vector.broadcast %mul3A_787 : f32 to vector<16x512xf32>
    %mul3A_789 = arith.mulf %dot_general3A_786, %mul3A_788 : vector<16x512xf32>
    %reduce_max3A_790 = arith.constant dense<0xFF800000> : vector<16xf32>
    %reduce_max3A_791 = vector.multi_reduction <maximumf>, %mul3A_789, %reduce_max3A_790 [1] : vector<16x512xf32> to vector<16xf32>
    %broadcast_in_dim3A_792 = vector.shape_cast %reduce_max3A_791 : vector<16xf32> to vector<16x1xf32>
    %sub3A_793 = vector.broadcast %broadcast_in_dim3A_792 : vector<16x1xf32> to vector<16x512xf32>
    %sub3A_794 = arith.subf %mul3A_789, %sub3A_793 : vector<16x512xf32>
    %exp3A_795 = math.exp %sub3A_794 : vector<16x512xf32>
    %reduce_sum3A_796 = arith.constant dense<0.000000e+00> : vector<16xf32>
    %reduce_sum3A_797 = vector.multi_reduction <add>, %exp3A_795, %reduce_sum3A_796 [1] : vector<16x512xf32> to vector<16xf32>
    %broadcast_in_dim3A_798 = vector.shape_cast %reduce_sum3A_797 : vector<16xf32> to vector<16x1xf32>
    %div3A_799 = vector.broadcast %broadcast_in_dim3A_798 : vector<16x1xf32> to vector<16x512xf32>
    %div3A_800 = arith.divf %exp3A_795, %div3A_799 : vector<16x512xf32>
    %convert_element_type3A_801 = arith.truncf %div3A_800 : vector<16x512xf32> to vector<16x512xbf16>
    %convert_element_type3A_802 = arith.truncf %slice3A_782 : vector<512x64xf32> to vector<512x64xbf16>
    %dot_general3A_803 = arith.constant dense<0.000000e+00> : vector<16x64xf32>
    %dot_general3A_804 = tpu.matmul %convert_element_type3A_801, %convert_element_type3A_802, %dot_general3A_803 {dimension_numbers = #tpu.dot_dimension_numbers<[1], [0], [0], [1], [0, 0, 1, 1], [], []>, transpose_lhs_hint = false} : vector<16x512xbf16>, vector<512x64xbf16>, vector<16x64xf32> -> vector<16x64xf32>
    %slice3A_805 = vector.extract_strided_slice %add3A_67 {offsets = [16, 832], sizes = [16, 64], strides = [1, 1]} : vector<64x1024xf32> to vector<16x64xf32>
    %slice3A_806 = vector.extract_strided_slice %add3A_74 {offsets = [512, 832], sizes = [512, 64], strides = [1, 1]} : vector<2048x1024xf32> to vector<512x64xf32>
    %slice3A_807 = vector.extract_strided_slice %add3A_81 {offsets = [512, 832], sizes = [512, 64], strides = [1, 1]} : vector<2048x1024xf32> to vector<512x64xf32>
    %convert_element_type3A_808 = arith.truncf %slice3A_805 : vector<16x64xf32> to vector<16x64xbf16>
    %convert_element_type3A_809 = arith.truncf %slice3A_806 : vector<512x64xf32> to vector<512x64xbf16>
    %dot_general3A_810 = arith.constant dense<0.000000e+00> : vector<16x512xf32>
    %dot_general3A_811 = tpu.matmul %convert_element_type3A_808, %convert_element_type3A_809, %dot_general3A_810 {dimension_numbers = #tpu.dot_dimension_numbers<[1], [1], [0], [0], [0, 0, 1, 0], [], []>, transpose_lhs_hint = false} : vector<16x64xbf16>, vector<512x64xbf16>, vector<16x512xf32> -> vector<16x512xf32>
    %mul3A_812 = arith.constant 1.250000e-01 : f32
    %mul3A_813 = vector.broadcast %mul3A_812 : f32 to vector<16x512xf32>
    %mul3A_814 = arith.mulf %dot_general3A_811, %mul3A_813 : vector<16x512xf32>
    %reduce_max3A_815 = arith.constant dense<0xFF800000> : vector<16xf32>
    %reduce_max3A_816 = vector.multi_reduction <maximumf>, %mul3A_814, %reduce_max3A_815 [1] : vector<16x512xf32> to vector<16xf32>
    %broadcast_in_dim3A_817 = vector.shape_cast %reduce_max3A_816 : vector<16xf32> to vector<16x1xf32>
    %sub3A_818 = vector.broadcast %broadcast_in_dim3A_817 : vector<16x1xf32> to vector<16x512xf32>
    %sub3A_819 = arith.subf %mul3A_814, %sub3A_818 : vector<16x512xf32>
    %exp3A_820 = math.exp %sub3A_819 : vector<16x512xf32>
    %reduce_sum3A_821 = arith.constant dense<0.000000e+00> : vector<16xf32>
    %reduce_sum3A_822 = vector.multi_reduction <add>, %exp3A_820, %reduce_sum3A_821 [1] : vector<16x512xf32> to vector<16xf32>
    %broadcast_in_dim3A_823 = vector.shape_cast %reduce_sum3A_822 : vector<16xf32> to vector<16x1xf32>
    %div3A_824 = vector.broadcast %broadcast_in_dim3A_823 : vector<16x1xf32> to vector<16x512xf32>
    %div3A_825 = arith.divf %exp3A_820, %div3A_824 : vector<16x512xf32>
    %convert_element_type3A_826 = arith.truncf %div3A_825 : vector<16x512xf32> to vector<16x512xbf16>
    %convert_element_type3A_827 = arith.truncf %slice3A_807 : vector<512x64xf32> to vector<512x64xbf16>
    %dot_general3A_828 = arith.constant dense<0.000000e+00> : vector<16x64xf32>
    %dot_general3A_829 = tpu.matmul %convert_element_type3A_826, %convert_element_type3A_827, %dot_general3A_828 {dimension_numbers = #tpu.dot_dimension_numbers<[1], [0], [0], [1], [0, 0, 1, 1], [], []>, transpose_lhs_hint = false} : vector<16x512xbf16>, vector<512x64xbf16>, vector<16x64xf32> -> vector<16x64xf32>
    %slice3A_830 = vector.extract_strided_slice %add3A_67 {offsets = [16, 896], sizes = [16, 64], strides = [1, 1]} : vector<64x1024xf32> to vector<16x64xf32>
    %slice3A_831 = vector.extract_strided_slice %add3A_74 {offsets = [512, 896], sizes = [512, 64], strides = [1, 1]} : vector<2048x1024xf32> to vector<512x64xf32>
    %slice3A_832 = vector.extract_strided_slice %add3A_81 {offsets = [512, 896], sizes = [512, 64], strides = [1, 1]} : vector<2048x1024xf32> to vector<512x64xf32>
    %convert_element_type3A_833 = arith.truncf %slice3A_830 : vector<16x64xf32> to vector<16x64xbf16>
    %convert_element_type3A_834 = arith.truncf %slice3A_831 : vector<512x64xf32> to vector<512x64xbf16>
    %dot_general3A_835 = arith.constant dense<0.000000e+00> : vector<16x512xf32>
    %dot_general3A_836 = tpu.matmul %convert_element_type3A_833, %convert_element_type3A_834, %dot_general3A_835 {dimension_numbers = #tpu.dot_dimension_numbers<[1], [1], [0], [0], [0, 0, 1, 0], [], []>, transpose_lhs_hint = false} : vector<16x64xbf16>, vector<512x64xbf16>, vector<16x512xf32> -> vector<16x512xf32>
    %mul3A_837 = arith.constant 1.250000e-01 : f32
    %mul3A_838 = vector.broadcast %mul3A_837 : f32 to vector<16x512xf32>
    %mul3A_839 = arith.mulf %dot_general3A_836, %mul3A_838 : vector<16x512xf32>
    %reduce_max3A_840 = arith.constant dense<0xFF800000> : vector<16xf32>
    %reduce_max3A_841 = vector.multi_reduction <maximumf>, %mul3A_839, %reduce_max3A_840 [1] : vector<16x512xf32> to vector<16xf32>
    %broadcast_in_dim3A_842 = vector.shape_cast %reduce_max3A_841 : vector<16xf32> to vector<16x1xf32>
    %sub3A_843 = vector.broadcast %broadcast_in_dim3A_842 : vector<16x1xf32> to vector<16x512xf32>
    %sub3A_844 = arith.subf %mul3A_839, %sub3A_843 : vector<16x512xf32>
    %exp3A_845 = math.exp %sub3A_844 : vector<16x512xf32>
    %reduce_sum3A_846 = arith.constant dense<0.000000e+00> : vector<16xf32>
    %reduce_sum3A_847 = vector.multi_reduction <add>, %exp3A_845, %reduce_sum3A_846 [1] : vector<16x512xf32> to vector<16xf32>
    %broadcast_in_dim3A_848 = vector.shape_cast %reduce_sum3A_847 : vector<16xf32> to vector<16x1xf32>
    %div3A_849 = vector.broadcast %broadcast_in_dim3A_848 : vector<16x1xf32> to vector<16x512xf32>
    %div3A_850 = arith.divf %exp3A_845, %div3A_849 : vector<16x512xf32>
    %convert_element_type3A_851 = arith.truncf %div3A_850 : vector<16x512xf32> to vector<16x512xbf16>
    %convert_element_type3A_852 = arith.truncf %slice3A_832 : vector<512x64xf32> to vector<512x64xbf16>
    %dot_general3A_853 = arith.constant dense<0.000000e+00> : vector<16x64xf32>
    %dot_general3A_854 = tpu.matmul %convert_element_type3A_851, %convert_element_type3A_852, %dot_general3A_853 {dimension_numbers = #tpu.dot_dimension_numbers<[1], [0], [0], [1], [0, 0, 1, 1], [], []>, transpose_lhs_hint = false} : vector<16x512xbf16>, vector<512x64xbf16>, vector<16x64xf32> -> vector<16x64xf32>
    %slice3A_855 = vector.extract_strided_slice %add3A_67 {offsets = [16, 960], sizes = [16, 64], strides = [1, 1]} : vector<64x1024xf32> to vector<16x64xf32>
    %slice3A_856 = vector.extract_strided_slice %add3A_74 {offsets = [512, 960], sizes = [512, 64], strides = [1, 1]} : vector<2048x1024xf32> to vector<512x64xf32>
    %slice3A_857 = vector.extract_strided_slice %add3A_81 {offsets = [512, 960], sizes = [512, 64], strides = [1, 1]} : vector<2048x1024xf32> to vector<512x64xf32>
    %convert_element_type3A_858 = arith.truncf %slice3A_855 : vector<16x64xf32> to vector<16x64xbf16>
    %convert_element_type3A_859 = arith.truncf %slice3A_856 : vector<512x64xf32> to vector<512x64xbf16>
    %dot_general3A_860 = arith.constant dense<0.000000e+00> : vector<16x512xf32>
    %dot_general3A_861 = tpu.matmul %convert_element_type3A_858, %convert_element_type3A_859, %dot_general3A_860 {dimension_numbers = #tpu.dot_dimension_numbers<[1], [1], [0], [0], [0, 0, 1, 0], [], []>, transpose_lhs_hint = false} : vector<16x64xbf16>, vector<512x64xbf16>, vector<16x512xf32> -> vector<16x512xf32>
    %mul3A_862 = arith.constant 1.250000e-01 : f32
    %mul3A_863 = vector.broadcast %mul3A_862 : f32 to vector<16x512xf32>
    %mul3A_864 = arith.mulf %dot_general3A_861, %mul3A_863 : vector<16x512xf32>
    %reduce_max3A_865 = arith.constant dense<0xFF800000> : vector<16xf32>
    %reduce_max3A_866 = vector.multi_reduction <maximumf>, %mul3A_864, %reduce_max3A_865 [1] : vector<16x512xf32> to vector<16xf32>
    %broadcast_in_dim3A_867 = vector.shape_cast %reduce_max3A_866 : vector<16xf32> to vector<16x1xf32>
    %sub3A_868 = vector.broadcast %broadcast_in_dim3A_867 : vector<16x1xf32> to vector<16x512xf32>
    %sub3A_869 = arith.subf %mul3A_864, %sub3A_868 : vector<16x512xf32>
    %exp3A_870 = math.exp %sub3A_869 : vector<16x512xf32>
    %reduce_sum3A_871 = arith.constant dense<0.000000e+00> : vector<16xf32>
    %reduce_sum3A_872 = vector.multi_reduction <add>, %exp3A_870, %reduce_sum3A_871 [1] : vector<16x512xf32> to vector<16xf32>
    %broadcast_in_dim3A_873 = vector.shape_cast %reduce_sum3A_872 : vector<16xf32> to vector<16x1xf32>
    %div3A_874 = vector.broadcast %broadcast_in_dim3A_873 : vector<16x1xf32> to vector<16x512xf32>
    %div3A_875 = arith.divf %exp3A_870, %div3A_874 : vector<16x512xf32>
    %convert_element_type3A_876 = arith.truncf %div3A_875 : vector<16x512xf32> to vector<16x512xbf16>
    %convert_element_type3A_877 = arith.truncf %slice3A_857 : vector<512x64xf32> to vector<512x64xbf16>
    %dot_general3A_878 = arith.constant dense<0.000000e+00> : vector<16x64xf32>
    %dot_general3A_879 = tpu.matmul %convert_element_type3A_876, %convert_element_type3A_877, %dot_general3A_878 {dimension_numbers = #tpu.dot_dimension_numbers<[1], [0], [0], [1], [0, 0, 1, 1], [], []>, transpose_lhs_hint = false} : vector<16x512xbf16>, vector<512x64xbf16>, vector<16x64xf32> -> vector<16x64xf32>
    %concatenate3A_880 = tpu.concatenate %dot_general3A_504, %dot_general3A_529, %dot_general3A_554, %dot_general3A_579, %dot_general3A_604, %dot_general3A_629, %dot_general3A_654, %dot_general3A_679, %dot_general3A_704, %dot_general3A_729, %dot_general3A_754, %dot_general3A_779, %dot_general3A_804, %dot_general3A_829, %dot_general3A_854, %dot_general3A_879 in 1 : vector<16x64xf32>, vector<16x64xf32>, vector<16x64xf32>, vector<16x64xf32>, vector<16x64xf32>, vector<16x64xf32>, vector<16x64xf32>, vector<16x64xf32>, vector<16x64xf32>, vector<16x64xf32>, vector<16x64xf32>, vector<16x64xf32>, vector<16x64xf32>, vector<16x64xf32>, vector<16x64xf32>, vector<16x64xf32> -> vector<16x1024xf32>
    %slice3A_881 = vector.extract_strided_slice %add3A_67 {offsets = [32, 0], sizes = [16, 64], strides = [1, 1]} : vector<64x1024xf32> to vector<16x64xf32>
    %slice3A_882 = vector.extract_strided_slice %add3A_74 {offsets = [1024, 0], sizes = [512, 64], strides = [1, 1]} : vector<2048x1024xf32> to vector<512x64xf32>
    %slice3A_883 = vector.extract_strided_slice %add3A_81 {offsets = [1024, 0], sizes = [512, 64], strides = [1, 1]} : vector<2048x1024xf32> to vector<512x64xf32>
    %convert_element_type3A_884 = arith.truncf %slice3A_881 : vector<16x64xf32> to vector<16x64xbf16>
    %convert_element_type3A_885 = arith.truncf %slice3A_882 : vector<512x64xf32> to vector<512x64xbf16>
    %dot_general3A_886 = arith.constant dense<0.000000e+00> : vector<16x512xf32>
    %dot_general3A_887 = tpu.matmul %convert_element_type3A_884, %convert_element_type3A_885, %dot_general3A_886 {dimension_numbers = #tpu.dot_dimension_numbers<[1], [1], [0], [0], [0, 0, 1, 0], [], []>, transpose_lhs_hint = false} : vector<16x64xbf16>, vector<512x64xbf16>, vector<16x512xf32> -> vector<16x512xf32>
    %mul3A_888 = arith.constant 1.250000e-01 : f32
    %mul3A_889 = vector.broadcast %mul3A_888 : f32 to vector<16x512xf32>
    %mul3A_890 = arith.mulf %dot_general3A_887, %mul3A_889 : vector<16x512xf32>
    %reduce_max3A_891 = arith.constant dense<0xFF800000> : vector<16xf32>
    %reduce_max3A_892 = vector.multi_reduction <maximumf>, %mul3A_890, %reduce_max3A_891 [1] : vector<16x512xf32> to vector<16xf32>
    %broadcast_in_dim3A_893 = vector.shape_cast %reduce_max3A_892 : vector<16xf32> to vector<16x1xf32>
    %sub3A_894 = vector.broadcast %broadcast_in_dim3A_893 : vector<16x1xf32> to vector<16x512xf32>
    %sub3A_895 = arith.subf %mul3A_890, %sub3A_894 : vector<16x512xf32>
    %exp3A_896 = math.exp %sub3A_895 : vector<16x512xf32>
    %reduce_sum3A_897 = arith.constant dense<0.000000e+00> : vector<16xf32>
    %reduce_sum3A_898 = vector.multi_reduction <add>, %exp3A_896, %reduce_sum3A_897 [1] : vector<16x512xf32> to vector<16xf32>
    %broadcast_in_dim3A_899 = vector.shape_cast %reduce_sum3A_898 : vector<16xf32> to vector<16x1xf32>
    %div3A_900 = vector.broadcast %broadcast_in_dim3A_899 : vector<16x1xf32> to vector<16x512xf32>
    %div3A_901 = arith.divf %exp3A_896, %div3A_900 : vector<16x512xf32>
    %convert_element_type3A_902 = arith.truncf %div3A_901 : vector<16x512xf32> to vector<16x512xbf16>
    %convert_element_type3A_903 = arith.truncf %slice3A_883 : vector<512x64xf32> to vector<512x64xbf16>
    %dot_general3A_904 = arith.constant dense<0.000000e+00> : vector<16x64xf32>
    %dot_general3A_905 = tpu.matmul %convert_element_type3A_902, %convert_element_type3A_903, %dot_general3A_904 {dimension_numbers = #tpu.dot_dimension_numbers<[1], [0], [0], [1], [0, 0, 1, 1], [], []>, transpose_lhs_hint = false} : vector<16x512xbf16>, vector<512x64xbf16>, vector<16x64xf32> -> vector<16x64xf32>
    %slice3A_906 = vector.extract_strided_slice %add3A_67 {offsets = [32, 64], sizes = [16, 64], strides = [1, 1]} : vector<64x1024xf32> to vector<16x64xf32>
    %slice3A_907 = vector.extract_strided_slice %add3A_74 {offsets = [1024, 64], sizes = [512, 64], strides = [1, 1]} : vector<2048x1024xf32> to vector<512x64xf32>
    %slice3A_908 = vector.extract_strided_slice %add3A_81 {offsets = [1024, 64], sizes = [512, 64], strides = [1, 1]} : vector<2048x1024xf32> to vector<512x64xf32>
    %convert_element_type3A_909 = arith.truncf %slice3A_906 : vector<16x64xf32> to vector<16x64xbf16>
    %convert_element_type3A_910 = arith.truncf %slice3A_907 : vector<512x64xf32> to vector<512x64xbf16>
    %dot_general3A_911 = arith.constant dense<0.000000e+00> : vector<16x512xf32>
    %dot_general3A_912 = tpu.matmul %convert_element_type3A_909, %convert_element_type3A_910, %dot_general3A_911 {dimension_numbers = #tpu.dot_dimension_numbers<[1], [1], [0], [0], [0, 0, 1, 0], [], []>, transpose_lhs_hint = false} : vector<16x64xbf16>, vector<512x64xbf16>, vector<16x512xf32> -> vector<16x512xf32>
    %mul3A_913 = arith.constant 1.250000e-01 : f32
    %mul3A_914 = vector.broadcast %mul3A_913 : f32 to vector<16x512xf32>
    %mul3A_915 = arith.mulf %dot_general3A_912, %mul3A_914 : vector<16x512xf32>
    %reduce_max3A_916 = arith.constant dense<0xFF800000> : vector<16xf32>
    %reduce_max3A_917 = vector.multi_reduction <maximumf>, %mul3A_915, %reduce_max3A_916 [1] : vector<16x512xf32> to vector<16xf32>
    %broadcast_in_dim3A_918 = vector.shape_cast %reduce_max3A_917 : vector<16xf32> to vector<16x1xf32>
    %sub3A_919 = vector.broadcast %broadcast_in_dim3A_918 : vector<16x1xf32> to vector<16x512xf32>
    %sub3A_920 = arith.subf %mul3A_915, %sub3A_919 : vector<16x512xf32>
    %exp3A_921 = math.exp %sub3A_920 : vector<16x512xf32>
    %reduce_sum3A_922 = arith.constant dense<0.000000e+00> : vector<16xf32>
    %reduce_sum3A_923 = vector.multi_reduction <add>, %exp3A_921, %reduce_sum3A_922 [1] : vector<16x512xf32> to vector<16xf32>
    %broadcast_in_dim3A_924 = vector.shape_cast %reduce_sum3A_923 : vector<16xf32> to vector<16x1xf32>
    %div3A_925 = vector.broadcast %broadcast_in_dim3A_924 : vector<16x1xf32> to vector<16x512xf32>
    %div3A_926 = arith.divf %exp3A_921, %div3A_925 : vector<16x512xf32>
    %convert_element_type3A_927 = arith.truncf %div3A_926 : vector<16x512xf32> to vector<16x512xbf16>
    %convert_element_type3A_928 = arith.truncf %slice3A_908 : vector<512x64xf32> to vector<512x64xbf16>
    %dot_general3A_929 = arith.constant dense<0.000000e+00> : vector<16x64xf32>
    %dot_general3A_930 = tpu.matmul %convert_element_type3A_927, %convert_element_type3A_928, %dot_general3A_929 {dimension_numbers = #tpu.dot_dimension_numbers<[1], [0], [0], [1], [0, 0, 1, 1], [], []>, transpose_lhs_hint = false} : vector<16x512xbf16>, vector<512x64xbf16>, vector<16x64xf32> -> vector<16x64xf32>
    %slice3A_931 = vector.extract_strided_slice %add3A_67 {offsets = [32, 128], sizes = [16, 64], strides = [1, 1]} : vector<64x1024xf32> to vector<16x64xf32>
    %slice3A_932 = vector.extract_strided_slice %add3A_74 {offsets = [1024, 128], sizes = [512, 64], strides = [1, 1]} : vector<2048x1024xf32> to vector<512x64xf32>
    %slice3A_933 = vector.extract_strided_slice %add3A_81 {offsets = [1024, 128], sizes = [512, 64], strides = [1, 1]} : vector<2048x1024xf32> to vector<512x64xf32>
    %convert_element_type3A_934 = arith.truncf %slice3A_931 : vector<16x64xf32> to vector<16x64xbf16>
    %convert_element_type3A_935 = arith.truncf %slice3A_932 : vector<512x64xf32> to vector<512x64xbf16>
    %dot_general3A_936 = arith.constant dense<0.000000e+00> : vector<16x512xf32>
    %dot_general3A_937 = tpu.matmul %convert_element_type3A_934, %convert_element_type3A_935, %dot_general3A_936 {dimension_numbers = #tpu.dot_dimension_numbers<[1], [1], [0], [0], [0, 0, 1, 0], [], []>, transpose_lhs_hint = false} : vector<16x64xbf16>, vector<512x64xbf16>, vector<16x512xf32> -> vector<16x512xf32>
    %mul3A_938 = arith.constant 1.250000e-01 : f32
    %mul3A_939 = vector.broadcast %mul3A_938 : f32 to vector<16x512xf32>
    %mul3A_940 = arith.mulf %dot_general3A_937, %mul3A_939 : vector<16x512xf32>
    %reduce_max3A_941 = arith.constant dense<0xFF800000> : vector<16xf32>
    %reduce_max3A_942 = vector.multi_reduction <maximumf>, %mul3A_940, %reduce_max3A_941 [1] : vector<16x512xf32> to vector<16xf32>
    %broadcast_in_dim3A_943 = vector.shape_cast %reduce_max3A_942 : vector<16xf32> to vector<16x1xf32>
    %sub3A_944 = vector.broadcast %broadcast_in_dim3A_943 : vector<16x1xf32> to vector<16x512xf32>
    %sub3A_945 = arith.subf %mul3A_940, %sub3A_944 : vector<16x512xf32>
    %exp3A_946 = math.exp %sub3A_945 : vector<16x512xf32>
    %reduce_sum3A_947 = arith.constant dense<0.000000e+00> : vector<16xf32>
    %reduce_sum3A_948 = vector.multi_reduction <add>, %exp3A_946, %reduce_sum3A_947 [1] : vector<16x512xf32> to vector<16xf32>
    %broadcast_in_dim3A_949 = vector.shape_cast %reduce_sum3A_948 : vector<16xf32> to vector<16x1xf32>
    %div3A_950 = vector.broadcast %broadcast_in_dim3A_949 : vector<16x1xf32> to vector<16x512xf32>
    %div3A_951 = arith.divf %exp3A_946, %div3A_950 : vector<16x512xf32>
    %convert_element_type3A_952 = arith.truncf %div3A_951 : vector<16x512xf32> to vector<16x512xbf16>
    %convert_element_type3A_953 = arith.truncf %slice3A_933 : vector<512x64xf32> to vector<512x64xbf16>
    %dot_general3A_954 = arith.constant dense<0.000000e+00> : vector<16x64xf32>
    %dot_general3A_955 = tpu.matmul %convert_element_type3A_952, %convert_element_type3A_953, %dot_general3A_954 {dimension_numbers = #tpu.dot_dimension_numbers<[1], [0], [0], [1], [0, 0, 1, 1], [], []>, transpose_lhs_hint = false} : vector<16x512xbf16>, vector<512x64xbf16>, vector<16x64xf32> -> vector<16x64xf32>
    %slice3A_956 = vector.extract_strided_slice %add3A_67 {offsets = [32, 192], sizes = [16, 64], strides = [1, 1]} : vector<64x1024xf32> to vector<16x64xf32>
    %slice3A_957 = vector.extract_strided_slice %add3A_74 {offsets = [1024, 192], sizes = [512, 64], strides = [1, 1]} : vector<2048x1024xf32> to vector<512x64xf32>
    %slice3A_958 = vector.extract_strided_slice %add3A_81 {offsets = [1024, 192], sizes = [512, 64], strides = [1, 1]} : vector<2048x1024xf32> to vector<512x64xf32>
    %convert_element_type3A_959 = arith.truncf %slice3A_956 : vector<16x64xf32> to vector<16x64xbf16>
    %convert_element_type3A_960 = arith.truncf %slice3A_957 : vector<512x64xf32> to vector<512x64xbf16>
    %dot_general3A_961 = arith.constant dense<0.000000e+00> : vector<16x512xf32>
    %dot_general3A_962 = tpu.matmul %convert_element_type3A_959, %convert_element_type3A_960, %dot_general3A_961 {dimension_numbers = #tpu.dot_dimension_numbers<[1], [1], [0], [0], [0, 0, 1, 0], [], []>, transpose_lhs_hint = false} : vector<16x64xbf16>, vector<512x64xbf16>, vector<16x512xf32> -> vector<16x512xf32>
    %mul3A_963 = arith.constant 1.250000e-01 : f32
    %mul3A_964 = vector.broadcast %mul3A_963 : f32 to vector<16x512xf32>
    %mul3A_965 = arith.mulf %dot_general3A_962, %mul3A_964 : vector<16x512xf32>
    %reduce_max3A_966 = arith.constant dense<0xFF800000> : vector<16xf32>
    %reduce_max3A_967 = vector.multi_reduction <maximumf>, %mul3A_965, %reduce_max3A_966 [1] : vector<16x512xf32> to vector<16xf32>
    %broadcast_in_dim3A_968 = vector.shape_cast %reduce_max3A_967 : vector<16xf32> to vector<16x1xf32>
    %sub3A_969 = vector.broadcast %broadcast_in_dim3A_968 : vector<16x1xf32> to vector<16x512xf32>
    %sub3A_970 = arith.subf %mul3A_965, %sub3A_969 : vector<16x512xf32>
    %exp3A_971 = math.exp %sub3A_970 : vector<16x512xf32>
    %reduce_sum3A_972 = arith.constant dense<0.000000e+00> : vector<16xf32>
    %reduce_sum3A_973 = vector.multi_reduction <add>, %exp3A_971, %reduce_sum3A_972 [1] : vector<16x512xf32> to vector<16xf32>
    %broadcast_in_dim3A_974 = vector.shape_cast %reduce_sum3A_973 : vector<16xf32> to vector<16x1xf32>
    %div3A_975 = vector.broadcast %broadcast_in_dim3A_974 : vector<16x1xf32> to vector<16x512xf32>
    %div3A_976 = arith.divf %exp3A_971, %div3A_975 : vector<16x512xf32>
    %convert_element_type3A_977 = arith.truncf %div3A_976 : vector<16x512xf32> to vector<16x512xbf16>
    %convert_element_type3A_978 = arith.truncf %slice3A_958 : vector<512x64xf32> to vector<512x64xbf16>
    %dot_general3A_979 = arith.constant dense<0.000000e+00> : vector<16x64xf32>
    %dot_general3A_980 = tpu.matmul %convert_element_type3A_977, %convert_element_type3A_978, %dot_general3A_979 {dimension_numbers = #tpu.dot_dimension_numbers<[1], [0], [0], [1], [0, 0, 1, 1], [], []>, transpose_lhs_hint = false} : vector<16x512xbf16>, vector<512x64xbf16>, vector<16x64xf32> -> vector<16x64xf32>
    %slice3A_981 = vector.extract_strided_slice %add3A_67 {offsets = [32, 256], sizes = [16, 64], strides = [1, 1]} : vector<64x1024xf32> to vector<16x64xf32>
    %slice3A_982 = vector.extract_strided_slice %add3A_74 {offsets = [1024, 256], sizes = [512, 64], strides = [1, 1]} : vector<2048x1024xf32> to vector<512x64xf32>
    %slice3A_983 = vector.extract_strided_slice %add3A_81 {offsets = [1024, 256], sizes = [512, 64], strides = [1, 1]} : vector<2048x1024xf32> to vector<512x64xf32>
    %convert_element_type3A_984 = arith.truncf %slice3A_981 : vector<16x64xf32> to vector<16x64xbf16>
    %convert_element_type3A_985 = arith.truncf %slice3A_982 : vector<512x64xf32> to vector<512x64xbf16>
    %dot_general3A_986 = arith.constant dense<0.000000e+00> : vector<16x512xf32>
    %dot_general3A_987 = tpu.matmul %convert_element_type3A_984, %convert_element_type3A_985, %dot_general3A_986 {dimension_numbers = #tpu.dot_dimension_numbers<[1], [1], [0], [0], [0, 0, 1, 0], [], []>, transpose_lhs_hint = false} : vector<16x64xbf16>, vector<512x64xbf16>, vector<16x512xf32> -> vector<16x512xf32>
    %mul3A_988 = arith.constant 1.250000e-01 : f32
    %mul3A_989 = vector.broadcast %mul3A_988 : f32 to vector<16x512xf32>
    %mul3A_990 = arith.mulf %dot_general3A_987, %mul3A_989 : vector<16x512xf32>
    %reduce_max3A_991 = arith.constant dense<0xFF800000> : vector<16xf32>
    %reduce_max3A_992 = vector.multi_reduction <maximumf>, %mul3A_990, %reduce_max3A_991 [1] : vector<16x512xf32> to vector<16xf32>
    %broadcast_in_dim3A_993 = vector.shape_cast %reduce_max3A_992 : vector<16xf32> to vector<16x1xf32>
    %sub3A_994 = vector.broadcast %broadcast_in_dim3A_993 : vector<16x1xf32> to vector<16x512xf32>
    %sub3A_995 = arith.subf %mul3A_990, %sub3A_994 : vector<16x512xf32>
    %exp3A_996 = math.exp %sub3A_995 : vector<16x512xf32>
    %reduce_sum3A_997 = arith.constant dense<0.000000e+00> : vector<16xf32>
    %reduce_sum3A_998 = vector.multi_reduction <add>, %exp3A_996, %reduce_sum3A_997 [1] : vector<16x512xf32> to vector<16xf32>
    %broadcast_in_dim3A_999 = vector.shape_cast %reduce_sum3A_998 : vector<16xf32> to vector<16x1xf32>
    %div3A_1000 = vector.broadcast %broadcast_in_dim3A_999 : vector<16x1xf32> to vector<16x512xf32>
    %div3A_1001 = arith.divf %exp3A_996, %div3A_1000 : vector<16x512xf32>
    %convert_element_type3A_1002 = arith.truncf %div3A_1001 : vector<16x512xf32> to vector<16x512xbf16>
    %convert_element_type3A_1003 = arith.truncf %slice3A_983 : vector<512x64xf32> to vector<512x64xbf16>
    %dot_general3A_1004 = arith.constant dense<0.000000e+00> : vector<16x64xf32>
    %dot_general3A_1005 = tpu.matmul %convert_element_type3A_1002, %convert_element_type3A_1003, %dot_general3A_1004 {dimension_numbers = #tpu.dot_dimension_numbers<[1], [0], [0], [1], [0, 0, 1, 1], [], []>, transpose_lhs_hint = false} : vector<16x512xbf16>, vector<512x64xbf16>, vector<16x64xf32> -> vector<16x64xf32>
    %slice3A_1006 = vector.extract_strided_slice %add3A_67 {offsets = [32, 320], sizes = [16, 64], strides = [1, 1]} : vector<64x1024xf32> to vector<16x64xf32>
    %slice3A_1007 = vector.extract_strided_slice %add3A_74 {offsets = [1024, 320], sizes = [512, 64], strides = [1, 1]} : vector<2048x1024xf32> to vector<512x64xf32>
    %slice3A_1008 = vector.extract_strided_slice %add3A_81 {offsets = [1024, 320], sizes = [512, 64], strides = [1, 1]} : vector<2048x1024xf32> to vector<512x64xf32>
    %convert_element_type3A_1009 = arith.truncf %slice3A_1006 : vector<16x64xf32> to vector<16x64xbf16>
    %convert_element_type3A_1010 = arith.truncf %slice3A_1007 : vector<512x64xf32> to vector<512x64xbf16>
    %dot_general3A_1011 = arith.constant dense<0.000000e+00> : vector<16x512xf32>
    %dot_general3A_1012 = tpu.matmul %convert_element_type3A_1009, %convert_element_type3A_1010, %dot_general3A_1011 {dimension_numbers = #tpu.dot_dimension_numbers<[1], [1], [0], [0], [0, 0, 1, 0], [], []>, transpose_lhs_hint = false} : vector<16x64xbf16>, vector<512x64xbf16>, vector<16x512xf32> -> vector<16x512xf32>
    %mul3A_1013 = arith.constant 1.250000e-01 : f32
    %mul3A_1014 = vector.broadcast %mul3A_1013 : f32 to vector<16x512xf32>
    %mul3A_1015 = arith.mulf %dot_general3A_1012, %mul3A_1014 : vector<16x512xf32>
    %reduce_max3A_1016 = arith.constant dense<0xFF800000> : vector<16xf32>
    %reduce_max3A_1017 = vector.multi_reduction <maximumf>, %mul3A_1015, %reduce_max3A_1016 [1] : vector<16x512xf32> to vector<16xf32>
    %broadcast_in_dim3A_1018 = vector.shape_cast %reduce_max3A_1017 : vector<16xf32> to vector<16x1xf32>
    %sub3A_1019 = vector.broadcast %broadcast_in_dim3A_1018 : vector<16x1xf32> to vector<16x512xf32>
    %sub3A_1020 = arith.subf %mul3A_1015, %sub3A_1019 : vector<16x512xf32>
    %exp3A_1021 = math.exp %sub3A_1020 : vector<16x512xf32>
    %reduce_sum3A_1022 = arith.constant dense<0.000000e+00> : vector<16xf32>
    %reduce_sum3A_1023 = vector.multi_reduction <add>, %exp3A_1021, %reduce_sum3A_1022 [1] : vector<16x512xf32> to vector<16xf32>
    %broadcast_in_dim3A_1024 = vector.shape_cast %reduce_sum3A_1023 : vector<16xf32> to vector<16x1xf32>
    %div3A_1025 = vector.broadcast %broadcast_in_dim3A_1024 : vector<16x1xf32> to vector<16x512xf32>
    %div3A_1026 = arith.divf %exp3A_1021, %div3A_1025 : vector<16x512xf32>
    %convert_element_type3A_1027 = arith.truncf %div3A_1026 : vector<16x512xf32> to vector<16x512xbf16>
    %convert_element_type3A_1028 = arith.truncf %slice3A_1008 : vector<512x64xf32> to vector<512x64xbf16>
    %dot_general3A_1029 = arith.constant dense<0.000000e+00> : vector<16x64xf32>
    %dot_general3A_1030 = tpu.matmul %convert_element_type3A_1027, %convert_element_type3A_1028, %dot_general3A_1029 {dimension_numbers = #tpu.dot_dimension_numbers<[1], [0], [0], [1], [0, 0, 1, 1], [], []>, transpose_lhs_hint = false} : vector<16x512xbf16>, vector<512x64xbf16>, vector<16x64xf32> -> vector<16x64xf32>
    %slice3A_1031 = vector.extract_strided_slice %add3A_67 {offsets = [32, 384], sizes = [16, 64], strides = [1, 1]} : vector<64x1024xf32> to vector<16x64xf32>
    %slice3A_1032 = vector.extract_strided_slice %add3A_74 {offsets = [1024, 384], sizes = [512, 64], strides = [1, 1]} : vector<2048x1024xf32> to vector<512x64xf32>
    %slice3A_1033 = vector.extract_strided_slice %add3A_81 {offsets = [1024, 384], sizes = [512, 64], strides = [1, 1]} : vector<2048x1024xf32> to vector<512x64xf32>
    %convert_element_type3A_1034 = arith.truncf %slice3A_1031 : vector<16x64xf32> to vector<16x64xbf16>
    %convert_element_type3A_1035 = arith.truncf %slice3A_1032 : vector<512x64xf32> to vector<512x64xbf16>
    %dot_general3A_1036 = arith.constant dense<0.000000e+00> : vector<16x512xf32>
    %dot_general3A_1037 = tpu.matmul %convert_element_type3A_1034, %convert_element_type3A_1035, %dot_general3A_1036 {dimension_numbers = #tpu.dot_dimension_numbers<[1], [1], [0], [0], [0, 0, 1, 0], [], []>, transpose_lhs_hint = false} : vector<16x64xbf16>, vector<512x64xbf16>, vector<16x512xf32> -> vector<16x512xf32>
    %mul3A_1038 = arith.constant 1.250000e-01 : f32
    %mul3A_1039 = vector.broadcast %mul3A_1038 : f32 to vector<16x512xf32>
    %mul3A_1040 = arith.mulf %dot_general3A_1037, %mul3A_1039 : vector<16x512xf32>
    %reduce_max3A_1041 = arith.constant dense<0xFF800000> : vector<16xf32>
    %reduce_max3A_1042 = vector.multi_reduction <maximumf>, %mul3A_1040, %reduce_max3A_1041 [1] : vector<16x512xf32> to vector<16xf32>
    %broadcast_in_dim3A_1043 = vector.shape_cast %reduce_max3A_1042 : vector<16xf32> to vector<16x1xf32>
    %sub3A_1044 = vector.broadcast %broadcast_in_dim3A_1043 : vector<16x1xf32> to vector<16x512xf32>
    %sub3A_1045 = arith.subf %mul3A_1040, %sub3A_1044 : vector<16x512xf32>
    %exp3A_1046 = math.exp %sub3A_1045 : vector<16x512xf32>
    %reduce_sum3A_1047 = arith.constant dense<0.000000e+00> : vector<16xf32>
    %reduce_sum3A_1048 = vector.multi_reduction <add>, %exp3A_1046, %reduce_sum3A_1047 [1] : vector<16x512xf32> to vector<16xf32>
    %broadcast_in_dim3A_1049 = vector.shape_cast %reduce_sum3A_1048 : vector<16xf32> to vector<16x1xf32>
    %div3A_1050 = vector.broadcast %broadcast_in_dim3A_1049 : vector<16x1xf32> to vector<16x512xf32>
    %div3A_1051 = arith.divf %exp3A_1046, %div3A_1050 : vector<16x512xf32>
    %convert_element_type3A_1052 = arith.truncf %div3A_1051 : vector<16x512xf32> to vector<16x512xbf16>
    %convert_element_type3A_1053 = arith.truncf %slice3A_1033 : vector<512x64xf32> to vector<512x64xbf16>
    %dot_general3A_1054 = arith.constant dense<0.000000e+00> : vector<16x64xf32>
    %dot_general3A_1055 = tpu.matmul %convert_element_type3A_1052, %convert_element_type3A_1053, %dot_general3A_1054 {dimension_numbers = #tpu.dot_dimension_numbers<[1], [0], [0], [1], [0, 0, 1, 1], [], []>, transpose_lhs_hint = false} : vector<16x512xbf16>, vector<512x64xbf16>, vector<16x64xf32> -> vector<16x64xf32>
    %slice3A_1056 = vector.extract_strided_slice %add3A_67 {offsets = [32, 448], sizes = [16, 64], strides = [1, 1]} : vector<64x1024xf32> to vector<16x64xf32>
    %slice3A_1057 = vector.extract_strided_slice %add3A_74 {offsets = [1024, 448], sizes = [512, 64], strides = [1, 1]} : vector<2048x1024xf32> to vector<512x64xf32>
    %slice3A_1058 = vector.extract_strided_slice %add3A_81 {offsets = [1024, 448], sizes = [512, 64], strides = [1, 1]} : vector<2048x1024xf32> to vector<512x64xf32>
    %convert_element_type3A_1059 = arith.truncf %slice3A_1056 : vector<16x64xf32> to vector<16x64xbf16>
    %convert_element_type3A_1060 = arith.truncf %slice3A_1057 : vector<512x64xf32> to vector<512x64xbf16>
    %dot_general3A_1061 = arith.constant dense<0.000000e+00> : vector<16x512xf32>
    %dot_general3A_1062 = tpu.matmul %convert_element_type3A_1059, %convert_element_type3A_1060, %dot_general3A_1061 {dimension_numbers = #tpu.dot_dimension_numbers<[1], [1], [0], [0], [0, 0, 1, 0], [], []>, transpose_lhs_hint = false} : vector<16x64xbf16>, vector<512x64xbf16>, vector<16x512xf32> -> vector<16x512xf32>
    %mul3A_1063 = arith.constant 1.250000e-01 : f32
    %mul3A_1064 = vector.broadcast %mul3A_1063 : f32 to vector<16x512xf32>
    %mul3A_1065 = arith.mulf %dot_general3A_1062, %mul3A_1064 : vector<16x512xf32>
    %reduce_max3A_1066 = arith.constant dense<0xFF800000> : vector<16xf32>
    %reduce_max3A_1067 = vector.multi_reduction <maximumf>, %mul3A_1065, %reduce_max3A_1066 [1] : vector<16x512xf32> to vector<16xf32>
    %broadcast_in_dim3A_1068 = vector.shape_cast %reduce_max3A_1067 : vector<16xf32> to vector<16x1xf32>
    %sub3A_1069 = vector.broadcast %broadcast_in_dim3A_1068 : vector<16x1xf32> to vector<16x512xf32>
    %sub3A_1070 = arith.subf %mul3A_1065, %sub3A_1069 : vector<16x512xf32>
    %exp3A_1071 = math.exp %sub3A_1070 : vector<16x512xf32>
    %reduce_sum3A_1072 = arith.constant dense<0.000000e+00> : vector<16xf32>
    %reduce_sum3A_1073 = vector.multi_reduction <add>, %exp3A_1071, %reduce_sum3A_1072 [1] : vector<16x512xf32> to vector<16xf32>
    %broadcast_in_dim3A_1074 = vector.shape_cast %reduce_sum3A_1073 : vector<16xf32> to vector<16x1xf32>
    %div3A_1075 = vector.broadcast %broadcast_in_dim3A_1074 : vector<16x1xf32> to vector<16x512xf32>
    %div3A_1076 = arith.divf %exp3A_1071, %div3A_1075 : vector<16x512xf32>
    %convert_element_type3A_1077 = arith.truncf %div3A_1076 : vector<16x512xf32> to vector<16x512xbf16>
    %convert_element_type3A_1078 = arith.truncf %slice3A_1058 : vector<512x64xf32> to vector<512x64xbf16>
    %dot_general3A_1079 = arith.constant dense<0.000000e+00> : vector<16x64xf32>
    %dot_general3A_1080 = tpu.matmul %convert_element_type3A_1077, %convert_element_type3A_1078, %dot_general3A_1079 {dimension_numbers = #tpu.dot_dimension_numbers<[1], [0], [0], [1], [0, 0, 1, 1], [], []>, transpose_lhs_hint = false} : vector<16x512xbf16>, vector<512x64xbf16>, vector<16x64xf32> -> vector<16x64xf32>
    %slice3A_1081 = vector.extract_strided_slice %add3A_67 {offsets = [32, 512], sizes = [16, 64], strides = [1, 1]} : vector<64x1024xf32> to vector<16x64xf32>
    %slice3A_1082 = vector.extract_strided_slice %add3A_74 {offsets = [1024, 512], sizes = [512, 64], strides = [1, 1]} : vector<2048x1024xf32> to vector<512x64xf32>
    %slice3A_1083 = vector.extract_strided_slice %add3A_81 {offsets = [1024, 512], sizes = [512, 64], strides = [1, 1]} : vector<2048x1024xf32> to vector<512x64xf32>
    %convert_element_type3A_1084 = arith.truncf %slice3A_1081 : vector<16x64xf32> to vector<16x64xbf16>
    %convert_element_type3A_1085 = arith.truncf %slice3A_1082 : vector<512x64xf32> to vector<512x64xbf16>
    %dot_general3A_1086 = arith.constant dense<0.000000e+00> : vector<16x512xf32>
    %dot_general3A_1087 = tpu.matmul %convert_element_type3A_1084, %convert_element_type3A_1085, %dot_general3A_1086 {dimension_numbers = #tpu.dot_dimension_numbers<[1], [1], [0], [0], [0, 0, 1, 0], [], []>, transpose_lhs_hint = false} : vector<16x64xbf16>, vector<512x64xbf16>, vector<16x512xf32> -> vector<16x512xf32>
    %mul3A_1088 = arith.constant 1.250000e-01 : f32
    %mul3A_1089 = vector.broadcast %mul3A_1088 : f32 to vector<16x512xf32>
    %mul3A_1090 = arith.mulf %dot_general3A_1087, %mul3A_1089 : vector<16x512xf32>
    %reduce_max3A_1091 = arith.constant dense<0xFF800000> : vector<16xf32>
    %reduce_max3A_1092 = vector.multi_reduction <maximumf>, %mul3A_1090, %reduce_max3A_1091 [1] : vector<16x512xf32> to vector<16xf32>
    %broadcast_in_dim3A_1093 = vector.shape_cast %reduce_max3A_1092 : vector<16xf32> to vector<16x1xf32>
    %sub3A_1094 = vector.broadcast %broadcast_in_dim3A_1093 : vector<16x1xf32> to vector<16x512xf32>
    %sub3A_1095 = arith.subf %mul3A_1090, %sub3A_1094 : vector<16x512xf32>
    %exp3A_1096 = math.exp %sub3A_1095 : vector<16x512xf32>
    %reduce_sum3A_1097 = arith.constant dense<0.000000e+00> : vector<16xf32>
    %reduce_sum3A_1098 = vector.multi_reduction <add>, %exp3A_1096, %reduce_sum3A_1097 [1] : vector<16x512xf32> to vector<16xf32>
    %broadcast_in_dim3A_1099 = vector.shape_cast %reduce_sum3A_1098 : vector<16xf32> to vector<16x1xf32>
    %div3A_1100 = vector.broadcast %broadcast_in_dim3A_1099 : vector<16x1xf32> to vector<16x512xf32>
    %div3A_1101 = arith.divf %exp3A_1096, %div3A_1100 : vector<16x512xf32>
    %convert_element_type3A_1102 = arith.truncf %div3A_1101 : vector<16x512xf32> to vector<16x512xbf16>
    %convert_element_type3A_1103 = arith.truncf %slice3A_1083 : vector<512x64xf32> to vector<512x64xbf16>
    %dot_general3A_1104 = arith.constant dense<0.000000e+00> : vector<16x64xf32>
    %dot_general3A_1105 = tpu.matmul %convert_element_type3A_1102, %convert_element_type3A_1103, %dot_general3A_1104 {dimension_numbers = #tpu.dot_dimension_numbers<[1], [0], [0], [1], [0, 0, 1, 1], [], []>, transpose_lhs_hint = false} : vector<16x512xbf16>, vector<512x64xbf16>, vector<16x64xf32> -> vector<16x64xf32>
    %slice3A_1106 = vector.extract_strided_slice %add3A_67 {offsets = [32, 576], sizes = [16, 64], strides = [1, 1]} : vector<64x1024xf32> to vector<16x64xf32>
    %slice3A_1107 = vector.extract_strided_slice %add3A_74 {offsets = [1024, 576], sizes = [512, 64], strides = [1, 1]} : vector<2048x1024xf32> to vector<512x64xf32>
    %slice3A_1108 = vector.extract_strided_slice %add3A_81 {offsets = [1024, 576], sizes = [512, 64], strides = [1, 1]} : vector<2048x1024xf32> to vector<512x64xf32>
    %convert_element_type3A_1109 = arith.truncf %slice3A_1106 : vector<16x64xf32> to vector<16x64xbf16>
    %convert_element_type3A_1110 = arith.truncf %slice3A_1107 : vector<512x64xf32> to vector<512x64xbf16>
    %dot_general3A_1111 = arith.constant dense<0.000000e+00> : vector<16x512xf32>
    %dot_general3A_1112 = tpu.matmul %convert_element_type3A_1109, %convert_element_type3A_1110, %dot_general3A_1111 {dimension_numbers = #tpu.dot_dimension_numbers<[1], [1], [0], [0], [0, 0, 1, 0], [], []>, transpose_lhs_hint = false} : vector<16x64xbf16>, vector<512x64xbf16>, vector<16x512xf32> -> vector<16x512xf32>
    %mul3A_1113 = arith.constant 1.250000e-01 : f32
    %mul3A_1114 = vector.broadcast %mul3A_1113 : f32 to vector<16x512xf32>
    %mul3A_1115 = arith.mulf %dot_general3A_1112, %mul3A_1114 : vector<16x512xf32>
    %reduce_max3A_1116 = arith.constant dense<0xFF800000> : vector<16xf32>
    %reduce_max3A_1117 = vector.multi_reduction <maximumf>, %mul3A_1115, %reduce_max3A_1116 [1] : vector<16x512xf32> to vector<16xf32>
    %broadcast_in_dim3A_1118 = vector.shape_cast %reduce_max3A_1117 : vector<16xf32> to vector<16x1xf32>
    %sub3A_1119 = vector.broadcast %broadcast_in_dim3A_1118 : vector<16x1xf32> to vector<16x512xf32>
    %sub3A_1120 = arith.subf %mul3A_1115, %sub3A_1119 : vector<16x512xf32>
    %exp3A_1121 = math.exp %sub3A_1120 : vector<16x512xf32>
    %reduce_sum3A_1122 = arith.constant dense<0.000000e+00> : vector<16xf32>
    %reduce_sum3A_1123 = vector.multi_reduction <add>, %exp3A_1121, %reduce_sum3A_1122 [1] : vector<16x512xf32> to vector<16xf32>
    %broadcast_in_dim3A_1124 = vector.shape_cast %reduce_sum3A_1123 : vector<16xf32> to vector<16x1xf32>
    %div3A_1125 = vector.broadcast %broadcast_in_dim3A_1124 : vector<16x1xf32> to vector<16x512xf32>
    %div3A_1126 = arith.divf %exp3A_1121, %div3A_1125 : vector<16x512xf32>
    %convert_element_type3A_1127 = arith.truncf %div3A_1126 : vector<16x512xf32> to vector<16x512xbf16>
    %convert_element_type3A_1128 = arith.truncf %slice3A_1108 : vector<512x64xf32> to vector<512x64xbf16>
    %dot_general3A_1129 = arith.constant dense<0.000000e+00> : vector<16x64xf32>
    %dot_general3A_1130 = tpu.matmul %convert_element_type3A_1127, %convert_element_type3A_1128, %dot_general3A_1129 {dimension_numbers = #tpu.dot_dimension_numbers<[1], [0], [0], [1], [0, 0, 1, 1], [], []>, transpose_lhs_hint = false} : vector<16x512xbf16>, vector<512x64xbf16>, vector<16x64xf32> -> vector<16x64xf32>
    %slice3A_1131 = vector.extract_strided_slice %add3A_67 {offsets = [32, 640], sizes = [16, 64], strides = [1, 1]} : vector<64x1024xf32> to vector<16x64xf32>
    %slice3A_1132 = vector.extract_strided_slice %add3A_74 {offsets = [1024, 640], sizes = [512, 64], strides = [1, 1]} : vector<2048x1024xf32> to vector<512x64xf32>
    %slice3A_1133 = vector.extract_strided_slice %add3A_81 {offsets = [1024, 640], sizes = [512, 64], strides = [1, 1]} : vector<2048x1024xf32> to vector<512x64xf32>
    %convert_element_type3A_1134 = arith.truncf %slice3A_1131 : vector<16x64xf32> to vector<16x64xbf16>
    %convert_element_type3A_1135 = arith.truncf %slice3A_1132 : vector<512x64xf32> to vector<512x64xbf16>
    %dot_general3A_1136 = arith.constant dense<0.000000e+00> : vector<16x512xf32>
    %dot_general3A_1137 = tpu.matmul %convert_element_type3A_1134, %convert_element_type3A_1135, %dot_general3A_1136 {dimension_numbers = #tpu.dot_dimension_numbers<[1], [1], [0], [0], [0, 0, 1, 0], [], []>, transpose_lhs_hint = false} : vector<16x64xbf16>, vector<512x64xbf16>, vector<16x512xf32> -> vector<16x512xf32>
    %mul3A_1138 = arith.constant 1.250000e-01 : f32
    %mul3A_1139 = vector.broadcast %mul3A_1138 : f32 to vector<16x512xf32>
    %mul3A_1140 = arith.mulf %dot_general3A_1137, %mul3A_1139 : vector<16x512xf32>
    %reduce_max3A_1141 = arith.constant dense<0xFF800000> : vector<16xf32>
    %reduce_max3A_1142 = vector.multi_reduction <maximumf>, %mul3A_1140, %reduce_max3A_1141 [1] : vector<16x512xf32> to vector<16xf32>
    %broadcast_in_dim3A_1143 = vector.shape_cast %reduce_max3A_1142 : vector<16xf32> to vector<16x1xf32>
    %sub3A_1144 = vector.broadcast %broadcast_in_dim3A_1143 : vector<16x1xf32> to vector<16x512xf32>
    %sub3A_1145 = arith.subf %mul3A_1140, %sub3A_1144 : vector<16x512xf32>
    %exp3A_1146 = math.exp %sub3A_1145 : vector<16x512xf32>
    %reduce_sum3A_1147 = arith.constant dense<0.000000e+00> : vector<16xf32>
    %reduce_sum3A_1148 = vector.multi_reduction <add>, %exp3A_1146, %reduce_sum3A_1147 [1] : vector<16x512xf32> to vector<16xf32>
    %broadcast_in_dim3A_1149 = vector.shape_cast %reduce_sum3A_1148 : vector<16xf32> to vector<16x1xf32>
    %div3A_1150 = vector.broadcast %broadcast_in_dim3A_1149 : vector<16x1xf32> to vector<16x512xf32>
    %div3A_1151 = arith.divf %exp3A_1146, %div3A_1150 : vector<16x512xf32>
    %convert_element_type3A_1152 = arith.truncf %div3A_1151 : vector<16x512xf32> to vector<16x512xbf16>
    %convert_element_type3A_1153 = arith.truncf %slice3A_1133 : vector<512x64xf32> to vector<512x64xbf16>
    %dot_general3A_1154 = arith.constant dense<0.000000e+00> : vector<16x64xf32>
    %dot_general3A_1155 = tpu.matmul %convert_element_type3A_1152, %convert_element_type3A_1153, %dot_general3A_1154 {dimension_numbers = #tpu.dot_dimension_numbers<[1], [0], [0], [1], [0, 0, 1, 1], [], []>, transpose_lhs_hint = false} : vector<16x512xbf16>, vector<512x64xbf16>, vector<16x64xf32> -> vector<16x64xf32>
    %slice3A_1156 = vector.extract_strided_slice %add3A_67 {offsets = [32, 704], sizes = [16, 64], strides = [1, 1]} : vector<64x1024xf32> to vector<16x64xf32>
    %slice3A_1157 = vector.extract_strided_slice %add3A_74 {offsets = [1024, 704], sizes = [512, 64], strides = [1, 1]} : vector<2048x1024xf32> to vector<512x64xf32>
    %slice3A_1158 = vector.extract_strided_slice %add3A_81 {offsets = [1024, 704], sizes = [512, 64], strides = [1, 1]} : vector<2048x1024xf32> to vector<512x64xf32>
    %convert_element_type3A_1159 = arith.truncf %slice3A_1156 : vector<16x64xf32> to vector<16x64xbf16>
    %convert_element_type3A_1160 = arith.truncf %slice3A_1157 : vector<512x64xf32> to vector<512x64xbf16>
    %dot_general3A_1161 = arith.constant dense<0.000000e+00> : vector<16x512xf32>
    %dot_general3A_1162 = tpu.matmul %convert_element_type3A_1159, %convert_element_type3A_1160, %dot_general3A_1161 {dimension_numbers = #tpu.dot_dimension_numbers<[1], [1], [0], [0], [0, 0, 1, 0], [], []>, transpose_lhs_hint = false} : vector<16x64xbf16>, vector<512x64xbf16>, vector<16x512xf32> -> vector<16x512xf32>
    %mul3A_1163 = arith.constant 1.250000e-01 : f32
    %mul3A_1164 = vector.broadcast %mul3A_1163 : f32 to vector<16x512xf32>
    %mul3A_1165 = arith.mulf %dot_general3A_1162, %mul3A_1164 : vector<16x512xf32>
    %reduce_max3A_1166 = arith.constant dense<0xFF800000> : vector<16xf32>
    %reduce_max3A_1167 = vector.multi_reduction <maximumf>, %mul3A_1165, %reduce_max3A_1166 [1] : vector<16x512xf32> to vector<16xf32>
    %broadcast_in_dim3A_1168 = vector.shape_cast %reduce_max3A_1167 : vector<16xf32> to vector<16x1xf32>
    %sub3A_1169 = vector.broadcast %broadcast_in_dim3A_1168 : vector<16x1xf32> to vector<16x512xf32>
    %sub3A_1170 = arith.subf %mul3A_1165, %sub3A_1169 : vector<16x512xf32>
    %exp3A_1171 = math.exp %sub3A_1170 : vector<16x512xf32>
    %reduce_sum3A_1172 = arith.constant dense<0.000000e+00> : vector<16xf32>
    %reduce_sum3A_1173 = vector.multi_reduction <add>, %exp3A_1171, %reduce_sum3A_1172 [1] : vector<16x512xf32> to vector<16xf32>
    %broadcast_in_dim3A_1174 = vector.shape_cast %reduce_sum3A_1173 : vector<16xf32> to vector<16x1xf32>
    %div3A_1175 = vector.broadcast %broadcast_in_dim3A_1174 : vector<16x1xf32> to vector<16x512xf32>
    %div3A_1176 = arith.divf %exp3A_1171, %div3A_1175 : vector<16x512xf32>
    %convert_element_type3A_1177 = arith.truncf %div3A_1176 : vector<16x512xf32> to vector<16x512xbf16>
    %convert_element_type3A_1178 = arith.truncf %slice3A_1158 : vector<512x64xf32> to vector<512x64xbf16>
    %dot_general3A_1179 = arith.constant dense<0.000000e+00> : vector<16x64xf32>
    %dot_general3A_1180 = tpu.matmul %convert_element_type3A_1177, %convert_element_type3A_1178, %dot_general3A_1179 {dimension_numbers = #tpu.dot_dimension_numbers<[1], [0], [0], [1], [0, 0, 1, 1], [], []>, transpose_lhs_hint = false} : vector<16x512xbf16>, vector<512x64xbf16>, vector<16x64xf32> -> vector<16x64xf32>
    %slice3A_1181 = vector.extract_strided_slice %add3A_67 {offsets = [32, 768], sizes = [16, 64], strides = [1, 1]} : vector<64x1024xf32> to vector<16x64xf32>
    %slice3A_1182 = vector.extract_strided_slice %add3A_74 {offsets = [1024, 768], sizes = [512, 64], strides = [1, 1]} : vector<2048x1024xf32> to vector<512x64xf32>
    %slice3A_1183 = vector.extract_strided_slice %add3A_81 {offsets = [1024, 768], sizes = [512, 64], strides = [1, 1]} : vector<2048x1024xf32> to vector<512x64xf32>
    %convert_element_type3A_1184 = arith.truncf %slice3A_1181 : vector<16x64xf32> to vector<16x64xbf16>
    %convert_element_type3A_1185 = arith.truncf %slice3A_1182 : vector<512x64xf32> to vector<512x64xbf16>
    %dot_general3A_1186 = arith.constant dense<0.000000e+00> : vector<16x512xf32>
    %dot_general3A_1187 = tpu.matmul %convert_element_type3A_1184, %convert_element_type3A_1185, %dot_general3A_1186 {dimension_numbers = #tpu.dot_dimension_numbers<[1], [1], [0], [0], [0, 0, 1, 0], [], []>, transpose_lhs_hint = false} : vector<16x64xbf16>, vector<512x64xbf16>, vector<16x512xf32> -> vector<16x512xf32>
    %mul3A_1188 = arith.constant 1.250000e-01 : f32
    %mul3A_1189 = vector.broadcast %mul3A_1188 : f32 to vector<16x512xf32>
    %mul3A_1190 = arith.mulf %dot_general3A_1187, %mul3A_1189 : vector<16x512xf32>
    %reduce_max3A_1191 = arith.constant dense<0xFF800000> : vector<16xf32>
    %reduce_max3A_1192 = vector.multi_reduction <maximumf>, %mul3A_1190, %reduce_max3A_1191 [1] : vector<16x512xf32> to vector<16xf32>
    %broadcast_in_dim3A_1193 = vector.shape_cast %reduce_max3A_1192 : vector<16xf32> to vector<16x1xf32>
    %sub3A_1194 = vector.broadcast %broadcast_in_dim3A_1193 : vector<16x1xf32> to vector<16x512xf32>
    %sub3A_1195 = arith.subf %mul3A_1190, %sub3A_1194 : vector<16x512xf32>
    %exp3A_1196 = math.exp %sub3A_1195 : vector<16x512xf32>
    %reduce_sum3A_1197 = arith.constant dense<0.000000e+00> : vector<16xf32>
    %reduce_sum3A_1198 = vector.multi_reduction <add>, %exp3A_1196, %reduce_sum3A_1197 [1] : vector<16x512xf32> to vector<16xf32>
    %broadcast_in_dim3A_1199 = vector.shape_cast %reduce_sum3A_1198 : vector<16xf32> to vector<16x1xf32>
    %div3A_1200 = vector.broadcast %broadcast_in_dim3A_1199 : vector<16x1xf32> to vector<16x512xf32>
    %div3A_1201 = arith.divf %exp3A_1196, %div3A_1200 : vector<16x512xf32>
    %convert_element_type3A_1202 = arith.truncf %div3A_1201 : vector<16x512xf32> to vector<16x512xbf16>
    %convert_element_type3A_1203 = arith.truncf %slice3A_1183 : vector<512x64xf32> to vector<512x64xbf16>
    %dot_general3A_1204 = arith.constant dense<0.000000e+00> : vector<16x64xf32>
    %dot_general3A_1205 = tpu.matmul %convert_element_type3A_1202, %convert_element_type3A_1203, %dot_general3A_1204 {dimension_numbers = #tpu.dot_dimension_numbers<[1], [0], [0], [1], [0, 0, 1, 1], [], []>, transpose_lhs_hint = false} : vector<16x512xbf16>, vector<512x64xbf16>, vector<16x64xf32> -> vector<16x64xf32>
    %slice3A_1206 = vector.extract_strided_slice %add3A_67 {offsets = [32, 832], sizes = [16, 64], strides = [1, 1]} : vector<64x1024xf32> to vector<16x64xf32>
    %slice3A_1207 = vector.extract_strided_slice %add3A_74 {offsets = [1024, 832], sizes = [512, 64], strides = [1, 1]} : vector<2048x1024xf32> to vector<512x64xf32>
    %slice3A_1208 = vector.extract_strided_slice %add3A_81 {offsets = [1024, 832], sizes = [512, 64], strides = [1, 1]} : vector<2048x1024xf32> to vector<512x64xf32>
    %convert_element_type3A_1209 = arith.truncf %slice3A_1206 : vector<16x64xf32> to vector<16x64xbf16>
    %convert_element_type3A_1210 = arith.truncf %slice3A_1207 : vector<512x64xf32> to vector<512x64xbf16>
    %dot_general3A_1211 = arith.constant dense<0.000000e+00> : vector<16x512xf32>
    %dot_general3A_1212 = tpu.matmul %convert_element_type3A_1209, %convert_element_type3A_1210, %dot_general3A_1211 {dimension_numbers = #tpu.dot_dimension_numbers<[1], [1], [0], [0], [0, 0, 1, 0], [], []>, transpose_lhs_hint = false} : vector<16x64xbf16>, vector<512x64xbf16>, vector<16x512xf32> -> vector<16x512xf32>
    %mul3A_1213 = arith.constant 1.250000e-01 : f32
    %mul3A_1214 = vector.broadcast %mul3A_1213 : f32 to vector<16x512xf32>
    %mul3A_1215 = arith.mulf %dot_general3A_1212, %mul3A_1214 : vector<16x512xf32>
    %reduce_max3A_1216 = arith.constant dense<0xFF800000> : vector<16xf32>
    %reduce_max3A_1217 = vector.multi_reduction <maximumf>, %mul3A_1215, %reduce_max3A_1216 [1] : vector<16x512xf32> to vector<16xf32>
    %broadcast_in_dim3A_1218 = vector.shape_cast %reduce_max3A_1217 : vector<16xf32> to vector<16x1xf32>
    %sub3A_1219 = vector.broadcast %broadcast_in_dim3A_1218 : vector<16x1xf32> to vector<16x512xf32>
    %sub3A_1220 = arith.subf %mul3A_1215, %sub3A_1219 : vector<16x512xf32>
    %exp3A_1221 = math.exp %sub3A_1220 : vector<16x512xf32>
    %reduce_sum3A_1222 = arith.constant dense<0.000000e+00> : vector<16xf32>
    %reduce_sum3A_1223 = vector.multi_reduction <add>, %exp3A_1221, %reduce_sum3A_1222 [1] : vector<16x512xf32> to vector<16xf32>
    %broadcast_in_dim3A_1224 = vector.shape_cast %reduce_sum3A_1223 : vector<16xf32> to vector<16x1xf32>
    %div3A_1225 = vector.broadcast %broadcast_in_dim3A_1224 : vector<16x1xf32> to vector<16x512xf32>
    %div3A_1226 = arith.divf %exp3A_1221, %div3A_1225 : vector<16x512xf32>
    %convert_element_type3A_1227 = arith.truncf %div3A_1226 : vector<16x512xf32> to vector<16x512xbf16>
    %convert_element_type3A_1228 = arith.truncf %slice3A_1208 : vector<512x64xf32> to vector<512x64xbf16>
    %dot_general3A_1229 = arith.constant dense<0.000000e+00> : vector<16x64xf32>
    %dot_general3A_1230 = tpu.matmul %convert_element_type3A_1227, %convert_element_type3A_1228, %dot_general3A_1229 {dimension_numbers = #tpu.dot_dimension_numbers<[1], [0], [0], [1], [0, 0, 1, 1], [], []>, transpose_lhs_hint = false} : vector<16x512xbf16>, vector<512x64xbf16>, vector<16x64xf32> -> vector<16x64xf32>
    %slice3A_1231 = vector.extract_strided_slice %add3A_67 {offsets = [32, 896], sizes = [16, 64], strides = [1, 1]} : vector<64x1024xf32> to vector<16x64xf32>
    %slice3A_1232 = vector.extract_strided_slice %add3A_74 {offsets = [1024, 896], sizes = [512, 64], strides = [1, 1]} : vector<2048x1024xf32> to vector<512x64xf32>
    %slice3A_1233 = vector.extract_strided_slice %add3A_81 {offsets = [1024, 896], sizes = [512, 64], strides = [1, 1]} : vector<2048x1024xf32> to vector<512x64xf32>
    %convert_element_type3A_1234 = arith.truncf %slice3A_1231 : vector<16x64xf32> to vector<16x64xbf16>
    %convert_element_type3A_1235 = arith.truncf %slice3A_1232 : vector<512x64xf32> to vector<512x64xbf16>
    %dot_general3A_1236 = arith.constant dense<0.000000e+00> : vector<16x512xf32>
    %dot_general3A_1237 = tpu.matmul %convert_element_type3A_1234, %convert_element_type3A_1235, %dot_general3A_1236 {dimension_numbers = #tpu.dot_dimension_numbers<[1], [1], [0], [0], [0, 0, 1, 0], [], []>, transpose_lhs_hint = false} : vector<16x64xbf16>, vector<512x64xbf16>, vector<16x512xf32> -> vector<16x512xf32>
    %mul3A_1238 = arith.constant 1.250000e-01 : f32
    %mul3A_1239 = vector.broadcast %mul3A_1238 : f32 to vector<16x512xf32>
    %mul3A_1240 = arith.mulf %dot_general3A_1237, %mul3A_1239 : vector<16x512xf32>
    %reduce_max3A_1241 = arith.constant dense<0xFF800000> : vector<16xf32>
    %reduce_max3A_1242 = vector.multi_reduction <maximumf>, %mul3A_1240, %reduce_max3A_1241 [1] : vector<16x512xf32> to vector<16xf32>
    %broadcast_in_dim3A_1243 = vector.shape_cast %reduce_max3A_1242 : vector<16xf32> to vector<16x1xf32>
    %sub3A_1244 = vector.broadcast %broadcast_in_dim3A_1243 : vector<16x1xf32> to vector<16x512xf32>
    %sub3A_1245 = arith.subf %mul3A_1240, %sub3A_1244 : vector<16x512xf32>
    %exp3A_1246 = math.exp %sub3A_1245 : vector<16x512xf32>
    %reduce_sum3A_1247 = arith.constant dense<0.000000e+00> : vector<16xf32>
    %reduce_sum3A_1248 = vector.multi_reduction <add>, %exp3A_1246, %reduce_sum3A_1247 [1] : vector<16x512xf32> to vector<16xf32>
    %broadcast_in_dim3A_1249 = vector.shape_cast %reduce_sum3A_1248 : vector<16xf32> to vector<16x1xf32>
    %div3A_1250 = vector.broadcast %broadcast_in_dim3A_1249 : vector<16x1xf32> to vector<16x512xf32>
    %div3A_1251 = arith.divf %exp3A_1246, %div3A_1250 : vector<16x512xf32>
    %convert_element_type3A_1252 = arith.truncf %div3A_1251 : vector<16x512xf32> to vector<16x512xbf16>
    %convert_element_type3A_1253 = arith.truncf %slice3A_1233 : vector<512x64xf32> to vector<512x64xbf16>
    %dot_general3A_1254 = arith.constant dense<0.000000e+00> : vector<16x64xf32>
    %dot_general3A_1255 = tpu.matmul %convert_element_type3A_1252, %convert_element_type3A_1253, %dot_general3A_1254 {dimension_numbers = #tpu.dot_dimension_numbers<[1], [0], [0], [1], [0, 0, 1, 1], [], []>, transpose_lhs_hint = false} : vector<16x512xbf16>, vector<512x64xbf16>, vector<16x64xf32> -> vector<16x64xf32>
    %slice3A_1256 = vector.extract_strided_slice %add3A_67 {offsets = [32, 960], sizes = [16, 64], strides = [1, 1]} : vector<64x1024xf32> to vector<16x64xf32>
    %slice3A_1257 = vector.extract_strided_slice %add3A_74 {offsets = [1024, 960], sizes = [512, 64], strides = [1, 1]} : vector<2048x1024xf32> to vector<512x64xf32>
    %slice3A_1258 = vector.extract_strided_slice %add3A_81 {offsets = [1024, 960], sizes = [512, 64], strides = [1, 1]} : vector<2048x1024xf32> to vector<512x64xf32>
    %convert_element_type3A_1259 = arith.truncf %slice3A_1256 : vector<16x64xf32> to vector<16x64xbf16>
    %convert_element_type3A_1260 = arith.truncf %slice3A_1257 : vector<512x64xf32> to vector<512x64xbf16>
    %dot_general3A_1261 = arith.constant dense<0.000000e+00> : vector<16x512xf32>
    %dot_general3A_1262 = tpu.matmul %convert_element_type3A_1259, %convert_element_type3A_1260, %dot_general3A_1261 {dimension_numbers = #tpu.dot_dimension_numbers<[1], [1], [0], [0], [0, 0, 1, 0], [], []>, transpose_lhs_hint = false} : vector<16x64xbf16>, vector<512x64xbf16>, vector<16x512xf32> -> vector<16x512xf32>
    %mul3A_1263 = arith.constant 1.250000e-01 : f32
    %mul3A_1264 = vector.broadcast %mul3A_1263 : f32 to vector<16x512xf32>
    %mul3A_1265 = arith.mulf %dot_general3A_1262, %mul3A_1264 : vector<16x512xf32>
    %reduce_max3A_1266 = arith.constant dense<0xFF800000> : vector<16xf32>
    %reduce_max3A_1267 = vector.multi_reduction <maximumf>, %mul3A_1265, %reduce_max3A_1266 [1] : vector<16x512xf32> to vector<16xf32>
    %broadcast_in_dim3A_1268 = vector.shape_cast %reduce_max3A_1267 : vector<16xf32> to vector<16x1xf32>
    %sub3A_1269 = vector.broadcast %broadcast_in_dim3A_1268 : vector<16x1xf32> to vector<16x512xf32>
    %sub3A_1270 = arith.subf %mul3A_1265, %sub3A_1269 : vector<16x512xf32>
    %exp3A_1271 = math.exp %sub3A_1270 : vector<16x512xf32>
    %reduce_sum3A_1272 = arith.constant dense<0.000000e+00> : vector<16xf32>
    %reduce_sum3A_1273 = vector.multi_reduction <add>, %exp3A_1271, %reduce_sum3A_1272 [1] : vector<16x512xf32> to vector<16xf32>
    %broadcast_in_dim3A_1274 = vector.shape_cast %reduce_sum3A_1273 : vector<16xf32> to vector<16x1xf32>
    %div3A_1275 = vector.broadcast %broadcast_in_dim3A_1274 : vector<16x1xf32> to vector<16x512xf32>
    %div3A_1276 = arith.divf %exp3A_1271, %div3A_1275 : vector<16x512xf32>
    %convert_element_type3A_1277 = arith.truncf %div3A_1276 : vector<16x512xf32> to vector<16x512xbf16>
    %convert_element_type3A_1278 = arith.truncf %slice3A_1258 : vector<512x64xf32> to vector<512x64xbf16>
    %dot_general3A_1279 = arith.constant dense<0.000000e+00> : vector<16x64xf32>
    %dot_general3A_1280 = tpu.matmul %convert_element_type3A_1277, %convert_element_type3A_1278, %dot_general3A_1279 {dimension_numbers = #tpu.dot_dimension_numbers<[1], [0], [0], [1], [0, 0, 1, 1], [], []>, transpose_lhs_hint = false} : vector<16x512xbf16>, vector<512x64xbf16>, vector<16x64xf32> -> vector<16x64xf32>
    %concatenate3A_1281 = tpu.concatenate %dot_general3A_905, %dot_general3A_930, %dot_general3A_955, %dot_general3A_980, %dot_general3A_1005, %dot_general3A_1030, %dot_general3A_1055, %dot_general3A_1080, %dot_general3A_1105, %dot_general3A_1130, %dot_general3A_1155, %dot_general3A_1180, %dot_general3A_1205, %dot_general3A_1230, %dot_general3A_1255, %dot_general3A_1280 in 1 : vector<16x64xf32>, vector<16x64xf32>, vector<16x64xf32>, vector<16x64xf32>, vector<16x64xf32>, vector<16x64xf32>, vector<16x64xf32>, vector<16x64xf32>, vector<16x64xf32>, vector<16x64xf32>, vector<16x64xf32>, vector<16x64xf32>, vector<16x64xf32>, vector<16x64xf32>, vector<16x64xf32>, vector<16x64xf32> -> vector<16x1024xf32>
    %slice3A_1282 = vector.extract_strided_slice %add3A_67 {offsets = [48, 0], sizes = [16, 64], strides = [1, 1]} : vector<64x1024xf32> to vector<16x64xf32>
    %slice3A_1283 = vector.extract_strided_slice %add3A_74 {offsets = [1536, 0], sizes = [512, 64], strides = [1, 1]} : vector<2048x1024xf32> to vector<512x64xf32>
    %slice3A_1284 = vector.extract_strided_slice %add3A_81 {offsets = [1536, 0], sizes = [512, 64], strides = [1, 1]} : vector<2048x1024xf32> to vector<512x64xf32>
    %convert_element_type3A_1285 = arith.truncf %slice3A_1282 : vector<16x64xf32> to vector<16x64xbf16>
    %convert_element_type3A_1286 = arith.truncf %slice3A_1283 : vector<512x64xf32> to vector<512x64xbf16>
    %dot_general3A_1287 = arith.constant dense<0.000000e+00> : vector<16x512xf32>
    %dot_general3A_1288 = tpu.matmul %convert_element_type3A_1285, %convert_element_type3A_1286, %dot_general3A_1287 {dimension_numbers = #tpu.dot_dimension_numbers<[1], [1], [0], [0], [0, 0, 1, 0], [], []>, transpose_lhs_hint = false} : vector<16x64xbf16>, vector<512x64xbf16>, vector<16x512xf32> -> vector<16x512xf32>
    %mul3A_1289 = arith.constant 1.250000e-01 : f32
    %mul3A_1290 = vector.broadcast %mul3A_1289 : f32 to vector<16x512xf32>
    %mul3A_1291 = arith.mulf %dot_general3A_1288, %mul3A_1290 : vector<16x512xf32>
    %reduce_max3A_1292 = arith.constant dense<0xFF800000> : vector<16xf32>
    %reduce_max3A_1293 = vector.multi_reduction <maximumf>, %mul3A_1291, %reduce_max3A_1292 [1] : vector<16x512xf32> to vector<16xf32>
    %broadcast_in_dim3A_1294 = vector.shape_cast %reduce_max3A_1293 : vector<16xf32> to vector<16x1xf32>
    %sub3A_1295 = vector.broadcast %broadcast_in_dim3A_1294 : vector<16x1xf32> to vector<16x512xf32>
    %sub3A_1296 = arith.subf %mul3A_1291, %sub3A_1295 : vector<16x512xf32>
    %exp3A_1297 = math.exp %sub3A_1296 : vector<16x512xf32>
    %reduce_sum3A_1298 = arith.constant dense<0.000000e+00> : vector<16xf32>
    %reduce_sum3A_1299 = vector.multi_reduction <add>, %exp3A_1297, %reduce_sum3A_1298 [1] : vector<16x512xf32> to vector<16xf32>
    %broadcast_in_dim3A_1300 = vector.shape_cast %reduce_sum3A_1299 : vector<16xf32> to vector<16x1xf32>
    %div3A_1301 = vector.broadcast %broadcast_in_dim3A_1300 : vector<16x1xf32> to vector<16x512xf32>
    %div3A_1302 = arith.divf %exp3A_1297, %div3A_1301 : vector<16x512xf32>
    %convert_element_type3A_1303 = arith.truncf %div3A_1302 : vector<16x512xf32> to vector<16x512xbf16>
    %convert_element_type3A_1304 = arith.truncf %slice3A_1284 : vector<512x64xf32> to vector<512x64xbf16>
    %dot_general3A_1305 = arith.constant dense<0.000000e+00> : vector<16x64xf32>
    %dot_general3A_1306 = tpu.matmul %convert_element_type3A_1303, %convert_element_type3A_1304, %dot_general3A_1305 {dimension_numbers = #tpu.dot_dimension_numbers<[1], [0], [0], [1], [0, 0, 1, 1], [], []>, transpose_lhs_hint = false} : vector<16x512xbf16>, vector<512x64xbf16>, vector<16x64xf32> -> vector<16x64xf32>
    %slice3A_1307 = vector.extract_strided_slice %add3A_67 {offsets = [48, 64], sizes = [16, 64], strides = [1, 1]} : vector<64x1024xf32> to vector<16x64xf32>
    %slice3A_1308 = vector.extract_strided_slice %add3A_74 {offsets = [1536, 64], sizes = [512, 64], strides = [1, 1]} : vector<2048x1024xf32> to vector<512x64xf32>
    %slice3A_1309 = vector.extract_strided_slice %add3A_81 {offsets = [1536, 64], sizes = [512, 64], strides = [1, 1]} : vector<2048x1024xf32> to vector<512x64xf32>
    %convert_element_type3A_1310 = arith.truncf %slice3A_1307 : vector<16x64xf32> to vector<16x64xbf16>
    %convert_element_type3A_1311 = arith.truncf %slice3A_1308 : vector<512x64xf32> to vector<512x64xbf16>
    %dot_general3A_1312 = arith.constant dense<0.000000e+00> : vector<16x512xf32>
    %dot_general3A_1313 = tpu.matmul %convert_element_type3A_1310, %convert_element_type3A_1311, %dot_general3A_1312 {dimension_numbers = #tpu.dot_dimension_numbers<[1], [1], [0], [0], [0, 0, 1, 0], [], []>, transpose_lhs_hint = false} : vector<16x64xbf16>, vector<512x64xbf16>, vector<16x512xf32> -> vector<16x512xf32>
    %mul3A_1314 = arith.constant 1.250000e-01 : f32
    %mul3A_1315 = vector.broadcast %mul3A_1314 : f32 to vector<16x512xf32>
    %mul3A_1316 = arith.mulf %dot_general3A_1313, %mul3A_1315 : vector<16x512xf32>
    %reduce_max3A_1317 = arith.constant dense<0xFF800000> : vector<16xf32>
    %reduce_max3A_1318 = vector.multi_reduction <maximumf>, %mul3A_1316, %reduce_max3A_1317 [1] : vector<16x512xf32> to vector<16xf32>
    %broadcast_in_dim3A_1319 = vector.shape_cast %reduce_max3A_1318 : vector<16xf32> to vector<16x1xf32>
    %sub3A_1320 = vector.broadcast %broadcast_in_dim3A_1319 : vector<16x1xf32> to vector<16x512xf32>
    %sub3A_1321 = arith.subf %mul3A_1316, %sub3A_1320 : vector<16x512xf32>
    %exp3A_1322 = math.exp %sub3A_1321 : vector<16x512xf32>
    %reduce_sum3A_1323 = arith.constant dense<0.000000e+00> : vector<16xf32>
    %reduce_sum3A_1324 = vector.multi_reduction <add>, %exp3A_1322, %reduce_sum3A_1323 [1] : vector<16x512xf32> to vector<16xf32>
    %broadcast_in_dim3A_1325 = vector.shape_cast %reduce_sum3A_1324 : vector<16xf32> to vector<16x1xf32>
    %div3A_1326 = vector.broadcast %broadcast_in_dim3A_1325 : vector<16x1xf32> to vector<16x512xf32>
    %div3A_1327 = arith.divf %exp3A_1322, %div3A_1326 : vector<16x512xf32>
    %convert_element_type3A_1328 = arith.truncf %div3A_1327 : vector<16x512xf32> to vector<16x512xbf16>
    %convert_element_type3A_1329 = arith.truncf %slice3A_1309 : vector<512x64xf32> to vector<512x64xbf16>
    %dot_general3A_1330 = arith.constant dense<0.000000e+00> : vector<16x64xf32>
    %dot_general3A_1331 = tpu.matmul %convert_element_type3A_1328, %convert_element_type3A_1329, %dot_general3A_1330 {dimension_numbers = #tpu.dot_dimension_numbers<[1], [0], [0], [1], [0, 0, 1, 1], [], []>, transpose_lhs_hint = false} : vector<16x512xbf16>, vector<512x64xbf16>, vector<16x64xf32> -> vector<16x64xf32>
    %slice3A_1332 = vector.extract_strided_slice %add3A_67 {offsets = [48, 128], sizes = [16, 64], strides = [1, 1]} : vector<64x1024xf32> to vector<16x64xf32>
    %slice3A_1333 = vector.extract_strided_slice %add3A_74 {offsets = [1536, 128], sizes = [512, 64], strides = [1, 1]} : vector<2048x1024xf32> to vector<512x64xf32>
    %slice3A_1334 = vector.extract_strided_slice %add3A_81 {offsets = [1536, 128], sizes = [512, 64], strides = [1, 1]} : vector<2048x1024xf32> to vector<512x64xf32>
    %convert_element_type3A_1335 = arith.truncf %slice3A_1332 : vector<16x64xf32> to vector<16x64xbf16>
    %convert_element_type3A_1336 = arith.truncf %slice3A_1333 : vector<512x64xf32> to vector<512x64xbf16>
    %dot_general3A_1337 = arith.constant dense<0.000000e+00> : vector<16x512xf32>
    %dot_general3A_1338 = tpu.matmul %convert_element_type3A_1335, %convert_element_type3A_1336, %dot_general3A_1337 {dimension_numbers = #tpu.dot_dimension_numbers<[1], [1], [0], [0], [0, 0, 1, 0], [], []>, transpose_lhs_hint = false} : vector<16x64xbf16>, vector<512x64xbf16>, vector<16x512xf32> -> vector<16x512xf32>
    %mul3A_1339 = arith.constant 1.250000e-01 : f32
    %mul3A_1340 = vector.broadcast %mul3A_1339 : f32 to vector<16x512xf32>
    %mul3A_1341 = arith.mulf %dot_general3A_1338, %mul3A_1340 : vector<16x512xf32>
    %reduce_max3A_1342 = arith.constant dense<0xFF800000> : vector<16xf32>
    %reduce_max3A_1343 = vector.multi_reduction <maximumf>, %mul3A_1341, %reduce_max3A_1342 [1] : vector<16x512xf32> to vector<16xf32>
    %broadcast_in_dim3A_1344 = vector.shape_cast %reduce_max3A_1343 : vector<16xf32> to vector<16x1xf32>
    %sub3A_1345 = vector.broadcast %broadcast_in_dim3A_1344 : vector<16x1xf32> to vector<16x512xf32>
    %sub3A_1346 = arith.subf %mul3A_1341, %sub3A_1345 : vector<16x512xf32>
    %exp3A_1347 = math.exp %sub3A_1346 : vector<16x512xf32>
    %reduce_sum3A_1348 = arith.constant dense<0.000000e+00> : vector<16xf32>
    %reduce_sum3A_1349 = vector.multi_reduction <add>, %exp3A_1347, %reduce_sum3A_1348 [1] : vector<16x512xf32> to vector<16xf32>
    %broadcast_in_dim3A_1350 = vector.shape_cast %reduce_sum3A_1349 : vector<16xf32> to vector<16x1xf32>
    %div3A_1351 = vector.broadcast %broadcast_in_dim3A_1350 : vector<16x1xf32> to vector<16x512xf32>
    %div3A_1352 = arith.divf %exp3A_1347, %div3A_1351 : vector<16x512xf32>
    %convert_element_type3A_1353 = arith.truncf %div3A_1352 : vector<16x512xf32> to vector<16x512xbf16>
    %convert_element_type3A_1354 = arith.truncf %slice3A_1334 : vector<512x64xf32> to vector<512x64xbf16>
    %dot_general3A_1355 = arith.constant dense<0.000000e+00> : vector<16x64xf32>
    %dot_general3A_1356 = tpu.matmul %convert_element_type3A_1353, %convert_element_type3A_1354, %dot_general3A_1355 {dimension_numbers = #tpu.dot_dimension_numbers<[1], [0], [0], [1], [0, 0, 1, 1], [], []>, transpose_lhs_hint = false} : vector<16x512xbf16>, vector<512x64xbf16>, vector<16x64xf32> -> vector<16x64xf32>
    %slice3A_1357 = vector.extract_strided_slice %add3A_67 {offsets = [48, 192], sizes = [16, 64], strides = [1, 1]} : vector<64x1024xf32> to vector<16x64xf32>
    %slice3A_1358 = vector.extract_strided_slice %add3A_74 {offsets = [1536, 192], sizes = [512, 64], strides = [1, 1]} : vector<2048x1024xf32> to vector<512x64xf32>
    %slice3A_1359 = vector.extract_strided_slice %add3A_81 {offsets = [1536, 192], sizes = [512, 64], strides = [1, 1]} : vector<2048x1024xf32> to vector<512x64xf32>
    %convert_element_type3A_1360 = arith.truncf %slice3A_1357 : vector<16x64xf32> to vector<16x64xbf16>
    %convert_element_type3A_1361 = arith.truncf %slice3A_1358 : vector<512x64xf32> to vector<512x64xbf16>
    %dot_general3A_1362 = arith.constant dense<0.000000e+00> : vector<16x512xf32>
    %dot_general3A_1363 = tpu.matmul %convert_element_type3A_1360, %convert_element_type3A_1361, %dot_general3A_1362 {dimension_numbers = #tpu.dot_dimension_numbers<[1], [1], [0], [0], [0, 0, 1, 0], [], []>, transpose_lhs_hint = false} : vector<16x64xbf16>, vector<512x64xbf16>, vector<16x512xf32> -> vector<16x512xf32>
    %mul3A_1364 = arith.constant 1.250000e-01 : f32
    %mul3A_1365 = vector.broadcast %mul3A_1364 : f32 to vector<16x512xf32>
    %mul3A_1366 = arith.mulf %dot_general3A_1363, %mul3A_1365 : vector<16x512xf32>
    %reduce_max3A_1367 = arith.constant dense<0xFF800000> : vector<16xf32>
    %reduce_max3A_1368 = vector.multi_reduction <maximumf>, %mul3A_1366, %reduce_max3A_1367 [1] : vector<16x512xf32> to vector<16xf32>
    %broadcast_in_dim3A_1369 = vector.shape_cast %reduce_max3A_1368 : vector<16xf32> to vector<16x1xf32>
    %sub3A_1370 = vector.broadcast %broadcast_in_dim3A_1369 : vector<16x1xf32> to vector<16x512xf32>
    %sub3A_1371 = arith.subf %mul3A_1366, %sub3A_1370 : vector<16x512xf32>
    %exp3A_1372 = math.exp %sub3A_1371 : vector<16x512xf32>
    %reduce_sum3A_1373 = arith.constant dense<0.000000e+00> : vector<16xf32>
    %reduce_sum3A_1374 = vector.multi_reduction <add>, %exp3A_1372, %reduce_sum3A_1373 [1] : vector<16x512xf32> to vector<16xf32>
    %broadcast_in_dim3A_1375 = vector.shape_cast %reduce_sum3A_1374 : vector<16xf32> to vector<16x1xf32>
    %div3A_1376 = vector.broadcast %broadcast_in_dim3A_1375 : vector<16x1xf32> to vector<16x512xf32>
    %div3A_1377 = arith.divf %exp3A_1372, %div3A_1376 : vector<16x512xf32>
    %convert_element_type3A_1378 = arith.truncf %div3A_1377 : vector<16x512xf32> to vector<16x512xbf16>
    %convert_element_type3A_1379 = arith.truncf %slice3A_1359 : vector<512x64xf32> to vector<512x64xbf16>
    %dot_general3A_1380 = arith.constant dense<0.000000e+00> : vector<16x64xf32>
    %dot_general3A_1381 = tpu.matmul %convert_element_type3A_1378, %convert_element_type3A_1379, %dot_general3A_1380 {dimension_numbers = #tpu.dot_dimension_numbers<[1], [0], [0], [1], [0, 0, 1, 1], [], []>, transpose_lhs_hint = false} : vector<16x512xbf16>, vector<512x64xbf16>, vector<16x64xf32> -> vector<16x64xf32>
    %slice3A_1382 = vector.extract_strided_slice %add3A_67 {offsets = [48, 256], sizes = [16, 64], strides = [1, 1]} : vector<64x1024xf32> to vector<16x64xf32>
    %slice3A_1383 = vector.extract_strided_slice %add3A_74 {offsets = [1536, 256], sizes = [512, 64], strides = [1, 1]} : vector<2048x1024xf32> to vector<512x64xf32>
    %slice3A_1384 = vector.extract_strided_slice %add3A_81 {offsets = [1536, 256], sizes = [512, 64], strides = [1, 1]} : vector<2048x1024xf32> to vector<512x64xf32>
    %convert_element_type3A_1385 = arith.truncf %slice3A_1382 : vector<16x64xf32> to vector<16x64xbf16>
    %convert_element_type3A_1386 = arith.truncf %slice3A_1383 : vector<512x64xf32> to vector<512x64xbf16>
    %dot_general3A_1387 = arith.constant dense<0.000000e+00> : vector<16x512xf32>
    %dot_general3A_1388 = tpu.matmul %convert_element_type3A_1385, %convert_element_type3A_1386, %dot_general3A_1387 {dimension_numbers = #tpu.dot_dimension_numbers<[1], [1], [0], [0], [0, 0, 1, 0], [], []>, transpose_lhs_hint = false} : vector<16x64xbf16>, vector<512x64xbf16>, vector<16x512xf32> -> vector<16x512xf32>
    %mul3A_1389 = arith.constant 1.250000e-01 : f32
    %mul3A_1390 = vector.broadcast %mul3A_1389 : f32 to vector<16x512xf32>
    %mul3A_1391 = arith.mulf %dot_general3A_1388, %mul3A_1390 : vector<16x512xf32>
    %reduce_max3A_1392 = arith.constant dense<0xFF800000> : vector<16xf32>
    %reduce_max3A_1393 = vector.multi_reduction <maximumf>, %mul3A_1391, %reduce_max3A_1392 [1] : vector<16x512xf32> to vector<16xf32>
    %broadcast_in_dim3A_1394 = vector.shape_cast %reduce_max3A_1393 : vector<16xf32> to vector<16x1xf32>
    %sub3A_1395 = vector.broadcast %broadcast_in_dim3A_1394 : vector<16x1xf32> to vector<16x512xf32>
    %sub3A_1396 = arith.subf %mul3A_1391, %sub3A_1395 : vector<16x512xf32>
    %exp3A_1397 = math.exp %sub3A_1396 : vector<16x512xf32>
    %reduce_sum3A_1398 = arith.constant dense<0.000000e+00> : vector<16xf32>
    %reduce_sum3A_1399 = vector.multi_reduction <add>, %exp3A_1397, %reduce_sum3A_1398 [1] : vector<16x512xf32> to vector<16xf32>
    %broadcast_in_dim3A_1400 = vector.shape_cast %reduce_sum3A_1399 : vector<16xf32> to vector<16x1xf32>
    %div3A_1401 = vector.broadcast %broadcast_in_dim3A_1400 : vector<16x1xf32> to vector<16x512xf32>
    %div3A_1402 = arith.divf %exp3A_1397, %div3A_1401 : vector<16x512xf32>
    %convert_element_type3A_1403 = arith.truncf %div3A_1402 : vector<16x512xf32> to vector<16x512xbf16>
    %convert_element_type3A_1404 = arith.truncf %slice3A_1384 : vector<512x64xf32> to vector<512x64xbf16>
    %dot_general3A_1405 = arith.constant dense<0.000000e+00> : vector<16x64xf32>
    %dot_general3A_1406 = tpu.matmul %convert_element_type3A_1403, %convert_element_type3A_1404, %dot_general3A_1405 {dimension_numbers = #tpu.dot_dimension_numbers<[1], [0], [0], [1], [0, 0, 1, 1], [], []>, transpose_lhs_hint = false} : vector<16x512xbf16>, vector<512x64xbf16>, vector<16x64xf32> -> vector<16x64xf32>
    %slice3A_1407 = vector.extract_strided_slice %add3A_67 {offsets = [48, 320], sizes = [16, 64], strides = [1, 1]} : vector<64x1024xf32> to vector<16x64xf32>
    %slice3A_1408 = vector.extract_strided_slice %add3A_74 {offsets = [1536, 320], sizes = [512, 64], strides = [1, 1]} : vector<2048x1024xf32> to vector<512x64xf32>
    %slice3A_1409 = vector.extract_strided_slice %add3A_81 {offsets = [1536, 320], sizes = [512, 64], strides = [1, 1]} : vector<2048x1024xf32> to vector<512x64xf32>
    %convert_element_type3A_1410 = arith.truncf %slice3A_1407 : vector<16x64xf32> to vector<16x64xbf16>
    %convert_element_type3A_1411 = arith.truncf %slice3A_1408 : vector<512x64xf32> to vector<512x64xbf16>
    %dot_general3A_1412 = arith.constant dense<0.000000e+00> : vector<16x512xf32>
    %dot_general3A_1413 = tpu.matmul %convert_element_type3A_1410, %convert_element_type3A_1411, %dot_general3A_1412 {dimension_numbers = #tpu.dot_dimension_numbers<[1], [1], [0], [0], [0, 0, 1, 0], [], []>, transpose_lhs_hint = false} : vector<16x64xbf16>, vector<512x64xbf16>, vector<16x512xf32> -> vector<16x512xf32>
    %mul3A_1414 = arith.constant 1.250000e-01 : f32
    %mul3A_1415 = vector.broadcast %mul3A_1414 : f32 to vector<16x512xf32>
    %mul3A_1416 = arith.mulf %dot_general3A_1413, %mul3A_1415 : vector<16x512xf32>
    %reduce_max3A_1417 = arith.constant dense<0xFF800000> : vector<16xf32>
    %reduce_max3A_1418 = vector.multi_reduction <maximumf>, %mul3A_1416, %reduce_max3A_1417 [1] : vector<16x512xf32> to vector<16xf32>
    %broadcast_in_dim3A_1419 = vector.shape_cast %reduce_max3A_1418 : vector<16xf32> to vector<16x1xf32>
    %sub3A_1420 = vector.broadcast %broadcast_in_dim3A_1419 : vector<16x1xf32> to vector<16x512xf32>
    %sub3A_1421 = arith.subf %mul3A_1416, %sub3A_1420 : vector<16x512xf32>
    %exp3A_1422 = math.exp %sub3A_1421 : vector<16x512xf32>
    %reduce_sum3A_1423 = arith.constant dense<0.000000e+00> : vector<16xf32>
    %reduce_sum3A_1424 = vector.multi_reduction <add>, %exp3A_1422, %reduce_sum3A_1423 [1] : vector<16x512xf32> to vector<16xf32>
    %broadcast_in_dim3A_1425 = vector.shape_cast %reduce_sum3A_1424 : vector<16xf32> to vector<16x1xf32>
    %div3A_1426 = vector.broadcast %broadcast_in_dim3A_1425 : vector<16x1xf32> to vector<16x512xf32>
    %div3A_1427 = arith.divf %exp3A_1422, %div3A_1426 : vector<16x512xf32>
    %convert_element_type3A_1428 = arith.truncf %div3A_1427 : vector<16x512xf32> to vector<16x512xbf16>
    %convert_element_type3A_1429 = arith.truncf %slice3A_1409 : vector<512x64xf32> to vector<512x64xbf16>
    %dot_general3A_1430 = arith.constant dense<0.000000e+00> : vector<16x64xf32>
    %dot_general3A_1431 = tpu.matmul %convert_element_type3A_1428, %convert_element_type3A_1429, %dot_general3A_1430 {dimension_numbers = #tpu.dot_dimension_numbers<[1], [0], [0], [1], [0, 0, 1, 1], [], []>, transpose_lhs_hint = false} : vector<16x512xbf16>, vector<512x64xbf16>, vector<16x64xf32> -> vector<16x64xf32>
    %slice3A_1432 = vector.extract_strided_slice %add3A_67 {offsets = [48, 384], sizes = [16, 64], strides = [1, 1]} : vector<64x1024xf32> to vector<16x64xf32>
    %slice3A_1433 = vector.extract_strided_slice %add3A_74 {offsets = [1536, 384], sizes = [512, 64], strides = [1, 1]} : vector<2048x1024xf32> to vector<512x64xf32>
    %slice3A_1434 = vector.extract_strided_slice %add3A_81 {offsets = [1536, 384], sizes = [512, 64], strides = [1, 1]} : vector<2048x1024xf32> to vector<512x64xf32>
    %convert_element_type3A_1435 = arith.truncf %slice3A_1432 : vector<16x64xf32> to vector<16x64xbf16>
    %convert_element_type3A_1436 = arith.truncf %slice3A_1433 : vector<512x64xf32> to vector<512x64xbf16>
    %dot_general3A_1437 = arith.constant dense<0.000000e+00> : vector<16x512xf32>
    %dot_general3A_1438 = tpu.matmul %convert_element_type3A_1435, %convert_element_type3A_1436, %dot_general3A_1437 {dimension_numbers = #tpu.dot_dimension_numbers<[1], [1], [0], [0], [0, 0, 1, 0], [], []>, transpose_lhs_hint = false} : vector<16x64xbf16>, vector<512x64xbf16>, vector<16x512xf32> -> vector<16x512xf32>
    %mul3A_1439 = arith.constant 1.250000e-01 : f32
    %mul3A_1440 = vector.broadcast %mul3A_1439 : f32 to vector<16x512xf32>
    %mul3A_1441 = arith.mulf %dot_general3A_1438, %mul3A_1440 : vector<16x512xf32>
    %reduce_max3A_1442 = arith.constant dense<0xFF800000> : vector<16xf32>
    %reduce_max3A_1443 = vector.multi_reduction <maximumf>, %mul3A_1441, %reduce_max3A_1442 [1] : vector<16x512xf32> to vector<16xf32>
    %broadcast_in_dim3A_1444 = vector.shape_cast %reduce_max3A_1443 : vector<16xf32> to vector<16x1xf32>
    %sub3A_1445 = vector.broadcast %broadcast_in_dim3A_1444 : vector<16x1xf32> to vector<16x512xf32>
    %sub3A_1446 = arith.subf %mul3A_1441, %sub3A_1445 : vector<16x512xf32>
    %exp3A_1447 = math.exp %sub3A_1446 : vector<16x512xf32>
    %reduce_sum3A_1448 = arith.constant dense<0.000000e+00> : vector<16xf32>
    %reduce_sum3A_1449 = vector.multi_reduction <add>, %exp3A_1447, %reduce_sum3A_1448 [1] : vector<16x512xf32> to vector<16xf32>
    %broadcast_in_dim3A_1450 = vector.shape_cast %reduce_sum3A_1449 : vector<16xf32> to vector<16x1xf32>
    %div3A_1451 = vector.broadcast %broadcast_in_dim3A_1450 : vector<16x1xf32> to vector<16x512xf32>
    %div3A_1452 = arith.divf %exp3A_1447, %div3A_1451 : vector<16x512xf32>
    %convert_element_type3A_1453 = arith.truncf %div3A_1452 : vector<16x512xf32> to vector<16x512xbf16>
    %convert_element_type3A_1454 = arith.truncf %slice3A_1434 : vector<512x64xf32> to vector<512x64xbf16>
    %dot_general3A_1455 = arith.constant dense<0.000000e+00> : vector<16x64xf32>
    %dot_general3A_1456 = tpu.matmul %convert_element_type3A_1453, %convert_element_type3A_1454, %dot_general3A_1455 {dimension_numbers = #tpu.dot_dimension_numbers<[1], [0], [0], [1], [0, 0, 1, 1], [], []>, transpose_lhs_hint = false} : vector<16x512xbf16>, vector<512x64xbf16>, vector<16x64xf32> -> vector<16x64xf32>
    %slice3A_1457 = vector.extract_strided_slice %add3A_67 {offsets = [48, 448], sizes = [16, 64], strides = [1, 1]} : vector<64x1024xf32> to vector<16x64xf32>
    %slice3A_1458 = vector.extract_strided_slice %add3A_74 {offsets = [1536, 448], sizes = [512, 64], strides = [1, 1]} : vector<2048x1024xf32> to vector<512x64xf32>
    %slice3A_1459 = vector.extract_strided_slice %add3A_81 {offsets = [1536, 448], sizes = [512, 64], strides = [1, 1]} : vector<2048x1024xf32> to vector<512x64xf32>
    %convert_element_type3A_1460 = arith.truncf %slice3A_1457 : vector<16x64xf32> to vector<16x64xbf16>
    %convert_element_type3A_1461 = arith.truncf %slice3A_1458 : vector<512x64xf32> to vector<512x64xbf16>
    %dot_general3A_1462 = arith.constant dense<0.000000e+00> : vector<16x512xf32>
    %dot_general3A_1463 = tpu.matmul %convert_element_type3A_1460, %convert_element_type3A_1461, %dot_general3A_1462 {dimension_numbers = #tpu.dot_dimension_numbers<[1], [1], [0], [0], [0, 0, 1, 0], [], []>, transpose_lhs_hint = false} : vector<16x64xbf16>, vector<512x64xbf16>, vector<16x512xf32> -> vector<16x512xf32>
    %mul3A_1464 = arith.constant 1.250000e-01 : f32
    %mul3A_1465 = vector.broadcast %mul3A_1464 : f32 to vector<16x512xf32>
    %mul3A_1466 = arith.mulf %dot_general3A_1463, %mul3A_1465 : vector<16x512xf32>
    %reduce_max3A_1467 = arith.constant dense<0xFF800000> : vector<16xf32>
    %reduce_max3A_1468 = vector.multi_reduction <maximumf>, %mul3A_1466, %reduce_max3A_1467 [1] : vector<16x512xf32> to vector<16xf32>
    %broadcast_in_dim3A_1469 = vector.shape_cast %reduce_max3A_1468 : vector<16xf32> to vector<16x1xf32>
    %sub3A_1470 = vector.broadcast %broadcast_in_dim3A_1469 : vector<16x1xf32> to vector<16x512xf32>
    %sub3A_1471 = arith.subf %mul3A_1466, %sub3A_1470 : vector<16x512xf32>
    %exp3A_1472 = math.exp %sub3A_1471 : vector<16x512xf32>
    %reduce_sum3A_1473 = arith.constant dense<0.000000e+00> : vector<16xf32>
    %reduce_sum3A_1474 = vector.multi_reduction <add>, %exp3A_1472, %reduce_sum3A_1473 [1] : vector<16x512xf32> to vector<16xf32>
    %broadcast_in_dim3A_1475 = vector.shape_cast %reduce_sum3A_1474 : vector<16xf32> to vector<16x1xf32>
    %div3A_1476 = vector.broadcast %broadcast_in_dim3A_1475 : vector<16x1xf32> to vector<16x512xf32>
    %div3A_1477 = arith.divf %exp3A_1472, %div3A_1476 : vector<16x512xf32>
    %convert_element_type3A_1478 = arith.truncf %div3A_1477 : vector<16x512xf32> to vector<16x512xbf16>
    %convert_element_type3A_1479 = arith.truncf %slice3A_1459 : vector<512x64xf32> to vector<512x64xbf16>
    %dot_general3A_1480 = arith.constant dense<0.000000e+00> : vector<16x64xf32>
    %dot_general3A_1481 = tpu.matmul %convert_element_type3A_1478, %convert_element_type3A_1479, %dot_general3A_1480 {dimension_numbers = #tpu.dot_dimension_numbers<[1], [0], [0], [1], [0, 0, 1, 1], [], []>, transpose_lhs_hint = false} : vector<16x512xbf16>, vector<512x64xbf16>, vector<16x64xf32> -> vector<16x64xf32>
    %slice3A_1482 = vector.extract_strided_slice %add3A_67 {offsets = [48, 512], sizes = [16, 64], strides = [1, 1]} : vector<64x1024xf32> to vector<16x64xf32>
    %slice3A_1483 = vector.extract_strided_slice %add3A_74 {offsets = [1536, 512], sizes = [512, 64], strides = [1, 1]} : vector<2048x1024xf32> to vector<512x64xf32>
    %slice3A_1484 = vector.extract_strided_slice %add3A_81 {offsets = [1536, 512], sizes = [512, 64], strides = [1, 1]} : vector<2048x1024xf32> to vector<512x64xf32>
    %convert_element_type3A_1485 = arith.truncf %slice3A_1482 : vector<16x64xf32> to vector<16x64xbf16>
    %convert_element_type3A_1486 = arith.truncf %slice3A_1483 : vector<512x64xf32> to vector<512x64xbf16>
    %dot_general3A_1487 = arith.constant dense<0.000000e+00> : vector<16x512xf32>
    %dot_general3A_1488 = tpu.matmul %convert_element_type3A_1485, %convert_element_type3A_1486, %dot_general3A_1487 {dimension_numbers = #tpu.dot_dimension_numbers<[1], [1], [0], [0], [0, 0, 1, 0], [], []>, transpose_lhs_hint = false} : vector<16x64xbf16>, vector<512x64xbf16>, vector<16x512xf32> -> vector<16x512xf32>
    %mul3A_1489 = arith.constant 1.250000e-01 : f32
    %mul3A_1490 = vector.broadcast %mul3A_1489 : f32 to vector<16x512xf32>
    %mul3A_1491 = arith.mulf %dot_general3A_1488, %mul3A_1490 : vector<16x512xf32>
    %reduce_max3A_1492 = arith.constant dense<0xFF800000> : vector<16xf32>
    %reduce_max3A_1493 = vector.multi_reduction <maximumf>, %mul3A_1491, %reduce_max3A_1492 [1] : vector<16x512xf32> to vector<16xf32>
    %broadcast_in_dim3A_1494 = vector.shape_cast %reduce_max3A_1493 : vector<16xf32> to vector<16x1xf32>
    %sub3A_1495 = vector.broadcast %broadcast_in_dim3A_1494 : vector<16x1xf32> to vector<16x512xf32>
    %sub3A_1496 = arith.subf %mul3A_1491, %sub3A_1495 : vector<16x512xf32>
    %exp3A_1497 = math.exp %sub3A_1496 : vector<16x512xf32>
    %reduce_sum3A_1498 = arith.constant dense<0.000000e+00> : vector<16xf32>
    %reduce_sum3A_1499 = vector.multi_reduction <add>, %exp3A_1497, %reduce_sum3A_1498 [1] : vector<16x512xf32> to vector<16xf32>
    %broadcast_in_dim3A_1500 = vector.shape_cast %reduce_sum3A_1499 : vector<16xf32> to vector<16x1xf32>
    %div3A_1501 = vector.broadcast %broadcast_in_dim3A_1500 : vector<16x1xf32> to vector<16x512xf32>
    %div3A_1502 = arith.divf %exp3A_1497, %div3A_1501 : vector<16x512xf32>
    %convert_element_type3A_1503 = arith.truncf %div3A_1502 : vector<16x512xf32> to vector<16x512xbf16>
    %convert_element_type3A_1504 = arith.truncf %slice3A_1484 : vector<512x64xf32> to vector<512x64xbf16>
    %dot_general3A_1505 = arith.constant dense<0.000000e+00> : vector<16x64xf32>
    %dot_general3A_1506 = tpu.matmul %convert_element_type3A_1503, %convert_element_type3A_1504, %dot_general3A_1505 {dimension_numbers = #tpu.dot_dimension_numbers<[1], [0], [0], [1], [0, 0, 1, 1], [], []>, transpose_lhs_hint = false} : vector<16x512xbf16>, vector<512x64xbf16>, vector<16x64xf32> -> vector<16x64xf32>
    %slice3A_1507 = vector.extract_strided_slice %add3A_67 {offsets = [48, 576], sizes = [16, 64], strides = [1, 1]} : vector<64x1024xf32> to vector<16x64xf32>
    %slice3A_1508 = vector.extract_strided_slice %add3A_74 {offsets = [1536, 576], sizes = [512, 64], strides = [1, 1]} : vector<2048x1024xf32> to vector<512x64xf32>
    %slice3A_1509 = vector.extract_strided_slice %add3A_81 {offsets = [1536, 576], sizes = [512, 64], strides = [1, 1]} : vector<2048x1024xf32> to vector<512x64xf32>
    %convert_element_type3A_1510 = arith.truncf %slice3A_1507 : vector<16x64xf32> to vector<16x64xbf16>
    %convert_element_type3A_1511 = arith.truncf %slice3A_1508 : vector<512x64xf32> to vector<512x64xbf16>
    %dot_general3A_1512 = arith.constant dense<0.000000e+00> : vector<16x512xf32>
    %dot_general3A_1513 = tpu.matmul %convert_element_type3A_1510, %convert_element_type3A_1511, %dot_general3A_1512 {dimension_numbers = #tpu.dot_dimension_numbers<[1], [1], [0], [0], [0, 0, 1, 0], [], []>, transpose_lhs_hint = false} : vector<16x64xbf16>, vector<512x64xbf16>, vector<16x512xf32> -> vector<16x512xf32>
    %mul3A_1514 = arith.constant 1.250000e-01 : f32
    %mul3A_1515 = vector.broadcast %mul3A_1514 : f32 to vector<16x512xf32>
    %mul3A_1516 = arith.mulf %dot_general3A_1513, %mul3A_1515 : vector<16x512xf32>
    %reduce_max3A_1517 = arith.constant dense<0xFF800000> : vector<16xf32>
    %reduce_max3A_1518 = vector.multi_reduction <maximumf>, %mul3A_1516, %reduce_max3A_1517 [1] : vector<16x512xf32> to vector<16xf32>
    %broadcast_in_dim3A_1519 = vector.shape_cast %reduce_max3A_1518 : vector<16xf32> to vector<16x1xf32>
    %sub3A_1520 = vector.broadcast %broadcast_in_dim3A_1519 : vector<16x1xf32> to vector<16x512xf32>
    %sub3A_1521 = arith.subf %mul3A_1516, %sub3A_1520 : vector<16x512xf32>
    %exp3A_1522 = math.exp %sub3A_1521 : vector<16x512xf32>
    %reduce_sum3A_1523 = arith.constant dense<0.000000e+00> : vector<16xf32>
    %reduce_sum3A_1524 = vector.multi_reduction <add>, %exp3A_1522, %reduce_sum3A_1523 [1] : vector<16x512xf32> to vector<16xf32>
    %broadcast_in_dim3A_1525 = vector.shape_cast %reduce_sum3A_1524 : vector<16xf32> to vector<16x1xf32>
    %div3A_1526 = vector.broadcast %broadcast_in_dim3A_1525 : vector<16x1xf32> to vector<16x512xf32>
    %div3A_1527 = arith.divf %exp3A_1522, %div3A_1526 : vector<16x512xf32>
    %convert_element_type3A_1528 = arith.truncf %div3A_1527 : vector<16x512xf32> to vector<16x512xbf16>
    %convert_element_type3A_1529 = arith.truncf %slice3A_1509 : vector<512x64xf32> to vector<512x64xbf16>
    %dot_general3A_1530 = arith.constant dense<0.000000e+00> : vector<16x64xf32>
    %dot_general3A_1531 = tpu.matmul %convert_element_type3A_1528, %convert_element_type3A_1529, %dot_general3A_1530 {dimension_numbers = #tpu.dot_dimension_numbers<[1], [0], [0], [1], [0, 0, 1, 1], [], []>, transpose_lhs_hint = false} : vector<16x512xbf16>, vector<512x64xbf16>, vector<16x64xf32> -> vector<16x64xf32>
    %slice3A_1532 = vector.extract_strided_slice %add3A_67 {offsets = [48, 640], sizes = [16, 64], strides = [1, 1]} : vector<64x1024xf32> to vector<16x64xf32>
    %slice3A_1533 = vector.extract_strided_slice %add3A_74 {offsets = [1536, 640], sizes = [512, 64], strides = [1, 1]} : vector<2048x1024xf32> to vector<512x64xf32>
    %slice3A_1534 = vector.extract_strided_slice %add3A_81 {offsets = [1536, 640], sizes = [512, 64], strides = [1, 1]} : vector<2048x1024xf32> to vector<512x64xf32>
    %convert_element_type3A_1535 = arith.truncf %slice3A_1532 : vector<16x64xf32> to vector<16x64xbf16>
    %convert_element_type3A_1536 = arith.truncf %slice3A_1533 : vector<512x64xf32> to vector<512x64xbf16>
    %dot_general3A_1537 = arith.constant dense<0.000000e+00> : vector<16x512xf32>
    %dot_general3A_1538 = tpu.matmul %convert_element_type3A_1535, %convert_element_type3A_1536, %dot_general3A_1537 {dimension_numbers = #tpu.dot_dimension_numbers<[1], [1], [0], [0], [0, 0, 1, 0], [], []>, transpose_lhs_hint = false} : vector<16x64xbf16>, vector<512x64xbf16>, vector<16x512xf32> -> vector<16x512xf32>
    %mul3A_1539 = arith.constant 1.250000e-01 : f32
    %mul3A_1540 = vector.broadcast %mul3A_1539 : f32 to vector<16x512xf32>
    %mul3A_1541 = arith.mulf %dot_general3A_1538, %mul3A_1540 : vector<16x512xf32>
    %reduce_max3A_1542 = arith.constant dense<0xFF800000> : vector<16xf32>
    %reduce_max3A_1543 = vector.multi_reduction <maximumf>, %mul3A_1541, %reduce_max3A_1542 [1] : vector<16x512xf32> to vector<16xf32>
    %broadcast_in_dim3A_1544 = vector.shape_cast %reduce_max3A_1543 : vector<16xf32> to vector<16x1xf32>
    %sub3A_1545 = vector.broadcast %broadcast_in_dim3A_1544 : vector<16x1xf32> to vector<16x512xf32>
    %sub3A_1546 = arith.subf %mul3A_1541, %sub3A_1545 : vector<16x512xf32>
    %exp3A_1547 = math.exp %sub3A_1546 : vector<16x512xf32>
    %reduce_sum3A_1548 = arith.constant dense<0.000000e+00> : vector<16xf32>
    %reduce_sum3A_1549 = vector.multi_reduction <add>, %exp3A_1547, %reduce_sum3A_1548 [1] : vector<16x512xf32> to vector<16xf32>
    %broadcast_in_dim3A_1550 = vector.shape_cast %reduce_sum3A_1549 : vector<16xf32> to vector<16x1xf32>
    %div3A_1551 = vector.broadcast %broadcast_in_dim3A_1550 : vector<16x1xf32> to vector<16x512xf32>
    %div3A_1552 = arith.divf %exp3A_1547, %div3A_1551 : vector<16x512xf32>
    %convert_element_type3A_1553 = arith.truncf %div3A_1552 : vector<16x512xf32> to vector<16x512xbf16>
    %convert_element_type3A_1554 = arith.truncf %slice3A_1534 : vector<512x64xf32> to vector<512x64xbf16>
    %dot_general3A_1555 = arith.constant dense<0.000000e+00> : vector<16x64xf32>
    %dot_general3A_1556 = tpu.matmul %convert_element_type3A_1553, %convert_element_type3A_1554, %dot_general3A_1555 {dimension_numbers = #tpu.dot_dimension_numbers<[1], [0], [0], [1], [0, 0, 1, 1], [], []>, transpose_lhs_hint = false} : vector<16x512xbf16>, vector<512x64xbf16>, vector<16x64xf32> -> vector<16x64xf32>
    %slice3A_1557 = vector.extract_strided_slice %add3A_67 {offsets = [48, 704], sizes = [16, 64], strides = [1, 1]} : vector<64x1024xf32> to vector<16x64xf32>
    %slice3A_1558 = vector.extract_strided_slice %add3A_74 {offsets = [1536, 704], sizes = [512, 64], strides = [1, 1]} : vector<2048x1024xf32> to vector<512x64xf32>
    %slice3A_1559 = vector.extract_strided_slice %add3A_81 {offsets = [1536, 704], sizes = [512, 64], strides = [1, 1]} : vector<2048x1024xf32> to vector<512x64xf32>
    %convert_element_type3A_1560 = arith.truncf %slice3A_1557 : vector<16x64xf32> to vector<16x64xbf16>
    %convert_element_type3A_1561 = arith.truncf %slice3A_1558 : vector<512x64xf32> to vector<512x64xbf16>
    %dot_general3A_1562 = arith.constant dense<0.000000e+00> : vector<16x512xf32>
    %dot_general3A_1563 = tpu.matmul %convert_element_type3A_1560, %convert_element_type3A_1561, %dot_general3A_1562 {dimension_numbers = #tpu.dot_dimension_numbers<[1], [1], [0], [0], [0, 0, 1, 0], [], []>, transpose_lhs_hint = false} : vector<16x64xbf16>, vector<512x64xbf16>, vector<16x512xf32> -> vector<16x512xf32>
    %mul3A_1564 = arith.constant 1.250000e-01 : f32
    %mul3A_1565 = vector.broadcast %mul3A_1564 : f32 to vector<16x512xf32>
    %mul3A_1566 = arith.mulf %dot_general3A_1563, %mul3A_1565 : vector<16x512xf32>
    %reduce_max3A_1567 = arith.constant dense<0xFF800000> : vector<16xf32>
    %reduce_max3A_1568 = vector.multi_reduction <maximumf>, %mul3A_1566, %reduce_max3A_1567 [1] : vector<16x512xf32> to vector<16xf32>
    %broadcast_in_dim3A_1569 = vector.shape_cast %reduce_max3A_1568 : vector<16xf32> to vector<16x1xf32>
    %sub3A_1570 = vector.broadcast %broadcast_in_dim3A_1569 : vector<16x1xf32> to vector<16x512xf32>
    %sub3A_1571 = arith.subf %mul3A_1566, %sub3A_1570 : vector<16x512xf32>
    %exp3A_1572 = math.exp %sub3A_1571 : vector<16x512xf32>
    %reduce_sum3A_1573 = arith.constant dense<0.000000e+00> : vector<16xf32>
    %reduce_sum3A_1574 = vector.multi_reduction <add>, %exp3A_1572, %reduce_sum3A_1573 [1] : vector<16x512xf32> to vector<16xf32>
    %broadcast_in_dim3A_1575 = vector.shape_cast %reduce_sum3A_1574 : vector<16xf32> to vector<16x1xf32>
    %div3A_1576 = vector.broadcast %broadcast_in_dim3A_1575 : vector<16x1xf32> to vector<16x512xf32>
    %div3A_1577 = arith.divf %exp3A_1572, %div3A_1576 : vector<16x512xf32>
    %convert_element_type3A_1578 = arith.truncf %div3A_1577 : vector<16x512xf32> to vector<16x512xbf16>
    %convert_element_type3A_1579 = arith.truncf %slice3A_1559 : vector<512x64xf32> to vector<512x64xbf16>
    %dot_general3A_1580 = arith.constant dense<0.000000e+00> : vector<16x64xf32>
    %dot_general3A_1581 = tpu.matmul %convert_element_type3A_1578, %convert_element_type3A_1579, %dot_general3A_1580 {dimension_numbers = #tpu.dot_dimension_numbers<[1], [0], [0], [1], [0, 0, 1, 1], [], []>, transpose_lhs_hint = false} : vector<16x512xbf16>, vector<512x64xbf16>, vector<16x64xf32> -> vector<16x64xf32>
    %slice3A_1582 = vector.extract_strided_slice %add3A_67 {offsets = [48, 768], sizes = [16, 64], strides = [1, 1]} : vector<64x1024xf32> to vector<16x64xf32>
    %slice3A_1583 = vector.extract_strided_slice %add3A_74 {offsets = [1536, 768], sizes = [512, 64], strides = [1, 1]} : vector<2048x1024xf32> to vector<512x64xf32>
    %slice3A_1584 = vector.extract_strided_slice %add3A_81 {offsets = [1536, 768], sizes = [512, 64], strides = [1, 1]} : vector<2048x1024xf32> to vector<512x64xf32>
    %convert_element_type3A_1585 = arith.truncf %slice3A_1582 : vector<16x64xf32> to vector<16x64xbf16>
    %convert_element_type3A_1586 = arith.truncf %slice3A_1583 : vector<512x64xf32> to vector<512x64xbf16>
    %dot_general3A_1587 = arith.constant dense<0.000000e+00> : vector<16x512xf32>
    %dot_general3A_1588 = tpu.matmul %convert_element_type3A_1585, %convert_element_type3A_1586, %dot_general3A_1587 {dimension_numbers = #tpu.dot_dimension_numbers<[1], [1], [0], [0], [0, 0, 1, 0], [], []>, transpose_lhs_hint = false} : vector<16x64xbf16>, vector<512x64xbf16>, vector<16x512xf32> -> vector<16x512xf32>
    %mul3A_1589 = arith.constant 1.250000e-01 : f32
    %mul3A_1590 = vector.broadcast %mul3A_1589 : f32 to vector<16x512xf32>
    %mul3A_1591 = arith.mulf %dot_general3A_1588, %mul3A_1590 : vector<16x512xf32>
    %reduce_max3A_1592 = arith.constant dense<0xFF800000> : vector<16xf32>
    %reduce_max3A_1593 = vector.multi_reduction <maximumf>, %mul3A_1591, %reduce_max3A_1592 [1] : vector<16x512xf32> to vector<16xf32>
    %broadcast_in_dim3A_1594 = vector.shape_cast %reduce_max3A_1593 : vector<16xf32> to vector<16x1xf32>
    %sub3A_1595 = vector.broadcast %broadcast_in_dim3A_1594 : vector<16x1xf32> to vector<16x512xf32>
    %sub3A_1596 = arith.subf %mul3A_1591, %sub3A_1595 : vector<16x512xf32>
    %exp3A_1597 = math.exp %sub3A_1596 : vector<16x512xf32>
    %reduce_sum3A_1598 = arith.constant dense<0.000000e+00> : vector<16xf32>
    %reduce_sum3A_1599 = vector.multi_reduction <add>, %exp3A_1597, %reduce_sum3A_1598 [1] : vector<16x512xf32> to vector<16xf32>
    %broadcast_in_dim3A_1600 = vector.shape_cast %reduce_sum3A_1599 : vector<16xf32> to vector<16x1xf32>
    %div3A_1601 = vector.broadcast %broadcast_in_dim3A_1600 : vector<16x1xf32> to vector<16x512xf32>
    %div3A_1602 = arith.divf %exp3A_1597, %div3A_1601 : vector<16x512xf32>
    %convert_element_type3A_1603 = arith.truncf %div3A_1602 : vector<16x512xf32> to vector<16x512xbf16>
    %convert_element_type3A_1604 = arith.truncf %slice3A_1584 : vector<512x64xf32> to vector<512x64xbf16>
    %dot_general3A_1605 = arith.constant dense<0.000000e+00> : vector<16x64xf32>
    %dot_general3A_1606 = tpu.matmul %convert_element_type3A_1603, %convert_element_type3A_1604, %dot_general3A_1605 {dimension_numbers = #tpu.dot_dimension_numbers<[1], [0], [0], [1], [0, 0, 1, 1], [], []>, transpose_lhs_hint = false} : vector<16x512xbf16>, vector<512x64xbf16>, vector<16x64xf32> -> vector<16x64xf32>
    %slice3A_1607 = vector.extract_strided_slice %add3A_67 {offsets = [48, 832], sizes = [16, 64], strides = [1, 1]} : vector<64x1024xf32> to vector<16x64xf32>
    %slice3A_1608 = vector.extract_strided_slice %add3A_74 {offsets = [1536, 832], sizes = [512, 64], strides = [1, 1]} : vector<2048x1024xf32> to vector<512x64xf32>
    %slice3A_1609 = vector.extract_strided_slice %add3A_81 {offsets = [1536, 832], sizes = [512, 64], strides = [1, 1]} : vector<2048x1024xf32> to vector<512x64xf32>
    %convert_element_type3A_1610 = arith.truncf %slice3A_1607 : vector<16x64xf32> to vector<16x64xbf16>
    %convert_element_type3A_1611 = arith.truncf %slice3A_1608 : vector<512x64xf32> to vector<512x64xbf16>
    %dot_general3A_1612 = arith.constant dense<0.000000e+00> : vector<16x512xf32>
    %dot_general3A_1613 = tpu.matmul %convert_element_type3A_1610, %convert_element_type3A_1611, %dot_general3A_1612 {dimension_numbers = #tpu.dot_dimension_numbers<[1], [1], [0], [0], [0, 0, 1, 0], [], []>, transpose_lhs_hint = false} : vector<16x64xbf16>, vector<512x64xbf16>, vector<16x512xf32> -> vector<16x512xf32>
    %mul3A_1614 = arith.constant 1.250000e-01 : f32
    %mul3A_1615 = vector.broadcast %mul3A_1614 : f32 to vector<16x512xf32>
    %mul3A_1616 = arith.mulf %dot_general3A_1613, %mul3A_1615 : vector<16x512xf32>
    %reduce_max3A_1617 = arith.constant dense<0xFF800000> : vector<16xf32>
    %reduce_max3A_1618 = vector.multi_reduction <maximumf>, %mul3A_1616, %reduce_max3A_1617 [1] : vector<16x512xf32> to vector<16xf32>
    %broadcast_in_dim3A_1619 = vector.shape_cast %reduce_max3A_1618 : vector<16xf32> to vector<16x1xf32>
    %sub3A_1620 = vector.broadcast %broadcast_in_dim3A_1619 : vector<16x1xf32> to vector<16x512xf32>
    %sub3A_1621 = arith.subf %mul3A_1616, %sub3A_1620 : vector<16x512xf32>
    %exp3A_1622 = math.exp %sub3A_1621 : vector<16x512xf32>
    %reduce_sum3A_1623 = arith.constant dense<0.000000e+00> : vector<16xf32>
    %reduce_sum3A_1624 = vector.multi_reduction <add>, %exp3A_1622, %reduce_sum3A_1623 [1] : vector<16x512xf32> to vector<16xf32>
    %broadcast_in_dim3A_1625 = vector.shape_cast %reduce_sum3A_1624 : vector<16xf32> to vector<16x1xf32>
    %div3A_1626 = vector.broadcast %broadcast_in_dim3A_1625 : vector<16x1xf32> to vector<16x512xf32>
    %div3A_1627 = arith.divf %exp3A_1622, %div3A_1626 : vector<16x512xf32>
    %convert_element_type3A_1628 = arith.truncf %div3A_1627 : vector<16x512xf32> to vector<16x512xbf16>
    %convert_element_type3A_1629 = arith.truncf %slice3A_1609 : vector<512x64xf32> to vector<512x64xbf16>
    %dot_general3A_1630 = arith.constant dense<0.000000e+00> : vector<16x64xf32>
    %dot_general3A_1631 = tpu.matmul %convert_element_type3A_1628, %convert_element_type3A_1629, %dot_general3A_1630 {dimension_numbers = #tpu.dot_dimension_numbers<[1], [0], [0], [1], [0, 0, 1, 1], [], []>, transpose_lhs_hint = false} : vector<16x512xbf16>, vector<512x64xbf16>, vector<16x64xf32> -> vector<16x64xf32>
    %slice3A_1632 = vector.extract_strided_slice %add3A_67 {offsets = [48, 896], sizes = [16, 64], strides = [1, 1]} : vector<64x1024xf32> to vector<16x64xf32>
    %slice3A_1633 = vector.extract_strided_slice %add3A_74 {offsets = [1536, 896], sizes = [512, 64], strides = [1, 1]} : vector<2048x1024xf32> to vector<512x64xf32>
    %slice3A_1634 = vector.extract_strided_slice %add3A_81 {offsets = [1536, 896], sizes = [512, 64], strides = [1, 1]} : vector<2048x1024xf32> to vector<512x64xf32>
    %convert_element_type3A_1635 = arith.truncf %slice3A_1632 : vector<16x64xf32> to vector<16x64xbf16>
    %convert_element_type3A_1636 = arith.truncf %slice3A_1633 : vector<512x64xf32> to vector<512x64xbf16>
    %dot_general3A_1637 = arith.constant dense<0.000000e+00> : vector<16x512xf32>
    %dot_general3A_1638 = tpu.matmul %convert_element_type3A_1635, %convert_element_type3A_1636, %dot_general3A_1637 {dimension_numbers = #tpu.dot_dimension_numbers<[1], [1], [0], [0], [0, 0, 1, 0], [], []>, transpose_lhs_hint = false} : vector<16x64xbf16>, vector<512x64xbf16>, vector<16x512xf32> -> vector<16x512xf32>
    %mul3A_1639 = arith.constant 1.250000e-01 : f32
    %mul3A_1640 = vector.broadcast %mul3A_1639 : f32 to vector<16x512xf32>
    %mul3A_1641 = arith.mulf %dot_general3A_1638, %mul3A_1640 : vector<16x512xf32>
    %reduce_max3A_1642 = arith.constant dense<0xFF800000> : vector<16xf32>
    %reduce_max3A_1643 = vector.multi_reduction <maximumf>, %mul3A_1641, %reduce_max3A_1642 [1] : vector<16x512xf32> to vector<16xf32>
    %broadcast_in_dim3A_1644 = vector.shape_cast %reduce_max3A_1643 : vector<16xf32> to vector<16x1xf32>
    %sub3A_1645 = vector.broadcast %broadcast_in_dim3A_1644 : vector<16x1xf32> to vector<16x512xf32>
    %sub3A_1646 = arith.subf %mul3A_1641, %sub3A_1645 : vector<16x512xf32>
    %exp3A_1647 = math.exp %sub3A_1646 : vector<16x512xf32>
    %reduce_sum3A_1648 = arith.constant dense<0.000000e+00> : vector<16xf32>
    %reduce_sum3A_1649 = vector.multi_reduction <add>, %exp3A_1647, %reduce_sum3A_1648 [1] : vector<16x512xf32> to vector<16xf32>
    %broadcast_in_dim3A_1650 = vector.shape_cast %reduce_sum3A_1649 : vector<16xf32> to vector<16x1xf32>
    %div3A_1651 = vector.broadcast %broadcast_in_dim3A_1650 : vector<16x1xf32> to vector<16x512xf32>
    %div3A_1652 = arith.divf %exp3A_1647, %div3A_1651 : vector<16x512xf32>
    %convert_element_type3A_1653 = arith.truncf %div3A_1652 : vector<16x512xf32> to vector<16x512xbf16>
    %convert_element_type3A_1654 = arith.truncf %slice3A_1634 : vector<512x64xf32> to vector<512x64xbf16>
    %dot_general3A_1655 = arith.constant dense<0.000000e+00> : vector<16x64xf32>
    %dot_general3A_1656 = tpu.matmul %convert_element_type3A_1653, %convert_element_type3A_1654, %dot_general3A_1655 {dimension_numbers = #tpu.dot_dimension_numbers<[1], [0], [0], [1], [0, 0, 1, 1], [], []>, transpose_lhs_hint = false} : vector<16x512xbf16>, vector<512x64xbf16>, vector<16x64xf32> -> vector<16x64xf32>
    %slice3A_1657 = vector.extract_strided_slice %add3A_67 {offsets = [48, 960], sizes = [16, 64], strides = [1, 1]} : vector<64x1024xf32> to vector<16x64xf32>
    %slice3A_1658 = vector.extract_strided_slice %add3A_74 {offsets = [1536, 960], sizes = [512, 64], strides = [1, 1]} : vector<2048x1024xf32> to vector<512x64xf32>
    %slice3A_1659 = vector.extract_strided_slice %add3A_81 {offsets = [1536, 960], sizes = [512, 64], strides = [1, 1]} : vector<2048x1024xf32> to vector<512x64xf32>
    %convert_element_type3A_1660 = arith.truncf %slice3A_1657 : vector<16x64xf32> to vector<16x64xbf16>
    %convert_element_type3A_1661 = arith.truncf %slice3A_1658 : vector<512x64xf32> to vector<512x64xbf16>
    %dot_general3A_1662 = arith.constant dense<0.000000e+00> : vector<16x512xf32>
    %dot_general3A_1663 = tpu.matmul %convert_element_type3A_1660, %convert_element_type3A_1661, %dot_general3A_1662 {dimension_numbers = #tpu.dot_dimension_numbers<[1], [1], [0], [0], [0, 0, 1, 0], [], []>, transpose_lhs_hint = false} : vector<16x64xbf16>, vector<512x64xbf16>, vector<16x512xf32> -> vector<16x512xf32>
    %mul3A_1664 = arith.constant 1.250000e-01 : f32
    %mul3A_1665 = vector.broadcast %mul3A_1664 : f32 to vector<16x512xf32>
    %mul3A_1666 = arith.mulf %dot_general3A_1663, %mul3A_1665 : vector<16x512xf32>
    %reduce_max3A_1667 = arith.constant dense<0xFF800000> : vector<16xf32>
    %reduce_max3A_1668 = vector.multi_reduction <maximumf>, %mul3A_1666, %reduce_max3A_1667 [1] : vector<16x512xf32> to vector<16xf32>
    %broadcast_in_dim3A_1669 = vector.shape_cast %reduce_max3A_1668 : vector<16xf32> to vector<16x1xf32>
    %sub3A_1670 = vector.broadcast %broadcast_in_dim3A_1669 : vector<16x1xf32> to vector<16x512xf32>
    %sub3A_1671 = arith.subf %mul3A_1666, %sub3A_1670 : vector<16x512xf32>
    %exp3A_1672 = math.exp %sub3A_1671 : vector<16x512xf32>
    %reduce_sum3A_1673 = arith.constant dense<0.000000e+00> : vector<16xf32>
    %reduce_sum3A_1674 = vector.multi_reduction <add>, %exp3A_1672, %reduce_sum3A_1673 [1] : vector<16x512xf32> to vector<16xf32>
    %broadcast_in_dim3A_1675 = vector.shape_cast %reduce_sum3A_1674 : vector<16xf32> to vector<16x1xf32>
    %div3A_1676 = vector.broadcast %broadcast_in_dim3A_1675 : vector<16x1xf32> to vector<16x512xf32>
    %div3A_1677 = arith.divf %exp3A_1672, %div3A_1676 : vector<16x512xf32>
    %convert_element_type3A_1678 = arith.truncf %div3A_1677 : vector<16x512xf32> to vector<16x512xbf16>
    %convert_element_type3A_1679 = arith.truncf %slice3A_1659 : vector<512x64xf32> to vector<512x64xbf16>
    %dot_general3A_1680 = arith.constant dense<0.000000e+00> : vector<16x64xf32>
    %dot_general3A_1681 = tpu.matmul %convert_element_type3A_1678, %convert_element_type3A_1679, %dot_general3A_1680 {dimension_numbers = #tpu.dot_dimension_numbers<[1], [0], [0], [1], [0, 0, 1, 1], [], []>, transpose_lhs_hint = false} : vector<16x512xbf16>, vector<512x64xbf16>, vector<16x64xf32> -> vector<16x64xf32>
    %concatenate3A_1682 = tpu.concatenate %dot_general3A_1306, %dot_general3A_1331, %dot_general3A_1356, %dot_general3A_1381, %dot_general3A_1406, %dot_general3A_1431, %dot_general3A_1456, %dot_general3A_1481, %dot_general3A_1506, %dot_general3A_1531, %dot_general3A_1556, %dot_general3A_1581, %dot_general3A_1606, %dot_general3A_1631, %dot_general3A_1656, %dot_general3A_1681 in 1 : vector<16x64xf32>, vector<16x64xf32>, vector<16x64xf32>, vector<16x64xf32>, vector<16x64xf32>, vector<16x64xf32>, vector<16x64xf32>, vector<16x64xf32>, vector<16x64xf32>, vector<16x64xf32>, vector<16x64xf32>, vector<16x64xf32>, vector<16x64xf32>, vector<16x64xf32>, vector<16x64xf32>, vector<16x64xf32> -> vector<16x1024xf32>
    %concatenate3A_1683 = tpu.concatenate %concatenate3A, %concatenate3A_880, %concatenate3A_1281, %concatenate3A_1682 in 0 : vector<16x1024xf32>, vector<16x1024xf32>, vector<16x1024xf32>, vector<16x1024xf32> -> vector<64x1024xf32>
    %convert_element_type3A_1684 = arith.truncf %concatenate3A_1683 : vector<64x1024xf32> to vector<64x1024xbf16>
    %get3A_1685 = arith.constant 0 : index
    %get3A_1686 = arith.constant 0 : index
    %get3A_1687 = vector.load %arg4[%get3A_1685, %get3A_1686] : memref<1024x1024xf32, #tpu.memory_space<vmem>>, vector<1024x1024xf32>
    %convert_element_type3A_1688 = arith.truncf %get3A_1687 : vector<1024x1024xf32> to vector<1024x1024xbf16>
    %dot_general3A_1689 = arith.constant dense<0.000000e+00> : vector<64x1024xf32>
    %dot_general3A_1690 = tpu.matmul %convert_element_type3A_1684, %convert_element_type3A_1688, %dot_general3A_1689 {dimension_numbers = #tpu.dot_dimension_numbers<[1], [1], [0], [0], [0, 0, 1, 0], [], []>, transpose_lhs_hint = false} : vector<64x1024xbf16>, vector<1024x1024xbf16>, vector<64x1024xf32> -> vector<64x1024xf32>
    %slice3A_1691 = vector.extract_strided_slice %get3A_7 {offsets = [7, 0], sizes = [1, 1024], strides = [1, 1]} : vector<8x1024xf32> to vector<1x1024xf32>
    %add3A_1692 = vector.broadcast %slice3A_1691 : vector<1x1024xf32> to vector<64x1024xf32>
    %add3A_1693 = arith.addf %dot_general3A_1690, %add3A_1692 : vector<64x1024xf32>
    %add3A_1694 = arith.addf %get3A_1, %add3A_1693 : vector<64x1024xf32>
    %swap3A = arith.constant 0 : index
    %swap3A_1695 = arith.constant 0 : index
    %swap3A_1696 = vector.load %arg5[%swap3A, %swap3A_1695] : memref<64x1024xf32, #tpu.memory_space<vmem>>, vector<64x1024xf32>
    tpu.vector_store %arg5[%swap3A, %swap3A_1695], %add3A_1694 {strides = array<i32>} : memref<64x1024xf32, #tpu.memory_space<vmem>>, vector<64x1024xf32>,
    return
  }
}

module attributes {stable_mosaic.version = 14 : i64} {
  func.func @_ffn_body(%arg0: i32, %arg1: memref<64x1024xf32, #tpu.memory_space<vmem>>, %arg2: memref<4x1024xf32, #tpu.memory_space<vmem>>, %arg3: memref<1024x1024xf32, #tpu.memory_space<vmem>>, %arg4: memref<1x1024xf32, #tpu.memory_space<vmem>>, %arg5: memref<1024x1024xf32, #tpu.memory_space<vmem>>, %arg6: memref<1x1024xf32, #tpu.memory_space<vmem>>, %arg7: memref<64x1024xf32, #tpu.memory_space<vmem>>, %arg8: memref<64x1024xf32, #tpu.memory_space<vmem>>, %arg9: memref<64x1024xf32, #tpu.memory_space<vmem>>) attributes {dimension_semantics = [#tpu.dimension_semantics<arbitrary>], iteration_bounds = array<i64: 4>, scalar_prefetch = 0 : i64, scratch_operands = 2 : i64, tpu.core_type = #tpu.core_type<tc>, window_params = [{pipeline_mode = #tpu.pipeline_mode<synchronous>, transform_indices = @transform_0, window_bounds = array<i64: 64, 1024>}, {pipeline_mode = #tpu.pipeline_mode<synchronous>, transform_indices = @transform_1, window_bounds = array<i64: 4, 1024>}, {transform_indices = @transform_2, window_bounds = array<i64: 1024, 1024>}, {transform_indices = @transform_3, window_bounds = array<i64: 1, 1024>}, {transform_indices = @transform_4, window_bounds = array<i64: 1024, 1024>}, {pipeline_mode = #tpu.pipeline_mode<synchronous>, transform_indices = @transform_5, window_bounds = array<i64: 1, 1024>}, {pipeline_mode = #tpu.pipeline_mode<synchronous>, transform_indices = @transform_6, window_bounds = array<i64: 64, 1024>}]} {
    %eq3A = arith.constant 0 : i32
    %eq3A_0 = arith.cmpi eq, %arg0, %eq3A : i32
    %convert_element_type3A = arith.extui %eq3A_0 : i1 to i32
    %cond3A = arith.constant 0 : i32
    %cond3A_1 = arith.cmpi ne, %convert_element_type3A, %cond3A : i32
    scf.if %cond3A_1 {
      %get3A_41 = arith.constant 0 : index
      %get3A_42 = arith.constant 0 : index
      %get3A_43 = vector.load %arg2[%get3A_41, %get3A_42] : memref<4x1024xf32, #tpu.memory_space<vmem>>, vector<4x1024xf32>
      %get3A_44 = arith.constant 0 : index
      %get3A_45 = arith.constant 0 : index
      %get3A_46 = vector.load %arg1[%get3A_44, %get3A_45] : memref<64x1024xf32, #tpu.memory_space<vmem>>, vector<64x1024xf32>
      %slice3A = vector.extract_strided_slice %get3A_43 {offsets = [0, 0], sizes = [1, 1024], strides = [1, 1]} : vector<4x1024xf32> to vector<1x1024xf32>
      %slice3A_47 = vector.extract_strided_slice %get3A_43 {offsets = [1, 0], sizes = [1, 1024], strides = [1, 1]} : vector<4x1024xf32> to vector<1x1024xf32>
      %reduce_sum3A = arith.constant dense<0.000000e+00> : vector<64xf32>
      %reduce_sum3A_48 = vector.multi_reduction <add>, %get3A_46, %reduce_sum3A [1] : vector<64x1024xf32> to vector<64xf32>
      %broadcast_in_dim3A = vector.shape_cast %reduce_sum3A_48 : vector<64xf32> to vector<64x1xf32>
      %div3A = arith.constant 1.024000e+03 : f32
      %div3A_49 = vector.broadcast %div3A : f32 to vector<64x1xf32>
      %div3A_50 = arith.divf %broadcast_in_dim3A, %div3A_49 : vector<64x1xf32>
      %sub3A = vector.broadcast %div3A_50 : vector<64x1xf32> to vector<64x1024xf32>
      %sub3A_51 = arith.subf %get3A_46, %sub3A : vector<64x1024xf32>
      %mul3A_52 = arith.mulf %sub3A_51, %sub3A_51 : vector<64x1024xf32>
      %reduce_sum3A_53 = arith.constant dense<0.000000e+00> : vector<64xf32>
      %reduce_sum3A_54 = vector.multi_reduction <add>, %mul3A_52, %reduce_sum3A_53 [1] : vector<64x1024xf32> to vector<64xf32>
      %broadcast_in_dim3A_55 = vector.shape_cast %reduce_sum3A_54 : vector<64xf32> to vector<64x1xf32>
      %div3A_56 = arith.constant 1.024000e+03 : f32
      %div3A_57 = vector.broadcast %div3A_56 : f32 to vector<64x1xf32>
      %div3A_58 = arith.divf %broadcast_in_dim3A_55, %div3A_57 : vector<64x1xf32>
      %add3A_59 = arith.constant 9.99999974E-6 : f32
      %add3A_60 = vector.broadcast %add3A_59 : f32 to vector<64x1xf32>
      %add3A_61 = arith.addf %div3A_58, %add3A_60 : vector<64x1xf32>
      %sqrt3A = math.sqrt %add3A_61 : vector<64x1xf32>
      %div3A_62 = vector.broadcast %sqrt3A : vector<64x1xf32> to vector<64x1024xf32>
      %div3A_63 = arith.divf %sub3A_51, %div3A_62 : vector<64x1024xf32>
      %mul3A_64 = vector.broadcast %slice3A : vector<1x1024xf32> to vector<64x1024xf32>
      %mul3A_65 = arith.mulf %div3A_63, %mul3A_64 : vector<64x1024xf32>
      %add3A_66 = vector.broadcast %slice3A_47 : vector<1x1024xf32> to vector<64x1024xf32>
      %add3A_67 = arith.addf %mul3A_65, %add3A_66 : vector<64x1024xf32>
      %swap3A_68 = arith.constant 0 : index
      %swap3A_69 = arith.constant 0 : index
      %swap3A_70 = vector.load %arg8[%swap3A_68, %swap3A_69] : memref<64x1024xf32, #tpu.memory_space<vmem>>, vector<64x1024xf32>
      tpu.vector_store %arg8[%swap3A_68, %swap3A_69], %add3A_67 {strides = array<i32>} : memref<64x1024xf32, #tpu.memory_space<vmem>>, vector<64x1024xf32>,
      %broadcast_in_dim3A_71 = arith.constant 0.000000e+00 : f32
      %broadcast_in_dim3A_72 = vector.broadcast %broadcast_in_dim3A_71 : f32 to vector<64x1024xf32>
      %swap3A_73 = arith.constant 0 : index
      %swap3A_74 = arith.constant 0 : index
      %swap3A_75 = vector.load %arg9[%swap3A_73, %swap3A_74] : memref<64x1024xf32, #tpu.memory_space<vmem>>, vector<64x1024xf32>
      tpu.vector_store %arg9[%swap3A_73, %swap3A_74], %broadcast_in_dim3A_72 {strides = array<i32>} : memref<64x1024xf32, #tpu.memory_space<vmem>>, vector<64x1024xf32>,
    } else {
    }
    %get3A = arith.constant 0 : index
    %get3A_2 = arith.constant 0 : index
    %get3A_3 = vector.load %arg8[%get3A, %get3A_2] : memref<64x1024xf32, #tpu.memory_space<vmem>>, vector<64x1024xf32>
    %convert_element_type3A_4 = arith.truncf %get3A_3 : vector<64x1024xf32> to vector<64x1024xbf16>
    %get3A_5 = arith.constant 0 : index
    %get3A_6 = arith.constant 0 : index
    %get3A_7 = vector.load %arg3[%get3A_5, %get3A_6] : memref<1024x1024xf32, #tpu.memory_space<vmem>>, vector<1024x1024xf32>
    %convert_element_type3A_8 = arith.truncf %get3A_7 : vector<1024x1024xf32> to vector<1024x1024xbf16>
    %dot_general3A = arith.constant dense<0.000000e+00> : vector<64x1024xf32>
    %dot_general3A_9 = tpu.matmul %convert_element_type3A_4, %convert_element_type3A_8, %dot_general3A {dimension_numbers = #tpu.dot_dimension_numbers<[1], [1], [0], [0], [0, 0, 1, 0], [], []>, transpose_lhs_hint = false} : vector<64x1024xbf16>, vector<1024x1024xbf16>, vector<64x1024xf32> -> vector<64x1024xf32>
    %get3A_10 = arith.constant 0 : index
    %get3A_11 = arith.constant 0 : index
    %get3A_12 = vector.load %arg4[%get3A_10, %get3A_11] : memref<1x1024xf32, #tpu.memory_space<vmem>>, vector<1x1024xf32>
    %add3A = vector.broadcast %get3A_12 : vector<1x1024xf32> to vector<64x1024xf32>
    %add3A_13 = arith.addf %dot_general3A_9, %add3A : vector<64x1024xf32>
    %mul3A = arith.constant 5.000000e-01 : f32
    %mul3A_14 = vector.broadcast %mul3A : f32 to vector<64x1024xf32>
    %mul3A_15 = arith.mulf %mul3A_14, %add3A_13 : vector<64x1024xf32>
    %mul3A_16 = arith.constant 0.707106769 : f32
    %mul3A_17 = vector.broadcast %mul3A_16 : f32 to vector<64x1024xf32>
    %mul3A_18 = arith.mulf %add3A_13, %mul3A_17 : vector<64x1024xf32>
    %erf3A = math.erf %mul3A_18 : vector<64x1024xf32>
    %add3A_19 = arith.constant 1.000000e+00 : f32
    %add3A_20 = vector.broadcast %add3A_19 : f32 to vector<64x1024xf32>
    %add3A_21 = arith.addf %add3A_20, %erf3A : vector<64x1024xf32>
    %mul3A_22 = arith.mulf %mul3A_15, %add3A_21 : vector<64x1024xf32>
    %get3A_23 = arith.constant 0 : index
    %get3A_24 = arith.constant 0 : index
    %get3A_25 = vector.load %arg9[%get3A_23, %get3A_24] : memref<64x1024xf32, #tpu.memory_space<vmem>>, vector<64x1024xf32>
    %convert_element_type3A_26 = arith.truncf %mul3A_22 : vector<64x1024xf32> to vector<64x1024xbf16>
    %get3A_27 = arith.constant 0 : index
    %get3A_28 = arith.constant 0 : index
    %get3A_29 = vector.load %arg5[%get3A_27, %get3A_28] : memref<1024x1024xf32, #tpu.memory_space<vmem>>, vector<1024x1024xf32>
    %convert_element_type3A_30 = arith.truncf %get3A_29 : vector<1024x1024xf32> to vector<1024x1024xbf16>
    %dot_general3A_31 = arith.constant dense<0.000000e+00> : vector<64x1024xf32>
    %dot_general3A_32 = tpu.matmul %convert_element_type3A_26, %convert_element_type3A_30, %dot_general3A_31 {dimension_numbers = #tpu.dot_dimension_numbers<[1], [1], [0], [0], [0, 0, 1, 0], [], []>, transpose_lhs_hint = false} : vector<64x1024xbf16>, vector<1024x1024xbf16>, vector<64x1024xf32> -> vector<64x1024xf32>
    %add3A_33 = arith.addf %get3A_25, %dot_general3A_32 : vector<64x1024xf32>
    %swap3A = arith.constant 0 : index
    %swap3A_34 = arith.constant 0 : index
    %swap3A_35 = vector.load %arg9[%swap3A, %swap3A_34] : memref<64x1024xf32, #tpu.memory_space<vmem>>, vector<64x1024xf32>
    tpu.vector_store %arg9[%swap3A, %swap3A_34], %add3A_33 {strides = array<i32>} : memref<64x1024xf32, #tpu.memory_space<vmem>>, vector<64x1024xf32>,
    %eq3A_36 = arith.constant 3 : i32
    %eq3A_37 = arith.cmpi eq, %arg0, %eq3A_36 : i32
    %convert_element_type3A_38 = arith.extui %eq3A_37 : i1 to i32
    %cond3A_39 = arith.constant 0 : i32
    %cond3A_40 = arith.cmpi ne, %convert_element_type3A_38, %cond3A_39 : i32
    scf.if %cond3A_40 {
      %get3A_41 = arith.constant 0 : index
      %get3A_42 = arith.constant 0 : index
      %get3A_43 = vector.load %arg1[%get3A_41, %get3A_42] : memref<64x1024xf32, #tpu.memory_space<vmem>>, vector<64x1024xf32>
      %get3A_44 = arith.constant 0 : index
      %get3A_45 = arith.constant 0 : index
      %get3A_46 = vector.load %arg9[%get3A_44, %get3A_45] : memref<64x1024xf32, #tpu.memory_space<vmem>>, vector<64x1024xf32>
      %add3A_47 = arith.addf %get3A_43, %get3A_46 : vector<64x1024xf32>
      %get3A_48 = arith.constant 0 : index
      %get3A_49 = arith.constant 0 : index
      %get3A_50 = vector.load %arg6[%get3A_48, %get3A_49] : memref<1x1024xf32, #tpu.memory_space<vmem>>, vector<1x1024xf32>
      %add3A_51 = vector.broadcast %get3A_50 : vector<1x1024xf32> to vector<64x1024xf32>
      %add3A_52 = arith.addf %add3A_47, %add3A_51 : vector<64x1024xf32>
      %swap3A_53 = arith.constant 0 : index
      %swap3A_54 = arith.constant 0 : index
      %swap3A_55 = vector.load %arg7[%swap3A_53, %swap3A_54] : memref<64x1024xf32, #tpu.memory_space<vmem>>, vector<64x1024xf32>
      tpu.vector_store %arg7[%swap3A_53, %swap3A_54], %add3A_52 {strides = array<i32>} : memref<64x1024xf32, #tpu.memory_space<vmem>>, vector<64x1024xf32>,
    } else {
    }
    return
  }
  func.func @transform_0(%arg0: i32) -> (i32, i32) {
    %c0_i32 = arith.constant 0 : i32
    %c0_i32_0 = arith.constant 0 : i32
    %c0_i32_1 = arith.constant 0 : i32
    return %c0_i32, %c0_i32_0 : i32, i32
  }
  func.func @transform_1(%arg0: i32) -> (i32, i32) {
    %c0_i32 = arith.constant 0 : i32
    %c0_i32_0 = arith.constant 0 : i32
    %c0_i32_1 = arith.constant 0 : i32
    return %c0_i32, %c0_i32_0 : i32, i32
  }
  func.func @transform_2(%arg0: i32) -> (i32, i32) {
    %c0_i32 = arith.constant 0 : i32
    %c0_i32_0 = arith.constant 0 : i32
    return %arg0, %c0_i32 : i32, i32
  }
  func.func @transform_3(%arg0: i32) -> (i32, i32) {
    %c0_i32 = arith.constant 0 : i32
    %c0_i32_0 = arith.constant 0 : i32
    return %c0_i32, %arg0 : i32, i32
  }
  func.func @transform_4(%arg0: i32) -> (i32, i32) {
    %c0_i32 = arith.constant 0 : i32
    %c0_i32_0 = arith.constant 0 : i32
    return %c0_i32, %arg0 : i32, i32
  }
  func.func @transform_5(%arg0: i32) -> (i32, i32) {
    %c0_i32 = arith.constant 0 : i32
    %c0_i32_0 = arith.constant 0 : i32
    %c0_i32_1 = arith.constant 0 : i32
    return %c0_i32, %c0_i32_0 : i32, i32
  }
  func.func @transform_6(%arg0: i32) -> (i32, i32) {
    %c0_i32 = arith.constant 0 : i32
    %c0_i32_0 = arith.constant 0 : i32
    %c0_i32_1 = arith.constant 0 : i32
    return %c0_i32, %c0_i32_0 : i32, i32
  }
}

module attributes {stable_mosaic.version = 14 : i64} {
  func.func @_ffn_body(%arg0: i32, %arg1: memref<64x1024xf32, #tpu.memory_space<vmem>>, %arg2: memref<4x1024xf32, #tpu.memory_space<vmem>>, %arg3: memref<1024x1024xf32, #tpu.memory_space<vmem>>, %arg4: memref<1x1024xf32, #tpu.memory_space<vmem>>, %arg5: memref<1024x1024xf32, #tpu.memory_space<vmem>>, %arg6: memref<1x1024xf32, #tpu.memory_space<vmem>>, %arg7: memref<64x1024xf32, #tpu.memory_space<vmem>>, %arg8: memref<64x1024xf32, #tpu.memory_space<vmem>>, %arg9: memref<64x1024xf32, #tpu.memory_space<vmem>>) attributes {dimension_semantics = [#tpu.dimension_semantics<arbitrary>], iteration_bounds = array<i64: 4>, scalar_prefetch = 0 : i64, scratch_operands = 2 : i64, tpu.core_type = #tpu.core_type<tc>, window_params = [{pipeline_mode = #tpu.pipeline_mode<synchronous>, transform_indices = @transform_0, window_bounds = array<i64: 64, 1024>}, {pipeline_mode = #tpu.pipeline_mode<synchronous>, transform_indices = @transform_1, window_bounds = array<i64: 4, 1024>}, {transform_indices = @transform_2, window_bounds = array<i64: 1024, 1024>}, {transform_indices = @transform_3, window_bounds = array<i64: 1, 1024>}, {transform_indices = @transform_4, window_bounds = array<i64: 1024, 1024>}, {pipeline_mode = #tpu.pipeline_mode<synchronous>, transform_indices = @transform_5, window_bounds = array<i64: 1, 1024>}, {pipeline_mode = #tpu.pipeline_mode<synchronous>, transform_indices = @transform_6, window_bounds = array<i64: 64, 1024>}]} {
    %eq3A = arith.constant 0 : i32
    %eq3A_0 = arith.cmpi eq, %arg0, %eq3A : i32
    %convert_element_type3A = arith.extui %eq3A_0 : i1 to i32
    %cond3A = arith.constant 0 : i32
    %cond3A_1 = arith.cmpi ne, %convert_element_type3A, %cond3A : i32
    scf.if %cond3A_1 {
      %get3A_41 = arith.constant 0 : index
      %get3A_42 = arith.constant 0 : index
      %get3A_43 = vector.load %arg2[%get3A_41, %get3A_42] : memref<4x1024xf32, #tpu.memory_space<vmem>>, vector<4x1024xf32>
      %get3A_44 = arith.constant 0 : index
      %get3A_45 = arith.constant 0 : index
      %get3A_46 = vector.load %arg1[%get3A_44, %get3A_45] : memref<64x1024xf32, #tpu.memory_space<vmem>>, vector<64x1024xf32>
      %slice3A = vector.extract_strided_slice %get3A_43 {offsets = [0, 0], sizes = [1, 1024], strides = [1, 1]} : vector<4x1024xf32> to vector<1x1024xf32>
      %slice3A_47 = vector.extract_strided_slice %get3A_43 {offsets = [1, 0], sizes = [1, 1024], strides = [1, 1]} : vector<4x1024xf32> to vector<1x1024xf32>
      %reduce_sum3A = arith.constant dense<0.000000e+00> : vector<64xf32>
      %reduce_sum3A_48 = vector.multi_reduction <add>, %get3A_46, %reduce_sum3A [1] : vector<64x1024xf32> to vector<64xf32>
      %broadcast_in_dim3A = vector.shape_cast %reduce_sum3A_48 : vector<64xf32> to vector<64x1xf32>
      %div3A = arith.constant 1.024000e+03 : f32
      %div3A_49 = vector.broadcast %div3A : f32 to vector<64x1xf32>
      %div3A_50 = arith.divf %broadcast_in_dim3A, %div3A_49 : vector<64x1xf32>
      %sub3A = vector.broadcast %div3A_50 : vector<64x1xf32> to vector<64x1024xf32>
      %sub3A_51 = arith.subf %get3A_46, %sub3A : vector<64x1024xf32>
      %mul3A_52 = arith.mulf %sub3A_51, %sub3A_51 : vector<64x1024xf32>
      %reduce_sum3A_53 = arith.constant dense<0.000000e+00> : vector<64xf32>
      %reduce_sum3A_54 = vector.multi_reduction <add>, %mul3A_52, %reduce_sum3A_53 [1] : vector<64x1024xf32> to vector<64xf32>
      %broadcast_in_dim3A_55 = vector.shape_cast %reduce_sum3A_54 : vector<64xf32> to vector<64x1xf32>
      %div3A_56 = arith.constant 1.024000e+03 : f32
      %div3A_57 = vector.broadcast %div3A_56 : f32 to vector<64x1xf32>
      %div3A_58 = arith.divf %broadcast_in_dim3A_55, %div3A_57 : vector<64x1xf32>
      %add3A_59 = arith.constant 9.99999974E-6 : f32
      %add3A_60 = vector.broadcast %add3A_59 : f32 to vector<64x1xf32>
      %add3A_61 = arith.addf %div3A_58, %add3A_60 : vector<64x1xf32>
      %sqrt3A = math.sqrt %add3A_61 : vector<64x1xf32>
      %div3A_62 = vector.broadcast %sqrt3A : vector<64x1xf32> to vector<64x1024xf32>
      %div3A_63 = arith.divf %sub3A_51, %div3A_62 : vector<64x1024xf32>
      %mul3A_64 = vector.broadcast %slice3A : vector<1x1024xf32> to vector<64x1024xf32>
      %mul3A_65 = arith.mulf %div3A_63, %mul3A_64 : vector<64x1024xf32>
      %add3A_66 = vector.broadcast %slice3A_47 : vector<1x1024xf32> to vector<64x1024xf32>
      %add3A_67 = arith.addf %mul3A_65, %add3A_66 : vector<64x1024xf32>
      %swap3A_68 = arith.constant 0 : index
      %swap3A_69 = arith.constant 0 : index
      %swap3A_70 = vector.load %arg8[%swap3A_68, %swap3A_69] : memref<64x1024xf32, #tpu.memory_space<vmem>>, vector<64x1024xf32>
      tpu.vector_store %arg8[%swap3A_68, %swap3A_69], %add3A_67 {strides = array<i32>} : memref<64x1024xf32, #tpu.memory_space<vmem>>, vector<64x1024xf32>,
      %broadcast_in_dim3A_71 = arith.constant 0.000000e+00 : f32
      %broadcast_in_dim3A_72 = vector.broadcast %broadcast_in_dim3A_71 : f32 to vector<64x1024xf32>
      %swap3A_73 = arith.constant 0 : index
      %swap3A_74 = arith.constant 0 : index
      %swap3A_75 = vector.load %arg9[%swap3A_73, %swap3A_74] : memref<64x1024xf32, #tpu.memory_space<vmem>>, vector<64x1024xf32>
      tpu.vector_store %arg9[%swap3A_73, %swap3A_74], %broadcast_in_dim3A_72 {strides = array<i32>} : memref<64x1024xf32, #tpu.memory_space<vmem>>, vector<64x1024xf32>,
    } else {
    }
    %get3A = arith.constant 0 : index
    %get3A_2 = arith.constant 0 : index
    %get3A_3 = vector.load %arg8[%get3A, %get3A_2] : memref<64x1024xf32, #tpu.memory_space<vmem>>, vector<64x1024xf32>
    %convert_element_type3A_4 = arith.truncf %get3A_3 : vector<64x1024xf32> to vector<64x1024xbf16>
    %get3A_5 = arith.constant 0 : index
    %get3A_6 = arith.constant 0 : index
    %get3A_7 = vector.load %arg3[%get3A_5, %get3A_6] : memref<1024x1024xf32, #tpu.memory_space<vmem>>, vector<1024x1024xf32>
    %convert_element_type3A_8 = arith.truncf %get3A_7 : vector<1024x1024xf32> to vector<1024x1024xbf16>
    %dot_general3A = arith.constant dense<0.000000e+00> : vector<64x1024xf32>
    %dot_general3A_9 = tpu.matmul %convert_element_type3A_4, %convert_element_type3A_8, %dot_general3A {dimension_numbers = #tpu.dot_dimension_numbers<[1], [1], [0], [0], [0, 0, 1, 0], [], []>, transpose_lhs_hint = false} : vector<64x1024xbf16>, vector<1024x1024xbf16>, vector<64x1024xf32> -> vector<64x1024xf32>
    %get3A_10 = arith.constant 0 : index
    %get3A_11 = arith.constant 0 : index
    %get3A_12 = vector.load %arg4[%get3A_10, %get3A_11] : memref<1x1024xf32, #tpu.memory_space<vmem>>, vector<1x1024xf32>
    %add3A = vector.broadcast %get3A_12 : vector<1x1024xf32> to vector<64x1024xf32>
    %add3A_13 = arith.addf %dot_general3A_9, %add3A : vector<64x1024xf32>
    %mul3A = arith.constant 5.000000e-01 : f32
    %mul3A_14 = vector.broadcast %mul3A : f32 to vector<64x1024xf32>
    %mul3A_15 = arith.mulf %mul3A_14, %add3A_13 : vector<64x1024xf32>
    %mul3A_16 = arith.constant 0.707106769 : f32
    %mul3A_17 = vector.broadcast %mul3A_16 : f32 to vector<64x1024xf32>
    %mul3A_18 = arith.mulf %add3A_13, %mul3A_17 : vector<64x1024xf32>
    %erf3A = math.erf %mul3A_18 : vector<64x1024xf32>
    %add3A_19 = arith.constant 1.000000e+00 : f32
    %add3A_20 = vector.broadcast %add3A_19 : f32 to vector<64x1024xf32>
    %add3A_21 = arith.addf %add3A_20, %erf3A : vector<64x1024xf32>
    %mul3A_22 = arith.mulf %mul3A_15, %add3A_21 : vector<64x1024xf32>
    %get3A_23 = arith.constant 0 : index
    %get3A_24 = arith.constant 0 : index
    %get3A_25 = vector.load %arg9[%get3A_23, %get3A_24] : memref<64x1024xf32, #tpu.memory_space<vmem>>, vector<64x1024xf32>
    %convert_element_type3A_26 = arith.truncf %mul3A_22 : vector<64x1024xf32> to vector<64x1024xbf16>
    %get3A_27 = arith.constant 0 : index
    %get3A_28 = arith.constant 0 : index
    %get3A_29 = vector.load %arg5[%get3A_27, %get3A_28] : memref<1024x1024xf32, #tpu.memory_space<vmem>>, vector<1024x1024xf32>
    %convert_element_type3A_30 = arith.truncf %get3A_29 : vector<1024x1024xf32> to vector<1024x1024xbf16>
    %dot_general3A_31 = arith.constant dense<0.000000e+00> : vector<64x1024xf32>
    %dot_general3A_32 = tpu.matmul %convert_element_type3A_26, %convert_element_type3A_30, %dot_general3A_31 {dimension_numbers = #tpu.dot_dimension_numbers<[1], [1], [0], [0], [0, 0, 1, 0], [], []>, transpose_lhs_hint = false} : vector<64x1024xbf16>, vector<1024x1024xbf16>, vector<64x1024xf32> -> vector<64x1024xf32>
    %add3A_33 = arith.addf %get3A_25, %dot_general3A_32 : vector<64x1024xf32>
    %swap3A = arith.constant 0 : index
    %swap3A_34 = arith.constant 0 : index
    %swap3A_35 = vector.load %arg9[%swap3A, %swap3A_34] : memref<64x1024xf32, #tpu.memory_space<vmem>>, vector<64x1024xf32>
    tpu.vector_store %arg9[%swap3A, %swap3A_34], %add3A_33 {strides = array<i32>} : memref<64x1024xf32, #tpu.memory_space<vmem>>, vector<64x1024xf32>,
    %eq3A_36 = arith.constant 3 : i32
    %eq3A_37 = arith.cmpi eq, %arg0, %eq3A_36 : i32
    %convert_element_type3A_38 = arith.extui %eq3A_37 : i1 to i32
    %cond3A_39 = arith.constant 0 : i32
    %cond3A_40 = arith.cmpi ne, %convert_element_type3A_38, %cond3A_39 : i32
    scf.if %cond3A_40 {
      %get3A_41 = arith.constant 0 : index
      %get3A_42 = arith.constant 0 : index
      %get3A_43 = vector.load %arg1[%get3A_41, %get3A_42] : memref<64x1024xf32, #tpu.memory_space<vmem>>, vector<64x1024xf32>
      %get3A_44 = arith.constant 0 : index
      %get3A_45 = arith.constant 0 : index
      %get3A_46 = vector.load %arg9[%get3A_44, %get3A_45] : memref<64x1024xf32, #tpu.memory_space<vmem>>, vector<64x1024xf32>
      %add3A_47 = arith.addf %get3A_43, %get3A_46 : vector<64x1024xf32>
      %get3A_48 = arith.constant 0 : index
      %get3A_49 = arith.constant 0 : index
      %get3A_50 = vector.load %arg6[%get3A_48, %get3A_49] : memref<1x1024xf32, #tpu.memory_space<vmem>>, vector<1x1024xf32>
      %add3A_51 = vector.broadcast %get3A_50 : vector<1x1024xf32> to vector<64x1024xf32>
      %add3A_52 = arith.addf %add3A_47, %add3A_51 : vector<64x1024xf32>
      %get3A_53 = arith.constant 0 : index
      %get3A_54 = arith.constant 0 : index
      %get3A_55 = vector.load %arg2[%get3A_53, %get3A_54] : memref<4x1024xf32, #tpu.memory_space<vmem>>, vector<4x1024xf32>
      %slice3A = vector.extract_strided_slice %get3A_55 {offsets = [2, 0], sizes = [1, 1024], strides = [1, 1]} : vector<4x1024xf32> to vector<1x1024xf32>
      %slice3A_56 = vector.extract_strided_slice %get3A_55 {offsets = [3, 0], sizes = [1, 1024], strides = [1, 1]} : vector<4x1024xf32> to vector<1x1024xf32>
      %reduce_sum3A = arith.constant dense<0.000000e+00> : vector<64xf32>
      %reduce_sum3A_57 = vector.multi_reduction <add>, %add3A_52, %reduce_sum3A [1] : vector<64x1024xf32> to vector<64xf32>
      %broadcast_in_dim3A = vector.shape_cast %reduce_sum3A_57 : vector<64xf32> to vector<64x1xf32>
      %div3A = arith.constant 1.024000e+03 : f32
      %div3A_58 = vector.broadcast %div3A : f32 to vector<64x1xf32>
      %div3A_59 = arith.divf %broadcast_in_dim3A, %div3A_58 : vector<64x1xf32>
      %sub3A = vector.broadcast %div3A_59 : vector<64x1xf32> to vector<64x1024xf32>
      %sub3A_60 = arith.subf %add3A_52, %sub3A : vector<64x1024xf32>
      %mul3A_61 = arith.mulf %sub3A_60, %sub3A_60 : vector<64x1024xf32>
      %reduce_sum3A_62 = arith.constant dense<0.000000e+00> : vector<64xf32>
      %reduce_sum3A_63 = vector.multi_reduction <add>, %mul3A_61, %reduce_sum3A_62 [1] : vector<64x1024xf32> to vector<64xf32>
      %broadcast_in_dim3A_64 = vector.shape_cast %reduce_sum3A_63 : vector<64xf32> to vector<64x1xf32>
      %div3A_65 = arith.constant 1.024000e+03 : f32
      %div3A_66 = vector.broadcast %div3A_65 : f32 to vector<64x1xf32>
      %div3A_67 = arith.divf %broadcast_in_dim3A_64, %div3A_66 : vector<64x1xf32>
      %add3A_68 = arith.constant 9.99999974E-6 : f32
      %add3A_69 = vector.broadcast %add3A_68 : f32 to vector<64x1xf32>
      %add3A_70 = arith.addf %div3A_67, %add3A_69 : vector<64x1xf32>
      %sqrt3A = math.sqrt %add3A_70 : vector<64x1xf32>
      %div3A_71 = vector.broadcast %sqrt3A : vector<64x1xf32> to vector<64x1024xf32>
      %div3A_72 = arith.divf %sub3A_60, %div3A_71 : vector<64x1024xf32>
      %mul3A_73 = vector.broadcast %slice3A : vector<1x1024xf32> to vector<64x1024xf32>
      %mul3A_74 = arith.mulf %div3A_72, %mul3A_73 : vector<64x1024xf32>
      %add3A_75 = vector.broadcast %slice3A_56 : vector<1x1024xf32> to vector<64x1024xf32>
      %add3A_76 = arith.addf %mul3A_74, %add3A_75 : vector<64x1024xf32>
      %swap3A_77 = arith.constant 0 : index
      %swap3A_78 = arith.constant 0 : index
      %swap3A_79 = vector.load %arg7[%swap3A_77, %swap3A_78] : memref<64x1024xf32, #tpu.memory_space<vmem>>, vector<64x1024xf32>
      tpu.vector_store %arg7[%swap3A_77, %swap3A_78], %add3A_76 {strides = array<i32>} : memref<64x1024xf32, #tpu.memory_space<vmem>>, vector<64x1024xf32>,
    } else {
    }
    return
  }
  func.func @transform_0(%arg0: i32) -> (i32, i32) {
    %c0_i32 = arith.constant 0 : i32
    %c0_i32_0 = arith.constant 0 : i32
    %c0_i32_1 = arith.constant 0 : i32
    return %c0_i32, %c0_i32_0 : i32, i32
  }
  func.func @transform_1(%arg0: i32) -> (i32, i32) {
    %c0_i32 = arith.constant 0 : i32
    %c0_i32_0 = arith.constant 0 : i32
    %c0_i32_1 = arith.constant 0 : i32
    return %c0_i32, %c0_i32_0 : i32, i32
  }
  func.func @transform_2(%arg0: i32) -> (i32, i32) {
    %c0_i32 = arith.constant 0 : i32
    %c0_i32_0 = arith.constant 0 : i32
    return %arg0, %c0_i32 : i32, i32
  }
  func.func @transform_3(%arg0: i32) -> (i32, i32) {
    %c0_i32 = arith.constant 0 : i32
    %c0_i32_0 = arith.constant 0 : i32
    return %c0_i32, %arg0 : i32, i32
  }
  func.func @transform_4(%arg0: i32) -> (i32, i32) {
    %c0_i32 = arith.constant 0 : i32
    %c0_i32_0 = arith.constant 0 : i32
    return %c0_i32, %arg0 : i32, i32
  }
  func.func @transform_5(%arg0: i32) -> (i32, i32) {
    %c0_i32 = arith.constant 0 : i32
    %c0_i32_0 = arith.constant 0 : i32
    %c0_i32_1 = arith.constant 0 : i32
    return %c0_i32, %c0_i32_0 : i32, i32
  }
  func.func @transform_6(%arg0: i32) -> (i32, i32) {
    %c0_i32 = arith.constant 0 : i32
    %c0_i32_0 = arith.constant 0 : i32
    %c0_i32_1 = arith.constant 0 : i32
    return %c0_i32, %c0_i32_0 : i32, i32
  }
}

</mosaic_0001>

<sc_bundles>
// kernel: kernel.10.cloned.1.call-start
scs
__scs_entry_jumppad:
0x0: {  	(pc) =	sbr.rel $0x88, $3  }
0x1: {  	(tag) =	ssettag $0x0;
	lr =	simm.s32 $0x1  }
0x2: {  	[smem:$0x3F7A] =	sst lr;
	_ =	strace $0xD0000000  }
0x3: {  	_ = 	snop  }
0x4: {  	_ = 	snop  }
0x5: {  	_ = 	snop  }
0x6: {  	_ = 	snop  }
0x7: {  	_ = 	snop  }
__scs_overlays_trampoline_lowered:
0x8: {  	[smem:$0x3F89] =	sst s0  }
0x9: {  	[smem:$0x3F8A] =	sst s1  }
0xa: {  	[smem:$0x3F8B] =	sst s2  }
0xb: {  	[smem:$0x3F8C] =	sst s3  }
0xc: {  	[smem:$0x3F8D] =	sst s4  }
0xd: {  	[smem:$0x3F8E] =	sst s5  }
0xe: {  	[smem:$0x3F8F] =	sst s6  }
0xf: {  	[smem:$0x3F90] =	sst s7  }
0x10: {  	[smem:$0x3F91] =	sst s8  }
0x11: {  	[smem:$0x3F92] =	sst s9;
	s0 =	simm.s32 @!p0 $0x0  }
0x12: {  	s1 =	sld [smem:$0x3F78];
	s0 =	simm.s32 @p0 $0x1  }
0x13: {  	[smem:$0x3F93] =	sst s0;
	s0 =	simm.s32 @!p1 $0x0  }
0x14: {  	s2 =	sld [smem:$0x3F77];
	s0 =	simm.s32 @p1 $0x1  }
0x15: {  	[smem:$0x3F94] =	sst s0;
	s0 =	simm.s32 @!p2 $0x0  }
0x16: {  	s3 =	sld [smem:$0x3FDB];
	s0 =	simm.s32 @p2 $0x1  }
0x17: {  	s4 =	simm.s32 $0x1BF5;
	[smem:$0x3F96] =	sst s0  }
0x18: {  	s0 =	sld [smem:$0x3F79];
	_ =	swait.ge [sflag:s4], $0x0  }
0x19: {  	s7 =	sld [smem:$0x3F7A]  }
0x1a: {  	s8 =	sadd.s32 $0xFFFFE003, lr  }
0x1b: {  	s9 =	sadd.s32 $0xFFFFFEF7, lr;
	s5 =	simm.s32 $0xFFFFFFFF;
	p2 =	slt.u32 s8, $0xFFFFF086  }
0x1c: {  	p1 =	slt.u32 s9, $0xF7A;
	s5 =	simm.s32 @!p2 $0x0  }
0x1d: {  	s5 =	simm.s32 @p1 $0x1;
	p0 =	seq.s32 s7, s2  }
0x1e: {  	s7 =	smul.u32 @!p0 $0xF7A, s2;
	p2 =	seq.s32 @!p0 s5, $0x0  }
0x1f: {  	s9 =	smul.u32 $0xF7A, s1;
	s8 =	simm.s32 @!p0 $0x1BF5;
	p2 =	por !p2, p0  }
0x20: {  	[sflag:s8] =	ssyncset.s32 @!p0 $0xFFFFF086;
	s6 =	sadd.s32 @!p0 s3, s7;
	s7 =	simm.s32 @!p0 $0x108  }
0x21: {  	s3 =	sadd.s32 s3, s9;
	s6 =	sadd.s32 @!p0 $0x88, s6;
	s7 =	simm.s32 @p2 $0x1082  }
0x22: {  	[simem:s7], [sflag:s8] =	dma.local @!p0 [hbm:s6], $0xF7A  }
0x23: {  	s9 =	sor.u32 $0xD0000000, s2;
	s6 =	simm.s32 $0x108;
	_ =	swait.ge @!p0 [sflag:s8], $0x0  }
0x24: {  	s3 =	sadd.s32 $0x88, s3;
	s6 =	simm.s32 @!p1 $0x1082;
	[sflag:s4] =	ssyncset.s32 $0xFFFFF086  }
0x25: {  	[simem:s6], [sflag:s4] =	dma.local [hbm:s3], $0xF7A  }
0x26: {  	[smem:$0x3F7A] =	sst s1;
	(tag) =	ssettag s2;
	_ =	strace s9  }
0x27: {  	s1 =	sld [smem:$0x3F8A]  }
0x28: {  	s2 =	sld [smem:$0x3F8B]  }
0x29: {  	s4 =	sld [smem:$0x3F8D]  }
0x2a: {  	p0 =	seq.s32 s5, $0x0;
	s5 =	sld [smem:$0x3F8E]  }
0x2b: {  	s6 =	sld [smem:$0x3F8F]  }
0x2c: {  	s7 =	sld [smem:$0x3F90]  }
0x2d: {  	s3 =	simm.s32 $0x108;
	s8 =	sld [smem:$0x3F91]  }
0x2e: {  	s3 =	simm.s32 @!p0 $0x1082;
	s9 =	sld [smem:$0x3F92]  }
0x2f: {  	lr =	sadd.s32 s0, s3;
	s0 =	sld [smem:$0x3F89]  }
0x30: {  	s3 =	sld [smem:$0x3F8C]  }
0x31: {  	[smem:$0x3F95] =	sst s10  }
0x32: {  	s10 =	sld [smem:$0x3F93];
	_ =	sdelay $0x3  }
0x33: {  	p0 =	seq.s32 s10, $0x1;
	s10 =	sld [smem:$0x3F95];
	_ =	sdelay $0x3  }
0x34: {  	[smem:$0x3F95] =	sst s10  }
0x35: {  	s10 =	sld [smem:$0x3F94];
	_ =	sdelay $0x3  }
0x36: {  	p1 =	seq.s32 s10, $0x1;
	s10 =	sld [smem:$0x3F95];
	_ =	sdelay $0x3  }
0x37: {  	[smem:$0x3F95] =	sst s10  }
0x38: {  	s10 =	sld [smem:$0x3F96]  }
0x39: {  	_ = 	snop;
	(pc) =	sbr.ind lr, $3  }
0x3a: {  	_ = 	snop  }
0x3b: {  	_ = 	snop  }
0x3c: {  	p2 =	seq.s32 s10, $0x1;
	s10 =	sld [smem:$0x3F95]  }
0x3d: {  	_ =	shalt  }
0x3e: {  	_ =	shalt  }
0x3f: {  	_ =	shalt  }
0x40: {  	_ =	shalt  }
0x41: {  	_ =	shalt  }
0x42: {  	_ =	shalt  }
0x43: {  	_ =	shalt  }
0x44: {  	_ =	shalt  }
0x45: {  	_ =	shalt  }
0x46: {  	_ =	shalt  }
0x47: {  	_ =	shalt  }
0x48: {  	_ =	shalt  }
0x49: {  	_ =	shalt  }
0x4a: {  	_ =	shalt  }
0x4b: {  	_ =	shalt  }
0x4c: {  	_ =	shalt  }
0x4d: {  	_ =	shalt  }
0x4e: {  	_ =	shalt  }
0x4f: {  	_ =	shalt  }
0x50: {  	_ =	shalt  }
0x51: {  	_ =	shalt  }
0x52: {  	_ =	shalt  }
0x53: {  	_ =	shalt  }
0x54: {  	_ =	shalt  }
0x55: {  	_ =	shalt  }
0x56: {  	_ =	shalt  }
0x57: {  	_ =	shalt  }
0x58: {  	_ =	shalt  }
0x59: {  	_ =	shalt  }
0x5a: {  	_ =	shalt  }
0x5b: {  	_ =	shalt  }
0x5c: {  	_ =	shalt  }
0x5d: {  	_ =	shalt  }
0x5e: {  	_ =	shalt  }
0x5f: {  	_ =	shalt  }
0x60: {  	_ =	shalt  }
0x61: {  	_ =	shalt  }
0x62: {  	_ =	shalt  }
0x63: {  	_ =	shalt  }
0x64: {  	_ =	shalt  }
0x65: {  	_ =	shalt  }
0x66: {  	_ =	shalt  }
0x67: {  	_ =	shalt  }
0x68: {  	_ =	shalt  }
0x69: {  	_ =	shalt  }
0x6a: {  	_ =	shalt  }
0x6b: {  	_ =	shalt  }
0x6c: {  	_ =	shalt  }
0x6d: {  	_ =	shalt  }
0x6e: {  	_ =	shalt  }
0x6f: {  	_ =	shalt  }
0x70: {  	_ =	shalt  }
0x71: {  	_ =	shalt  }
0x72: {  	_ =	shalt  }
0x73: {  	_ =	shalt  }
0x74: {  	_ =	shalt  }
0x75: {  	_ =	shalt  }
0x76: {  	_ =	shalt  }
0x77: {  	_ =	shalt  }
0x78: {  	_ =	shalt  }
0x79: {  	_ =	shalt  }
0x7a: {  	_ =	shalt  }
0x7b: {  	_ =	shalt  }
0x7c: {  	_ =	shalt  }
0x7d: {  	_ =	shalt  }
0x7e: {  	_ =	shalt  }
0x7f: {  	_ =	shalt  }
0x80: {  	_ =	shalt  }
0x81: {  	_ =	shalt  }
0x82: {  	_ =	shalt  }
0x83: {  	_ =	shalt  }
0x84: {  	_ =	shalt  }
0x85: {  	_ =	shalt  }
0x86: {  	_ =	shalt  }
0x87: {  	_ =	shalt  }
.Lfunc_end0:
.L_simem_size_0:
called_computation_lowered:
.L_overlay_start_0:
0x88: {  	s2 =	sld [smem:$0x3FD9]  }
0x89: {  	s3 =	sld [smem:$0x3FFE];
	_ =	sdelay $0x1  }
0x8a: {  	s1 =	srdreg.scid  }
0x8b: {  	s0 =	sand.u32 $0x1, s1  }
0x8c: {  	s14 =	sshll.u32 s0, $0xA;
	s2 =	sadd.s32 s3, s2  }
0x8d: {  	s2 =	sadd.s32 s2, s14  }
0x8e: {  	[smem:$0x3FA1] =	sst s2  }
0x8f: {  	_ = 	snop  }
0x90: {  	s2 =	sld [smem:$0x3FD0];
	_ =	sdelay $0x2  }
0x91: {  	s4 =	simm.s32 $0xA;
	s5 =	simm.s32 $0x10;
	s15 =	sld [smem:$0x3FC9]  }
0x92: {  	[smem:s5], [sflag:s4] =	dma.local [hbm:s2], $0x1  }
0x93: {  	_ =	swait.eq [sflag:s4], $0x1  }
0x94: {  	[sflag:s4] =	ssyncset.done $0x0  }
0x95: {  	[sflag:s4] =	ssyncadd.s32 $0xFFFFFFFF  }
0x96: {  	s16 =	sld [smem:$0x10];
	(tm) =	ssettm $0x1  }
0x97: {  	s17 =	sld [smem:$0x3FFB];
	_ =	sdelay $0x3  }
0x98: {  	_ =	strace s17  }
0x99: {  	s4 =	sld [smem:$0x3FFC];
	_ =	sdelay $0x3  }
0x9a: {  	_ =	strace s4  }
0x9b: {  	s4 =	sld [smem:$0x3FFD];
	_ =	sdelay $0x3  }
0x9c: {  	_ =	strace s4  }
0x9d: {  	_ =	strace $0x8FFFFFFF  }
0x9e: {  	s18 =	sld [smem:$0x3FDB];
	_ =	sdelay $0x1  }
0x9f: {  	s19 =	simm.s32 $_scs_section_size  }
0xa0: {  	s6 =	simm.s32 $_size__tile_overlayer_lowered;
	s7 =	simm.s32 $_tile_overlayer_lowered  }
0xa1: {  	s22 =	simm.s32 $0x1BFF;
	s21 =	sshll.u32 s7, $0x1;
	s4 =	sadd.s32 s19, s18  }
0xa2: {  	s8 =	simm.s32 $0x0;
	s20 =	sshll.u32 s6, $0x1;
	s6 =	sadd.s32 s21, s4  }
0xa3: {  	[timem:s8], [sflag:s22] =	dma.local [hbm:s6], s20  }
0xa4: {  	_ =	swait.ge [sflag:s22], s20  }
0xa5: {  	s5 =	ssub.s32 $0x0, s20;
	[sflag:s22] =	ssyncset.done $0x0  }
0xa6: {  	[sflag:s22] =	ssyncadd.s32 s5;
	_ =	sdelay $0x1  }
0xa7: {  	s23 =	simm.s32 $0x1B8B  }
0xa8: {  	_ =	swait.ge [sflag:s23], $0x1  }
0xa9: {  	[sflag:s23] =	ssyncset.done $0x0  }
0xaa: {  	s25 =	simm.s32 $0x1B8E;
	s24 =	sld [smem:$0x3FFE];
	[sflag:s23] =	ssyncadd.s32 $0xFFFFFFFF  }
0xab: {  	s26 =	simm.s32 $execute0_lowered;
	[smem:$0x3FD2] =	sst s25  }
0xac: {  	s6 =	sshll.u32 s26, $0x1;
	_ =	strace $0x80000046;
	[dreg:$0x1] =	wrdreg $0xFFFFFFFF  }
0xad: {  	s28 =	simm.s32 $_size_execute0_lowered;
	s4 =	sadd.s32 s4, s6;
	[dreg:$0x0] =	wrdreg $0x0  }
0xae: {  	s6 =	sshll.u32 s28, $0x1;
	[dreg:$0x2] =	wrdreg s4  }
0xaf: {  	[dreg:$0x3] =	wrdreg s6  }
0xb0: {  	[dreg:$0x4] =	wrdreg $0xC0  }
0xb1: {  	_ =	task [dreg:s8], $0x5FFFF  }
0xb2: {  	[dreg:$0x1] =	wrdreg $0xFFFFFFFF  }
0xb3: {  	[dreg:$0x0] =	wrdreg $0x60  }
0xb4: {  	[dreg:$0x2] =	wrdreg s15  }
0xb5: {  	[dreg:$0x3] =	wrdreg s16  }
0xb6: {  	[dreg:$0x4] =	wrdreg s24  }
0xb7: {  	[dreg:$0x5] =	wrdreg $0x9  }
0xb8: {  	_ =	task.clear_ibuf [dreg:s8], $0x6FFFF;
	_ =	strace $0x90000046  }
0xb9: {  	s29 =	simm.s32 $0x9;
	_ =	strace $0x80000048  }
0xba: {  	_ =	swait.ge [sflag:s29], $0x1  }
0xbb: {  	[sflag:s29] =	ssyncadd.s32 $0xFFFFFFFF  }
0xbc: {  	_ =	strace $0x90000048  }
0xbd: {  	_ =	sfence  }
0xbe: {  	s30 =	sld [smem:$0x0];
	_ =	sdelay $0x2  }
0xbf: {  	s31 =	sshll.u32 s1, $0xD;
	s1 =	sshrl.u32 s1, $0x2  }
0xc0: {  	s3 =	sand.u32 $0x4000, s31;
	s1 =	sadd.s32 s1, s30  }
0xc1: {  	s0 =	sor.u32 s3, s0;
	s1 =	sshll.u32 s1, $0x11  }
0xc2: {  	s0 =	sor.u32 s1, s0  }
0xc3: {  	s0 =	sadd.s32 $0x8F2B, s0  }
0xc4: {  	[sflag:s0] =	ssyncadd.remote.s32 $0x1  }
0xc5: {  	_ =	sfence.sel $0xFFFF  }
0xc6: {  	[dreg:$0x0] =	wrdreg $0xFFFFFFFF;
	(pc) =	sbr.abs _section_cstart, $3  }
0xc7: {  	[dreg:$0x1] =	wrdreg $0xFFFFFFFF  }
0xc8: {  	_ =	task.clear_ibuf [dreg:s8], $0x2FFFF;
	_ =	strace $0x9FFFFFFF  }
0xc9: {  	(tm) =	ssettm $0x7FFFFFFF  }
tec
execute0_lowered:
.L_overlay_start_1:
0x0: {  	(tag) =	ssettag $0x1  }
0x1: {  	s1 =	rddreg [dreg:$0x0]  }
0x2: {  	s2 =	srdreg.scid;
	s4 =	rddreg [dreg:$0x1]  }
0x3: {  	s0 =	stileid.u32;
	s5 =	rddreg [dreg:$0x2];
	s3 =	simm.s32 $0x0  }
0x4: {  	s17 =	simm.s32 $0x880;
	s18 =	simm.s32 $0x1080;
	s19 =	simm.s32 $0x1880  }
0x5: {  	s21 =	simm.s32 $0x2080;
	s22 =	simm.s32 $0x2880;
	s23 =	simm.s32 $0x3080  }
0x6: {  	s24 =	simm.s32 $0x3880;
	s8 =	simm.s32 $0x4080;
	[smem:$0x7FF] =	sst s3  }
0x7: {  	s25 =	simm.s32 $0x4880;
	_ =	strace $0x80000047;
	[dreg:$0x6] =	wrdreg s17  }
0x8: {  	s26 =	simm.s32 $0x5080;
	s9 =	simm.s32 $0x80;
	[dreg:$0x7] =	wrdreg s18  }
0x9: {  	s11 =	simm.s32 $0x6080;
	s12 =	simm.s32 $0x6880;
	[dreg:$0x8] =	wrdreg s19  }
0xa: {  	s13 =	simm.s32 $0x7080;
	s14 =	simm.s32 $0x7880;
	[dreg:$0x9] =	wrdreg s21  }
0xb: {  	s15 =	simm.s32 $0x8080;
	s28 =	simm.s32 $0xE080;
	[dreg:$0xa] =	wrdreg s22  }
0xc: {  	s29 =	simm.s32 $0xE880;
	s30 =	simm.s32 $0xF080;
	[dreg:$0xb] =	wrdreg s23  }
0xd: {  	s31 =	simm.s32 $0xF880;
	s2 =	sand.u32 $0x1, s2;
	[dreg:$0xc] =	wrdreg s24  }
0xe: {  	s6 =	sshll.u32 s0, $0x7;
	s7 =	sshll.u32 s2, $0x6;
	[dreg:$0xd] =	wrdreg s8  }
0xf: {  	s2 =	ssub.s32 $0x2, s2;
	s8 =	simm.s32 $0x2;
	[dreg:$0xe] =	wrdreg s25  }
0x10: {  	[dreg:$0xf] =	wrdreg s26;
	s17 =	simm.s32 $0x9080;
	s18 =	simm.s32 $0x9880  }
0x11: {  	s19 =	simm.s32 $0xA080;
	s21 =	simm.s32 $0xB080;
	s22 =	simm.s32 $0xB880  }
0x12: {  	s23 =	simm.s32 $0xC080;
	s24 =	simm.s32 $0xC880;
	s25 =	simm.s32 $0xD080  }
0x13: {  	s26 =	simm.s32 $0xD880;
	s6 =	sor.u32 s7, s6;
	s20 =	sshrl.u32 s2, $0x1  }
0x14: {  	s7 =	sshll.u32 s6, $0x7;
	s6 =	sshrl.u32 s6, $0x3;
	s2 =	ssub.s32 s2, s20  }
0x15: {  	s20 =	simm.s32 $0xA880;
	s5 =	sadd.s32 s7, s5;
	s4 =	sadd.s32 s4, s6  }
0x16: {  	v2 =	vlaneseq.u32;
	s6 =	sadd.s32 $0x300, s1;
	s7 =	smax.u32 s2, $0x1;
	s2 =	simm.s32 $0x1  }
0x17: {  	vm0 =	vmmov $0xffff;
	v1 =	vshrl.u32 v2, $0x3;
	[dreg:$0x4] =	wrdreg s4;
	s16 =	sadd.s32 $0x5000, s5;
	s4 =	sadd.s32 $0x100, s1  }
0x18: {  	v0 =	vand.u32 $0x7, v2;
	v2 =	vor.u32 $0x8, v2;
	v1 =	vmul.u32 $0x8, v1;
	s5 =	sadd.s32 $0x200, s1;
	[dreg:$0x5] =	wrdreg s16;
	s16 =	simm.s32 $0x8880  }
.LBB2_1:
0x19: {  	s0 =	rddreg [dreg:$0x4]  }
0x1a: {  	[tilespmem:s3], [sflag:$0x2] =	stream.linear.gather [hbm4b:s0+s3], $0x40, $0x38;
	[tilespmem:$0x10080] =	vst v63  }
0x1b: {  	_ =	swait.ge [sflag:s8], $0x40  }
0x1c: {  	[sflag:s8] =	ssyncset.done $0x0  }
0x1d: {  	[sflag:s8] =	ssyncadd.s32 $0xFFFFFFC0  }
0x1e: {  	v3 =	vld [tilespmem:$0x0];
	_ =	sdelay $0x4  }
0x1f: {  	v4 =	vshll.u32 v3, $0x3  }
0x20: {  	v3 =	vand.u32 $0x7, v3;
	v4 =	vand.u32 $0xFFFFFFC0, v4  }
0x21: {  	v3 =	vor.u32 v3, v4  }
0x22: {  	v4 =	vperm.xlane v3, v0;
	_ =	sdelay $0x1  }
0x23: {  	v4 =	vadd.s32 v1, v4;
	_ =	sdelay $0x4  }
0x24: {  	[tilespmem:s9], [sflag:$0x1] =	stream.indirect_vreg.gather [hbm4b:s1+s3], $0x80, v4, vm0, $0xb8;
	[tilespmem:$0x10080] =	vst v63  }
0x25: {  	s0 =	rddreg [dreg:$0x6];
	v3 =	vperm.xlane v3, v2  }
0x26: {  	[tilespmem:s0], [sflag:$0x1] =	stream.indirect_vreg.gather [hbm4b:s4+s3], $0x80, v4, vm0, $0xb8;
	[tilespmem:$0x10080] =	vst v63  }
0x27: {  	s10 =	rddreg [dreg:$0x7];
	v3 =	vadd.s32 v1, v3  }
0x28: {  	[tilespmem:s10], [sflag:$0x1] =	stream.indirect_vreg.gather [hbm4b:s5+s3], $0x80, v4, vm0, $0xb8;
	[tilespmem:$0x10080] =	vst v63  }
0x29: {  	s0 =	rddreg [dreg:$0x8]  }
0x2a: {  	[tilespmem:s0], [sflag:$0x1] =	stream.indirect_vreg.gather [hbm4b:s6+s3], $0x80, v4, vm0, $0xb8;
	[tilespmem:$0x10080] =	vst v63  }
0x2b: {  	s10 =	rddreg [dreg:$0x9]  }
0x2c: {  	[tilespmem:s10], [sflag:$0x1] =	stream.indirect_vreg.gather [hbm4b:s1+s3], $0x80, v3, vm0, $0xb8;
	[tilespmem:$0x10080] =	vst v63  }
0x2d: {  	s0 =	rddreg [dreg:$0xa]  }
0x2e: {  	[tilespmem:s0], [sflag:$0x1] =	stream.indirect_vreg.gather [hbm4b:s4+s3], $0x80, v3, vm0, $0xb8;
	[tilespmem:$0x10080] =	vst v63  }
0x2f: {  	s10 =	rddreg [dreg:$0xb]  }
0x30: {  	[tilespmem:s10], [sflag:$0x1] =	stream.indirect_vreg.gather [hbm4b:s5+s3], $0x80, v3, vm0, $0xb8;
	[tilespmem:$0x10080] =	vst v63  }
0x31: {  	s0 =	rddreg [dreg:$0xc]  }
0x32: {  	[tilespmem:s0], [sflag:$0x1] =	stream.indirect_vreg.gather [hbm4b:s6+s3], $0x80, v3, vm0, $0xb8;
	[tilespmem:$0x10080] =	vst v63  }
0x33: {  	v3 =	vld [tilespmem:$0x10];
	_ =	sdelay $0x4  }
0x34: {  	v61 =	vshll.u32 v3, $0x3  }
0x35: {  	v3 =	vand.u32 $0x7, v3;
	v4 =	vand.u32 $0xFFFFFFC0, v61  }
0x36: {  	v3 =	vor.u32 v3, v4  }
0x37: {  	v4 =	vperm.xlane v3, v0;
	_ =	sdelay $0x1  }
0x38: {  	v4 =	vadd.s32 v1, v4;
	_ =	sdelay $0x3  }
0x39: {  	s0 =	rddreg [dreg:$0xd]  }
0x3a: {  	[tilespmem:s0], [sflag:$0x1] =	stream.indirect_vreg.gather [hbm4b:s1+s3], $0x80, v4, vm0, $0xb8;
	[tilespmem:$0x10080] =	vst v63  }
0x3b: {  	s10 =	rddreg [dreg:$0xe];
	v3 =	vperm.xlane v3, v2  }
0x3c: {  	[tilespmem:s10], [sflag:$0x1] =	stream.indirect_vreg.gather [hbm4b:s4+s3], $0x80, v4, vm0, $0xb8;
	[tilespmem:$0x10080] =	vst v63  }
0x3d: {  	v3 =	vadd.s32 v1, v3;
	s0 =	rddreg [dreg:$0xf]  }
0x3e: {  	[tilespmem:s0], [sflag:$0x1] =	stream.indirect_vreg.gather [hbm4b:s5+s3], $0x80, v4, vm0, $0xb8;
	[tilespmem:$0x10080] =	vst v63  }
0x3f: {  	s10 =	simm.s32 $0x5880  }
0x40: {  	[tilespmem:s10], [sflag:$0x1] =	stream.indirect_vreg.gather [hbm4b:s6+s3], $0x80, v4, vm0, $0xb8;
	[tilespmem:$0x10080] =	vst v63  }
0x41: {  	_ = 	snop  }
0x42: {  	[tilespmem:s11], [sflag:$0x1] =	stream.indirect_vreg.gather [hbm4b:s1+s3], $0x80, v3, vm0, $0xb8;
	[tilespmem:$0x10080] =	vst v63  }
0x43: {  	_ = 	snop  }
0x44: {  	[tilespmem:s12], [sflag:$0x1] =	stream.indirect_vreg.gather [hbm4b:s4+s3], $0x80, v3, vm0, $0xb8;
	[tilespmem:$0x10080] =	vst v63  }
0x45: {  	_ = 	snop  }
0x46: {  	[tilespmem:s13], [sflag:$0x1] =	stream.indirect_vreg.gather [hbm4b:s5+s3], $0x80, v3, vm0, $0xb8;
	[tilespmem:$0x10080] =	vst v63  }
0x47: {  	_ = 	snop  }
0x48: {  	[tilespmem:s14], [sflag:$0x1] =	stream.indirect_vreg.gather [hbm4b:s6+s3], $0x80, v3, vm0, $0xb8;
	[tilespmem:$0x10080] =	vst v63  }
0x49: {  	v3 =	vld [tilespmem:$0x20];
	_ =	sdelay $0x4  }
0x4a: {  	v62 =	vshll.u32 v3, $0x3  }
0x4b: {  	v3 =	vand.u32 $0x7, v3;
	v4 =	vand.u32 $0xFFFFFFC0, v62  }
0x4c: {  	v3 =	vor.u32 v3, v4  }
0x4d: {  	v4 =	vperm.xlane v3, v0;
	_ =	sdelay $0x1  }
0x4e: {  	v4 =	vadd.s32 v1, v4;
	_ =	sdelay $0x4  }
0x4f: {  	[tilespmem:s15], [sflag:$0x1] =	stream.indirect_vreg.gather [hbm4b:s1+s3], $0x80, v4, vm0, $0xb8;
	[tilespmem:$0x10080] =	vst v63  }
0x50: {  	v3 =	vperm.xlane v3, v2  }
0x51: {  	[tilespmem:s16], [sflag:$0x1] =	stream.indirect_vreg.gather [hbm4b:s4+s3], $0x80, v4, vm0, $0xb8;
	[tilespmem:$0x10080] =	vst v63  }
0x52: {  	v3 =	vadd.s32 v1, v3  }
0x53: {  	[tilespmem:s17], [sflag:$0x1] =	stream.indirect_vreg.gather [hbm4b:s5+s3], $0x80, v4, vm0, $0xb8;
	[tilespmem:$0x10080] =	vst v63  }
0x54: {  	_ = 	snop  }
0x55: {  	[tilespmem:s18], [sflag:$0x1] =	stream.indirect_vreg.gather [hbm4b:s6+s3], $0x80, v4, vm0, $0xb8;
	[tilespmem:$0x10080] =	vst v63  }
0x56: {  	_ = 	snop  }
0x57: {  	[tilespmem:s19], [sflag:$0x1] =	stream.indirect_vreg.gather [hbm4b:s1+s3], $0x80, v3, vm0, $0xb8;
	[tilespmem:$0x10080] =	vst v63  }
0x58: {  	_ = 	snop  }
0x59: {  	[tilespmem:s20], [sflag:$0x1] =	stream.indirect_vreg.gather [hbm4b:s4+s3], $0x80, v3, vm0, $0xb8;
	[tilespmem:$0x10080] =	vst v63  }
0x5a: {  	_ = 	snop  }
0x5b: {  	[tilespmem:s21], [sflag:$0x1] =	stream.indirect_vreg.gather [hbm4b:s5+s3], $0x80, v3, vm0, $0xb8;
	[tilespmem:$0x10080] =	vst v63  }
0x5c: {  	_ = 	snop  }
0x5d: {  	[tilespmem:s22], [sflag:$0x1] =	stream.indirect_vreg.gather [hbm4b:s6+s3], $0x80, v3, vm0, $0xb8;
	[tilespmem:$0x10080] =	vst v63  }
0x5e: {  	v3 =	vld [tilespmem:$0x30];
	_ =	sdelay $0x4  }
0x5f: {  	v63 =	vshll.u32 v3, $0x3  }
0x60: {  	v3 =	vand.u32 $0x7, v3;
	v4 =	vand.u32 $0xFFFFFFC0, v63  }
0x61: {  	v3 =	vor.u32 v3, v4  }
0x62: {  	v4 =	vperm.xlane v3, v0;
	_ =	sdelay $0x1  }
0x63: {  	v4 =	vadd.s32 v1, v4;
	_ =	sdelay $0x4  }
0x64: {  	[tilespmem:s23], [sflag:$0x1] =	stream.indirect_vreg.gather [hbm4b:s1+s3], $0x80, v4, vm0, $0xb8;
	[tilespmem:$0x10080] =	vst v63  }
0x65: {  	v3 =	vperm.xlane v3, v2  }
0x66: {  	[tilespmem:s24], [sflag:$0x1] =	stream.indirect_vreg.gather [hbm4b:s4+s3], $0x80, v4, vm0, $0xb8;
	[tilespmem:$0x10080] =	vst v63  }
0x67: {  	v3 =	vadd.s32 v1, v3  }
0x68: {  	[tilespmem:s25], [sflag:$0x1] =	stream.indirect_vreg.gather [hbm4b:s5+s3], $0x80, v4, vm0, $0xb8;
	[tilespmem:$0x10080] =	vst v63  }
0x69: {  	_ = 	snop  }
0x6a: {  	[tilespmem:s26], [sflag:$0x1] =	stream.indirect_vreg.gather [hbm4b:s6+s3], $0x80, v4, vm0, $0xb8;
	[tilespmem:$0x10080] =	vst v63  }
0x6b: {  	_ = 	snop  }
0x6c: {  	[tilespmem:s28], [sflag:$0x1] =	stream.indirect_vreg.gather [hbm4b:s1+s3], $0x80, v3, vm0, $0xb8;
	[tilespmem:$0x10080] =	vst v63  }
0x6d: {  	_ = 	snop  }
0x6e: {  	[tilespmem:s29], [sflag:$0x1] =	stream.indirect_vreg.gather [hbm4b:s4+s3], $0x80, v3, vm0, $0xb8;
	[tilespmem:$0x10080] =	vst v63  }
0x6f: {  	_ = 	snop  }
0x70: {  	[tilespmem:s30], [sflag:$0x1] =	stream.indirect_vreg.gather [hbm4b:s5+s3], $0x80, v3, vm0, $0xb8;
	[tilespmem:$0x10080] =	vst v63  }
0x71: {  	_ = 	snop  }
0x72: {  	[tilespmem:s31], [sflag:$0x1] =	stream.indirect_vreg.gather [hbm4b:s6+s3], $0x80, v3, vm0, $0xb8;
	[tilespmem:$0x10080] =	vst v63  }
0x73: {  	_ =	swait.ge [sflag:s2], $0x10000  }
0x74: {  	p0 =	sne.s32 s7, $0x1;
	[sflag:s2] =	ssyncset.done $0x0  }
.Ltmp0:
0x75: {  	s10 =	rddreg [dreg:$0x5];
	[sflag:s2] =	ssyncadd.s32 $0xFFFF0000;
	(pc) =	sbr.rel @p0 .LBB2_1-.Ltmp0, $4  }
0x76: {  	[hbm4b:s10+s3] =	stream.linear.scatter [tilespmem:s9], [sflag:$0x2], $0x10000, $0x38;
	[tilespmem:$0x10080] =	vst v63  }
0x77: {  	_ =	swait.ge [sflag:s8], $0x10000  }
0x78: {  	[sflag:s8] =	ssyncset.done $0x0  }
0x79: {  	s7 =	sadd.s32 $0xFFFFFFFF, s7;
	[sflag:s8] =	ssyncadd.s32 $0xFFFF0000  }
0x7a: {  	_ =	sfence.sel $0x180000  }
0x7b: {  	[bflag:$0x0] =	sbarrier.arrive $0xFFFF  }
0x7c: {  	_ =	strace $0x90000047  }
0x7d: {  	s0 =	stileid.u32;
	[bflag:$0x2] =	sbarrier.arrive $0xFFFF  }
0x7e: {  	p0 =	sne.s32 s0, $0x0;
	s0 =	rddreg [dreg:$0x3]  }
0x7f: {  	s0 =	sadd.s32 @!p0 $0x100000, s0  }
0x80: {  	[sflag:s0] =	ssyncadd.tile.s32 @!p0 $0x1;
	_ =	shalt  }
.Lfunc_end2:
_tile_overlayer_lowered:
.L_overlay_start_2:
0x81: {  	(tag) =	ssettag $0x2  }
0x82: {  	s0 =	rddreg [dreg:$0x0];
	s2 =	stileid.u32  }
0x83: {  	s1 =	rddreg [dreg:$0x1];
	p0 =	sne.s32 s2, $0x0  }
0x84: {  	s3 =	rddreg [dreg:$0x2];
	[bflag:$0x3] =	sbarrier.arrive $0xFFFF;
	s2 =	simm.s32 @!p0 $0x1C02  }
0x85: {  	[timem:s3], [sflag:s2] =	dma.local @!p0 [hbm:s0], s1  }
0x86: {  	s0 =	simm.s32 @!p0 $0x2  }
0x87: {  	_ =	swait.ge @!p0 [sflag:s0], s1  }
0x88: {  	s1 =	ssub.s32 @!p0 $0x0, s1;
	[sflag:s0] =	ssyncset.done @!p0 $0x0  }
0x89: {  	[sflag:s0] =	ssyncadd.s32 @!p0 s1  }
0x8a: {  	[bflag:$0x3] =	sbarrier.arrive $0xFFFF  }
0x8b: {  	_ =	shalt  }

</sc_bundles>
